<compile_context>
chip_gen: v7x
topology: tpu7x:2x2x1
jax: 0.10.2.dev20260603
libtpu: 0.0.44.dev20260713+nightly
codegen_flags: <defaults>
</compile_context>

<pallas_src>
import functools

import jax
import jax.numpy as jnp
from jax import lax
from jax.experimental import pallas as pl
from jax.experimental.pallas import tpu as pltpu
from jax.experimental.pallas import tpu_sc as plsc

_N = 50000
_E = 800000
_R = 16
_L = 2
_H = 3 * _R
_DEMB = 16
_NSC = 16
_DROT = 2 * _L * _R
_DOUT = 2 * _R
_DT = 128

_NC = 2
_NS = 16
_NW = _NC * _NS

_CHUNK = 128
_EH = _E // 2
_ROWS_PER_TILE = _N // _NS

_mesh = plsc.VectorSubcoreMesh(core_axis_name="c", subcore_axis_name="s")


def _make_gather(ne):
    chunks = ne // _CHUNK
    iters = -(-chunks // _NW)
    iters += iters % 2

    @functools.partial(
        pl.kernel,
        out_type=jax.ShapeDtypeStruct((ne, _DT), jnp.float32),
        mesh=_mesh,
        scratch_types=[
            pltpu.VMEM((2, _CHUNK), jnp.int32),
            pltpu.VMEM((2, _CHUNK, _DT), jnp.float32),
            pltpu.SemaphoreType.DMA,
            pltpu.SemaphoreType.DMA,
        ],
    )
    def _gather(row_hbm, tbl_hbm, out_hbm, idx_v, rows_v, sem0, sem1):
        wid = lax.axis_index("s") * _NC + lax.axis_index("c")
        sems = (sem0, sem1)

        def start(b, cid):
            pltpu.sync_copy(row_hbm.at[pl.ds(cid * _CHUNK, _CHUNK)],
                            idx_v.at[b])
            pltpu.async_copy(tbl_hbm.at[idx_v.at[b]], rows_v.at[b], sems[b])

        def wait(b):
            pltpu.make_async_copy(tbl_hbm.at[idx_v.at[b]], rows_v.at[b],
                                  sems[b]).wait()

        start(0, wid)

        def outer(t, carry):
            for b in (0, 1):
                j = 2 * t + b
                cidn = (j + 1) * _NW + wid

                @pl.when(cidn < chunks)
                def _():
                    start(1 - b, cidn)

                cid = j * _NW + wid

                @pl.when(cid < chunks)
                def _():
                    wait(b)
                    pltpu.sync_copy(rows_v.at[b],
                                    out_hbm.at[pl.ds(cid * _CHUNK, _CHUNK)])

            return carry

        lax.fori_loop(0, iters // 2, outer, 0)

    return _gather


def _make_scatter(ne):
    chunks = ne // _CHUNK
    iters = -(-(-(-chunks // 2)) // _NS)
    iters += iters % 2

    @functools.partial(
        pl.kernel,
        out_type=jax.ShapeDtypeStruct((_NC, _N, _DOUT), jnp.float32),
        mesh=_mesh,
        scratch_types=[
            pltpu.VMEM((2, _CHUNK), jnp.int32),
            pltpu.VMEM((2, _CHUNK, _DOUT), jnp.float32),
            pltpu.VMEM_SHARED((_N, _DOUT), jnp.float32),
            pltpu.SemaphoreType.DMA,
            pltpu.SemaphoreType.DMA,
        ],
        compiler_params=pltpu.CompilerParams(use_tc_tiling_on_sc=False),
    )
    def _scatter(col_hbm, xout_hbm, zero_hbm, part_hbm, idx_v, rows_v, acc,
                 sem0, sem1):
        c = lax.axis_index("c")
        s = lax.axis_index("s")
        sems = (sem0, sem1)
        r0 = s * _ROWS_PER_TILE
        pltpu.sync_copy(zero_hbm.at[pl.ds(r0, _ROWS_PER_TILE)],
                        acc.at[pl.ds(r0, _ROWS_PER_TILE)])
        plsc.subcore_barrier()

        def start(b, gcid):
            base = gcid * _CHUNK
            pltpu.sync_copy(col_hbm.at[pl.ds(base, _CHUNK)], idx_v.at[b])
            pltpu.async_copy(xout_hbm.at[pl.ds(base, _CHUNK)], rows_v.at[b],
                             sems[b])

        def wait(b, gcid):
            base = gcid * _CHUNK
            pltpu.make_async_copy(xout_hbm.at[pl.ds(base, _CHUNK)],
                                  rows_v.at[b], sems[b]).wait()

        start(0, s * _NC + c)

        def outer(t, carry):
            for b in (0, 1):
                j = 2 * t + b
                gcidn = ((j + 1) * _NS + s) * _NC + c

                @pl.when(gcidn < chunks)
                def _():
                    start(1 - b, gcidn)

                gcid = (j * _NS + s) * _NC + c

                @pl.when(gcid < chunks)
                def _():
                    wait(b, gcid)
                    pltpu.sync_copy(rows_v.at[b], acc.at[idx_v.at[b]],
                                    add=True)

            return carry

        lax.fori_loop(0, iters // 2, outer, 0)
        plsc.subcore_barrier()
        pltpu.sync_copy(acc.at[pl.ds(r0, _ROWS_PER_TILE)],
                        part_hbm.at[c, pl.ds(r0, _ROWS_PER_TILE)])

    return _scatter


_BE = 4000


def _mlp_body(gthr_ref, demb_ref, wxd_ref, b_ref, mrot_ref, m2_ref, out_ref):
    gt = gthr_ref[...].astype(jnp.bfloat16)
    xr = gt[:, :_DROT]
    sc = jnp.concatenate(
        [gt[:, _DROT:_DROT + _NSC], demb_ref[...]], axis=1)
    z = (jnp.dot(sc, wxd_ref[...], preferred_element_type=jnp.float32)
         + b_ref[...])
    g = z * jax.nn.sigmoid(z)
    h2 = jnp.dot(xr, mrot_ref[...], preferred_element_type=jnp.float32)
    res = jnp.dot((h2 * g).astype(jnp.bfloat16), m2_ref[...],
                  preferred_element_type=jnp.float32)
    q = _BE // 4
    out_ref[...] = jnp.concatenate(
        [res[0:q], res[q:2 * q], res[2 * q:3 * q], res[3 * q:4 * q]], axis=1)


def _make_mlp(ne):
    return pl.pallas_call(
        _mlp_body,
        grid=(ne // _BE,),
        in_specs=[
            pl.BlockSpec((_BE, _DT), lambda i: (i, 0)),
            pl.BlockSpec((_BE, _DEMB), lambda i: (i, 0)),
            pl.BlockSpec((_NSC + _DEMB, 4 * _H), lambda i: (0, 0)),
            pl.BlockSpec((1, 4 * _H), lambda i: (0, 0)),
            pl.BlockSpec((_DROT, 4 * _H), lambda i: (0, 0)),
            pl.BlockSpec((4 * _H, _DOUT), lambda i: (0, 0)),
        ],
        out_specs=pl.BlockSpec((_BE // 4, 128), lambda i: (i, 0)),
        out_shape=jax.ShapeDtypeStruct((ne // 4, 128), jnp.float32),
    )


def _add4_body(a_ref, b_ref, c_ref, d_ref, o_ref):
    o_ref[...] = ((a_ref[...] + b_ref[...]) + (c_ref[...] + d_ref[...]))


_BN = 2000

_combine = pl.pallas_call(
    _add4_body,
    grid=(_N // _BN,),
    in_specs=[pl.BlockSpec((_BN, _DOUT), lambda i: (i, 0))] * 4,
    out_specs=pl.BlockSpec((_BN, _DOUT), lambda i: (i, 0)),
    out_shape=jax.ShapeDtypeStruct((_N, _DOUT), jnp.float32),
)

_gather_h = _make_gather(_EH)
_scatter_h = _make_scatter(_EH)
_mlp_h = _make_mlp(_EH)


def _perm_col(col_h):
    q = _BE // 4
    return col_h.reshape(-1, 4, q).transpose(0, 2, 1).reshape(col_h.shape)


def kernel(x_scalar, x_rot, edge_index, distance_embedding, rot,
           W_rot, W_s1, b_s1, W_out):
    del rot
    row = edge_index[0]
    col = edge_index[1]
    tbl = jnp.concatenate(
        [x_rot.reshape(_N, _DROT), x_scalar,
         jnp.zeros((_N, _DT - _DROT - _NSC), jnp.float32)], axis=1)

    mrot = jnp.kron(W_rot, jnp.eye(4, dtype=jnp.float32))
    ws1e = jnp.broadcast_to(
        W_s1.reshape(_DEMB + _NSC, _H, _L, 1),
        (_DEMB + _NSC, _H, _L, 2)).reshape(_DEMB + _NSC, 4 * _H)
    be = jnp.broadcast_to(b_s1.reshape(_H, _L, 1),
                          (_H, _L, 2)).reshape(1, 4 * _H)
    m2 = jnp.einsum("hlo,cd->hlcod", W_out,
                    jnp.eye(2, dtype=jnp.float32)).reshape(4 * _H, _DOUT)
    wxd = jnp.concatenate([ws1e[_DEMB:], ws1e[:_DEMB]], axis=0)
    wxd16 = wxd.astype(jnp.bfloat16)
    mrot16 = mrot.astype(jnp.bfloat16)
    m216 = m2.astype(jnp.bfloat16)

    zeros = jnp.zeros((_N, _DOUT), jnp.float32)

    demb16 = distance_embedding.astype(jnp.bfloat16)
    gthr0 = _gather_h(row[:_EH], tbl)
    gthr1 = _gather_h(row[_EH:], tbl)
    xout0 = _mlp_h(gthr0, demb16[:_EH], wxd16, be, mrot16, m216)
    xout1 = _mlp_h(gthr1, demb16[_EH:], wxd16, be, mrot16, m216)
    parts0 = _scatter_h(_perm_col(col[:_EH]), xout0.reshape(_EH, _DOUT),
                        zeros)
    parts1 = _scatter_h(_perm_col(col[_EH:]), xout1.reshape(_EH, _DOUT),
                        zeros)

    mess = _combine(parts0[0], parts0[1], parts1[0], parts1[1])
    return (x_scalar, mess.reshape(_N, _R, 2))

# --- scband reference (transcript-rebuilt; emitter-appended) ---
"""Pipeline reference for scband-eq-layer-escnn-88656714925232 (READ-ONLY COPY).

The authoritative reference and input builder live on the scoring server;
editing this copy changes nothing except your own understanding.
"""

import jax, jax.numpy as jnp
import numpy as np

N = 50000
E = 800000
R = 16      # num_rep
L = 2       # L_max
H = 3 * R   # hidden width of SO2 message MLP (num_rep*3)
DEMB = 16   # dist_emb_dim
NSC = 16    # n_scalars


def setup_inputs(seed: int = 0) -> dict:
    key = jax.random.key(seed)
    ks = jax.random.split(key, 10)
    x_scalar = jax.random.normal(ks[0], (N, NSC), dtype=jnp.float32)
    x_rot = jax.random.normal(ks[1], (N, R, 2 * L), dtype=jnp.float32)
    edge_index = jax.random.randint(ks[2], (2, E), 0, N, dtype=jnp.int32)
    distance_embedding = jax.random.normal(ks[3], (E, DEMB), dtype=jnp.float32)
    rot = jax.random.normal(ks[4], (E, L, 2, 2), dtype=jnp.float32)
    # Learned parameters of SO2MLP_escnn_mess (equivariant gated MLP):
    # channel-mixing per frequency + invariant-scalar gating + output projection
    W_rot = jax.random.normal(ks[5], (R, H), dtype=jnp.float32) * 0.1
    W_s1 = jax.random.normal(ks[6], (DEMB + NSC, H * L), dtype=jnp.float32) * 0.1
    b_s1 = jnp.zeros((H * L,), dtype=jnp.float32)
    W_out = jax.random.normal(ks[7], (H, L, R), dtype=jnp.float32) * 0.1
    return {
        "x_scalar": x_scalar,
        "x_rot": x_rot,
        "edge_index": edge_index,
        "distance_embedding": distance_embedding,
        "rot": rot,
        "W_rot": W_rot,
        "W_s1": W_s1,
        "b_s1": b_s1,
        "W_out": W_out,
    }


def reference(x_scalar, x_rot, edge_index, distance_embedding, rot,
              W_rot, W_s1, b_s1, W_out):
    row = edge_index[0]
    col = edge_index[1]
    # gather source-node features per edge
    x_src_rot = jnp.take(x_rot, row, axis=0)                      # [E, R, 2L]
    scalars = jnp.concatenate(
        [distance_embedding, jnp.take(x_scalar, row, axis=0)], axis=1)  # [E, DEMB+NSC]
    # SO2 message MLP
    xr = x_src_rot.reshape(E, R, L, 2)                            # [E, R, L, 2]
    h = jnp.einsum('erlc,rh->ehlc', xr, W_rot)                    # [E, H, L, 2]
    g = jax.nn.silu(scalars @ W_s1 + b_s1).reshape(E, H, L)       # [E, H, L]
    h = h * g[..., None]
    out = jnp.einsum('ehlc,hlo->eoc', h, W_out)                   # [E, R, 2]
    x_out = out.reshape(E, R * 2)
    # scatter-add messages onto destination nodes
    mess = jnp.zeros((N, R * 2), dtype=x_out.dtype).at[col].add(x_out)
    mess_rot = mess.reshape(-1, R, 2)
    return (x_scalar, mess_rot)

if __name__ == "__main__":
    import jax
    _d = setup_inputs()
    print(jax.jit(kernel)(*tuple(_d.values())))

</pallas_src>

<mosaic_0001>
#map = affine_map<(d0, d1) -> (0)>
#map1 = affine_map<(d0, d1) -> (0, 0)>
#map2 = affine_map<(d0, d1) -> (0, 0, 0)>
module attributes {stable_mosaic.version = 14 : i64} {
  func.func @_scatter(%arg0: i32, %arg1: i32, %arg2: memref<400000xi32, #tpu.memory_space<hbm>>, %arg3: memref<400000x32xf32, #tpu.memory_space<hbm>>, %arg4: memref<50000x32xf32, #tpu.memory_space<hbm>>, %arg5: memref<2x50000x32xf32, #tpu.memory_space<hbm>>, %arg6: memref<2x128xi32, #tpu.memory_space<vmem>>, %arg7: memref<2x128x32xf32, #tpu.memory_space<vmem>>, %arg8: memref<50000x32xf32, #tpu.memory_space<vmem_shared>>, %arg9: memref<!tpu.dma_semaphore, #tpu.memory_space<semaphore_mem>>, %arg10: memref<!tpu.dma_semaphore, #tpu.memory_space<semaphore_mem>>) attributes {dimension_semantics = [#tpu.dimension_semantics<core_parallel>, #tpu.dimension_semantics<subcore_parallel>], iteration_bounds = array<i64: 2, 16>, scalar_prefetch = 0 : i64, scratch_operands = 5 : i64, tpu.core_type = #tpu.core_type<sc_vector_subcore>, window_params = [{transform_indices = #map}, {transform_indices = #map1}, {transform_indices = #map1}, {transform_indices = #map2}]} {
    %mul3A = arith.constant 3125 : i32
    %mul3A_0 = arith.muli %arg1, %mul3A : i32
    "tpu.region"() ({
      %run_scoped3A_23 = tpu.sem_alloc : memref<!tpu.dma_semaphore, #tpu.memory_space<semaphore_mem>>
      %dma_start3A_24 = arith.constant 0 : i32
      %dma_start3A_25 = tpu.memref_slice %arg8[%mul3A_0, %dma_start3A_24] : memref<50000x32xf32, #tpu.memory_space<vmem_shared>> -> memref<3125x32xf32, #tpu.memory_space<vmem_shared>>
      %dma_start3A_26 = arith.constant 0 : i32
      %dma_start3A_27 = tpu.memref_slice %arg4[%mul3A_0, %dma_start3A_26] : memref<50000x32xf32, #tpu.memory_space<hbm>> -> memref<3125x32xf32, #tpu.memory_space<hbm>>
      tpu.enqueue_dma source(%dma_start3A_27 : memref<3125x32xf32, #tpu.memory_space<hbm>>) target(%dma_start3A_25 : memref<3125x32xf32, #tpu.memory_space<vmem_shared>>) target_semaphore(%run_scoped3A_23 : memref<!tpu.dma_semaphore, #tpu.memory_space<semaphore_mem>>)
      %dma_wait3A = arith.constant 0 : i32
      %dma_wait3A_28 = tpu.memref_slice %arg8[%mul3A_0, %dma_wait3A] : memref<50000x32xf32, #tpu.memory_space<vmem_shared>> -> memref<3125x32xf32, #tpu.memory_space<vmem_shared>>
      %dma_wait3A_29 = arith.constant 0 : i32
      %dma_wait3A_30 = tpu.memref_slice %arg4[%mul3A_0, %dma_wait3A_29] : memref<50000x32xf32, #tpu.memory_space<hbm>> -> memref<3125x32xf32, #tpu.memory_space<hbm>>
      tpu.wait_dma2 semaphore(%run_scoped3A_23 : memref<!tpu.dma_semaphore, #tpu.memory_space<semaphore_mem>>) src(%dma_wait3A_30 : memref<3125x32xf32, #tpu.memory_space<hbm>>) dst(%dma_wait3A_28 : memref<3125x32xf32, #tpu.memory_space<vmem_shared>>)
      tpu.yield
    }) : () -> ()
    %barrier3A = arith.constant 0 : index
    tpu.barrier barrier_id(%barrier3A)
    %mul3A_1 = arith.constant 2 : i32
    %mul3A_2 = arith.muli %arg1, %mul3A_1 : i32
    %add3A = arith.addi %mul3A_2, %arg0 : i32
    %mul3A_3 = arith.constant 128 : i32
    %mul3A_4 = arith.muli %add3A, %mul3A_3 : i32
    %run_scoped3A = arith.constant 0 : i32
    "tpu.region"() ({
      %run_scoped3A_23 = tpu.sem_alloc : memref<!tpu.dma_semaphore, #tpu.memory_space<semaphore_mem>>
      %dma_start3A_24 = arith.constant 0 : i32
      %dma_start3A_25 = tpu.memref_slice %arg6[%run_scoped3A, %dma_start3A_24] : memref<2x128xi32, #tpu.memory_space<vmem>> -> memref<1x128xi32, #tpu.memory_space<vmem>>
      %dma_start3A_26 = tpu.memref_squeeze %dma_start3A_25 : memref<1x128xi32, #tpu.memory_space<vmem>> -> memref<128xi32, #tpu.memory_space<vmem>>
      %dma_start3A_27 = tpu.memref_slice %arg2[%mul3A_4] : memref<400000xi32, #tpu.memory_space<hbm>> -> memref<128xi32, #tpu.memory_space<hbm>>
      %dma_start3A_28 = arith.constant 0 : i32
      %dma_start3A_29 = tpu.memref_slice %arg6[%run_scoped3A, %dma_start3A_28] : memref<2x128xi32, #tpu.memory_space<vmem>> -> memref<1x128xi32, #tpu.memory_space<vmem>>
      %dma_start3A_30 = tpu.memref_squeeze %dma_start3A_29 : memref<1x128xi32, #tpu.memory_space<vmem>> -> memref<128xi32, #tpu.memory_space<vmem>>
      %dma_start3A_31 = tpu.memref_slice %arg2[%mul3A_4] : memref<400000xi32, #tpu.memory_space<hbm>> -> memref<128xi32, #tpu.memory_space<hbm>>
      tpu.enqueue_dma source(%dma_start3A_31 : memref<128xi32, #tpu.memory_space<hbm>>) target(%dma_start3A_30 : memref<128xi32, #tpu.memory_space<vmem>>) target_semaphore(%run_scoped3A_23 : memref<!tpu.dma_semaphore, #tpu.memory_space<semaphore_mem>>)
      %dma_wait3A = arith.constant 0 : i32
      %dma_wait3A_32 = tpu.memref_slice %arg6[%run_scoped3A, %dma_wait3A] : memref<2x128xi32, #tpu.memory_space<vmem>> -> memref<1x128xi32, #tpu.memory_space<vmem>>
      %dma_wait3A_33 = tpu.memref_squeeze %dma_wait3A_32 : memref<1x128xi32, #tpu.memory_space<vmem>> -> memref<128xi32, #tpu.memory_space<vmem>>
      %dma_wait3A_34 = tpu.memref_slice %arg2[%mul3A_4] : memref<400000xi32, #tpu.memory_space<hbm>> -> memref<128xi32, #tpu.memory_space<hbm>>
      %dma_wait3A_35 = arith.constant 0 : i32
      %dma_wait3A_36 = tpu.memref_slice %arg6[%run_scoped3A, %dma_wait3A_35] : memref<2x128xi32, #tpu.memory_space<vmem>> -> memref<1x128xi32, #tpu.memory_space<vmem>>
      %dma_wait3A_37 = tpu.memref_squeeze %dma_wait3A_36 : memref<1x128xi32, #tpu.memory_space<vmem>> -> memref<128xi32, #tpu.memory_space<vmem>>
      %dma_wait3A_38 = tpu.memref_slice %arg2[%mul3A_4] : memref<400000xi32, #tpu.memory_space<hbm>> -> memref<128xi32, #tpu.memory_space<hbm>>
      tpu.wait_dma2 semaphore(%run_scoped3A_23 : memref<!tpu.dma_semaphore, #tpu.memory_space<semaphore_mem>>) src(%dma_wait3A_38 : memref<128xi32, #tpu.memory_space<hbm>>) dst(%dma_wait3A_37 : memref<128xi32, #tpu.memory_space<vmem>>)
      tpu.yield
    }) : () -> ()
    %dma_start3A = arith.constant 0 : i32
    %dma_start3A_5 = arith.constant 0 : i32
    %dma_start3A_6 = arith.constant 0 : i32
    %dma_start3A_7 = tpu.memref_slice %arg7[%dma_start3A, %dma_start3A_5, %dma_start3A_6] : memref<2x128x32xf32, #tpu.memory_space<vmem>> -> memref<1x128x32xf32, #tpu.memory_space<vmem>>
    %dma_start3A_8 = tpu.memref_squeeze %dma_start3A_7 : memref<1x128x32xf32, #tpu.memory_space<vmem>> -> memref<128x32xf32, #tpu.memory_space<vmem>>
    %dma_start3A_9 = arith.constant 0 : i32
    %dma_start3A_10 = tpu.memref_slice %arg3[%mul3A_4, %dma_start3A_9] : memref<400000x32xf32, #tpu.memory_space<hbm>> -> memref<128x32xf32, #tpu.memory_space<hbm>>
    %dma_start3A_11 = arith.constant 0 : i32
    %dma_start3A_12 = arith.constant 0 : i32
    %dma_start3A_13 = tpu.memref_slice %arg7[%dma_start3A, %dma_start3A_11, %dma_start3A_12] : memref<2x128x32xf32, #tpu.memory_space<vmem>> -> memref<1x128x32xf32, #tpu.memory_space<vmem>>
    %dma_start3A_14 = tpu.memref_squeeze %dma_start3A_13 : memref<1x128x32xf32, #tpu.memory_space<vmem>> -> memref<128x32xf32, #tpu.memory_space<vmem>>
    %dma_start3A_15 = arith.constant 0 : i32
    %dma_start3A_16 = tpu.memref_slice %arg3[%mul3A_4, %dma_start3A_15] : memref<400000x32xf32, #tpu.memory_space<hbm>> -> memref<128x32xf32, #tpu.memory_space<hbm>>
    tpu.enqueue_dma source(%dma_start3A_16 : memref<128x32xf32, #tpu.memory_space<hbm>>) target(%dma_start3A_14 : memref<128x32xf32, #tpu.memory_space<vmem>>) target_semaphore(%arg9 : memref<!tpu.dma_semaphore, #tpu.memory_space<semaphore_mem>>)
    %scan3A = arith.constant 0 : i32
    %scan3A_17 = arith.constant 0 : i32
    %scan3A_18 = arith.constant 49 : i32
    %scan3A_19 = arith.addi %scan3A_17, %scan3A_18 : i32
    %scan3A_20 = arith.constant 1 : i32
    scf.for %scan3A_23 = %scan3A_17 to %scan3A_19 step %scan3A_20  : i32 {
      %mul3A_24 = arith.constant 2 : i32
      %mul3A_25 = arith.muli %mul3A_24, %scan3A_23 : i32
      %add3A_26 = arith.constant 0 : i32
      %add3A_27 = arith.addi %mul3A_25, %add3A_26 : i32
      %add3A_28 = arith.constant 1 : i32
      %add3A_29 = arith.addi %add3A_27, %add3A_28 : i32
      %mul3A_30 = arith.constant 16 : i32
      %mul3A_31 = arith.muli %add3A_29, %mul3A_30 : i32
      %add3A_32 = arith.addi %mul3A_31, %arg1 : i32
      %mul3A_33 = arith.constant 2 : i32
      %mul3A_34 = arith.muli %add3A_32, %mul3A_33 : i32
      %add3A_35 = arith.addi %mul3A_34, %arg0 : i32
      %lt3A = arith.constant 3125 : i32
      %lt3A_36 = arith.cmpi slt, %add3A_35, %lt3A : i32
      %convert_element_type3A = arith.extui %lt3A_36 : i1 to i32
      %cond3A = arith.constant 0 : i32
      %cond3A_37 = arith.cmpi ne, %convert_element_type3A, %cond3A : i32
      scf.if %cond3A_37 {
        %mul3A_77 = arith.constant 128 : i32
        %mul3A_78 = arith.muli %add3A_35, %mul3A_77 : i32
        %run_scoped3A_79 = arith.constant 1 : i32
        "tpu.region"() ({
          %run_scoped3A_93 = tpu.sem_alloc : memref<!tpu.dma_semaphore, #tpu.memory_space<semaphore_mem>>
          %dma_start3A_94 = arith.constant 0 : i32
          %dma_start3A_95 = tpu.memref_slice %arg6[%run_scoped3A_79, %dma_start3A_94] : memref<2x128xi32, #tpu.memory_space<vmem>> -> memref<1x128xi32, #tpu.memory_space<vmem>>
          %dma_start3A_96 = tpu.memref_squeeze %dma_start3A_95 : memref<1x128xi32, #tpu.memory_space<vmem>> -> memref<128xi32, #tpu.memory_space<vmem>>
          %dma_start3A_97 = tpu.memref_slice %arg2[%mul3A_78] : memref<400000xi32, #tpu.memory_space<hbm>> -> memref<128xi32, #tpu.memory_space<hbm>>
          %dma_start3A_98 = arith.constant 0 : i32
          %dma_start3A_99 = tpu.memref_slice %arg6[%run_scoped3A_79, %dma_start3A_98] : memref<2x128xi32, #tpu.memory_space<vmem>> -> memref<1x128xi32, #tpu.memory_space<vmem>>
          %dma_start3A_100 = tpu.memref_squeeze %dma_start3A_99 : memref<1x128xi32, #tpu.memory_space<vmem>> -> memref<128xi32, #tpu.memory_space<vmem>>
          %dma_start3A_101 = tpu.memref_slice %arg2[%mul3A_78] : memref<400000xi32, #tpu.memory_space<hbm>> -> memref<128xi32, #tpu.memory_space<hbm>>
          tpu.enqueue_dma source(%dma_start3A_101 : memref<128xi32, #tpu.memory_space<hbm>>) target(%dma_start3A_100 : memref<128xi32, #tpu.memory_space<vmem>>) target_semaphore(%run_scoped3A_93 : memref<!tpu.dma_semaphore, #tpu.memory_space<semaphore_mem>>)
          %dma_wait3A = arith.constant 0 : i32
          %dma_wait3A_102 = tpu.memref_slice %arg6[%run_scoped3A_79, %dma_wait3A] : memref<2x128xi32, #tpu.memory_space<vmem>> -> memref<1x128xi32, #tpu.memory_space<vmem>>
          %dma_wait3A_103 = tpu.memref_squeeze %dma_wait3A_102 : memref<1x128xi32, #tpu.memory_space<vmem>> -> memref<128xi32, #tpu.memory_space<vmem>>
          %dma_wait3A_104 = tpu.memref_slice %arg2[%mul3A_78] : memref<400000xi32, #tpu.memory_space<hbm>> -> memref<128xi32, #tpu.memory_space<hbm>>
          %dma_wait3A_105 = arith.constant 0 : i32
          %dma_wait3A_106 = tpu.memref_slice %arg6[%run_scoped3A_79, %dma_wait3A_105] : memref<2x128xi32, #tpu.memory_space<vmem>> -> memref<1x128xi32, #tpu.memory_space<vmem>>
          %dma_wait3A_107 = tpu.memref_squeeze %dma_wait3A_106 : memref<1x128xi32, #tpu.memory_space<vmem>> -> memref<128xi32, #tpu.memory_space<vmem>>
          %dma_wait3A_108 = tpu.memref_slice %arg2[%mul3A_78] : memref<400000xi32, #tpu.memory_space<hbm>> -> memref<128xi32, #tpu.memory_space<hbm>>
          tpu.wait_dma2 semaphore(%run_scoped3A_93 : memref<!tpu.dma_semaphore, #tpu.memory_space<semaphore_mem>>) src(%dma_wait3A_108 : memref<128xi32, #tpu.memory_space<hbm>>) dst(%dma_wait3A_107 : memref<128xi32, #tpu.memory_space<vmem>>)
          tpu.yield
        }) : () -> ()
        %dma_start3A_80 = arith.constant 1 : i32
        %dma_start3A_81 = arith.constant 0 : i32
        %dma_start3A_82 = arith.constant 0 : i32
        %dma_start3A_83 = tpu.memref_slice %arg7[%dma_start3A_80, %dma_start3A_81, %dma_start3A_82] : memref<2x128x32xf32, #tpu.memory_space<vmem>> -> memref<1x128x32xf32, #tpu.memory_space<vmem>>
        %dma_start3A_84 = tpu.memref_squeeze %dma_start3A_83 : memref<1x128x32xf32, #tpu.memory_space<vmem>> -> memref<128x32xf32, #tpu.memory_space<vmem>>
        %dma_start3A_85 = arith.constant 0 : i32
        %dma_start3A_86 = tpu.memref_slice %arg3[%mul3A_78, %dma_start3A_85] : memref<400000x32xf32, #tpu.memory_space<hbm>> -> memref<128x32xf32, #tpu.memory_space<hbm>>
        %dma_start3A_87 = arith.constant 0 : i32
        %dma_start3A_88 = arith.constant 0 : i32
        %dma_start3A_89 = tpu.memref_slice %arg7[%dma_start3A_80, %dma_start3A_87, %dma_start3A_88] : memref<2x128x32xf32, #tpu.memory_space<vmem>> -> memref<1x128x32xf32, #tpu.memory_space<vmem>>
        %dma_start3A_90 = tpu.memref_squeeze %dma_start3A_89 : memref<1x128x32xf32, #tpu.memory_space<vmem>> -> memref<128x32xf32, #tpu.memory_space<vmem>>
        %dma_start3A_91 = arith.constant 0 : i32
        %dma_start3A_92 = tpu.memref_slice %arg3[%mul3A_78, %dma_start3A_91] : memref<400000x32xf32, #tpu.memory_space<hbm>> -> memref<128x32xf32, #tpu.memory_space<hbm>>
        tpu.enqueue_dma source(%dma_start3A_92 : memref<128x32xf32, #tpu.memory_space<hbm>>) target(%dma_start3A_90 : memref<128x32xf32, #tpu.memory_space<vmem>>) target_semaphore(%arg10 : memref<!tpu.dma_semaphore, #tpu.memory_space<semaphore_mem>>)
      } else {
      }
      %mul3A_38 = arith.constant 16 : i32
      %mul3A_39 = arith.muli %add3A_27, %mul3A_38 : i32
      %add3A_40 = arith.addi %mul3A_39, %arg1 : i32
      %mul3A_41 = arith.constant 2 : i32
      %mul3A_42 = arith.muli %add3A_40, %mul3A_41 : i32
      %add3A_43 = arith.addi %mul3A_42, %arg0 : i32
      %lt3A_44 = arith.constant 3125 : i32
      %lt3A_45 = arith.cmpi slt, %add3A_43, %lt3A_44 : i32
      %convert_element_type3A_46 = arith.extui %lt3A_45 : i1 to i32
      %cond3A_47 = arith.constant 0 : i32
      %cond3A_48 = arith.cmpi ne, %convert_element_type3A_46, %cond3A_47 : i32
      scf.if %cond3A_48 {
        %mul3A_77 = arith.constant 128 : i32
        %mul3A_78 = arith.muli %add3A_43, %mul3A_77 : i32
        %dma_wait3A = arith.constant 0 : i32
        %dma_wait3A_79 = arith.constant 0 : i32
        %dma_wait3A_80 = arith.constant 0 : i32
        %dma_wait3A_81 = tpu.memref_slice %arg7[%dma_wait3A, %dma_wait3A_79, %dma_wait3A_80] : memref<2x128x32xf32, #tpu.memory_space<vmem>> -> memref<1x128x32xf32, #tpu.memory_space<vmem>>
        %dma_wait3A_82 = tpu.memref_squeeze %dma_wait3A_81 : memref<1x128x32xf32, #tpu.memory_space<vmem>> -> memref<128x32xf32, #tpu.memory_space<vmem>>
        %dma_wait3A_83 = arith.constant 0 : i32
        %dma_wait3A_84 = tpu.memref_slice %arg3[%mul3A_78, %dma_wait3A_83] : memref<400000x32xf32, #tpu.memory_space<hbm>> -> memref<128x32xf32, #tpu.memory_space<hbm>>
        %dma_wait3A_85 = arith.constant 0 : i32
        %dma_wait3A_86 = arith.constant 0 : i32
        %dma_wait3A_87 = tpu.memref_slice %arg7[%dma_wait3A, %dma_wait3A_85, %dma_wait3A_86] : memref<2x128x32xf32, #tpu.memory_space<vmem>> -> memref<1x128x32xf32, #tpu.memory_space<vmem>>
        %dma_wait3A_88 = tpu.memref_squeeze %dma_wait3A_87 : memref<1x128x32xf32, #tpu.memory_space<vmem>> -> memref<128x32xf32, #tpu.memory_space<vmem>>
        %dma_wait3A_89 = arith.constant 0 : i32
        %dma_wait3A_90 = tpu.memref_slice %arg3[%mul3A_78, %dma_wait3A_89] : memref<400000x32xf32, #tpu.memory_space<hbm>> -> memref<128x32xf32, #tpu.memory_space<hbm>>
        tpu.wait_dma2 semaphore(%arg9 : memref<!tpu.dma_semaphore, #tpu.memory_space<semaphore_mem>>) src(%dma_wait3A_90 : memref<128x32xf32, #tpu.memory_space<hbm>>) dst(%dma_wait3A_88 : memref<128x32xf32, #tpu.memory_space<vmem>>)
        %run_scoped3A_91 = arith.constant 0 : i32
        %run_scoped3A_92 = arith.constant 0 : i32
        "tpu.region"() ({
          %run_scoped3A_93 = tpu.sem_alloc : memref<!tpu.dma_semaphore, #tpu.memory_space<semaphore_mem>>
          %dma_start3A_94 = arith.constant 0 : i32
          %dma_start3A_95 = arith.constant 0 : i32
          %dma_start3A_96 = tpu.memref_slice %arg7[%run_scoped3A_91, %dma_start3A_94, %dma_start3A_95] : memref<2x128x32xf32, #tpu.memory_space<vmem>> -> memref<1x128x32xf32, #tpu.memory_space<vmem>>
          %dma_start3A_97 = tpu.memref_squeeze %dma_start3A_96 : memref<1x128x32xf32, #tpu.memory_space<vmem>> -> memref<128x32xf32, #tpu.memory_space<vmem>>
          %dma_start3A_98 = arith.constant 0 : i32
          %dma_start3A_99 = tpu.memref_slice %arg6[%run_scoped3A_92, %dma_start3A_98] : memref<2x128xi32, #tpu.memory_space<vmem>> -> memref<1x128xi32, #tpu.memory_space<vmem>>
          %dma_start3A_100 = tpu.memref_squeeze %dma_start3A_99 : memref<1x128xi32, #tpu.memory_space<vmem>> -> memref<128xi32, #tpu.memory_space<vmem>>
          %dma_start3A_101 = arith.constant 0 : i32
          %dma_start3A_102 = arith.constant 0 : i32
          %dma_start3A_103 = tpu.memref_slice %arg8[%dma_start3A_101, %dma_start3A_102] : memref<50000x32xf32, #tpu.memory_space<vmem_shared>> -> memref<50000x32xf32, #tpu.memory_space<vmem_shared>>
          tpu.enqueue_indirect_dma source(%dma_start3A_97 : memref<128x32xf32, #tpu.memory_space<vmem>>) target(%dma_start3A_103 : memref<50000x32xf32, #tpu.memory_space<vmem_shared>>) offsets(%dma_start3A_100 : memref<128xi32, #tpu.memory_space<vmem>>) semaphore(%run_scoped3A_93 : memref<!tpu.dma_semaphore, #tpu.memory_space<semaphore_mem>>) {add = true}
          %dma_wait3A_104 = arith.constant 0 : i32
          %dma_wait3A_105 = arith.constant 0 : i32
          %dma_wait3A_106 = tpu.memref_slice %arg7[%run_scoped3A_91, %dma_wait3A_104, %dma_wait3A_105] : memref<2x128x32xf32, #tpu.memory_space<vmem>> -> memref<1x128x32xf32, #tpu.memory_space<vmem>>
          %dma_wait3A_107 = tpu.memref_squeeze %dma_wait3A_106 : memref<1x128x32xf32, #tpu.memory_space<vmem>> -> memref<128x32xf32, #tpu.memory_space<vmem>>
          %dma_wait3A_108 = arith.constant 0 : i32
          %dma_wait3A_109 = tpu.memref_slice %arg6[%run_scoped3A_92, %dma_wait3A_108] : memref<2x128xi32, #tpu.memory_space<vmem>> -> memref<1x128xi32, #tpu.memory_space<vmem>>
          %dma_wait3A_110 = tpu.memref_squeeze %dma_wait3A_109 : memref<1x128xi32, #tpu.memory_space<vmem>> -> memref<128xi32, #tpu.memory_space<vmem>>
          %dma_wait3A_111 = arith.constant 0 : i32
          %dma_wait3A_112 = arith.constant 0 : i32
          %dma_wait3A_113 = tpu.memref_slice %arg8[%dma_wait3A_111, %dma_wait3A_112] : memref<50000x32xf32, #tpu.memory_space<vmem_shared>> -> memref<50000x32xf32, #tpu.memory_space<vmem_shared>>
          tpu.wait_indirect_dma semaphore(%run_scoped3A_93 : memref<!tpu.dma_semaphore, #tpu.memory_space<semaphore_mem>>) src(%dma_wait3A_107 : memref<128x32xf32, #tpu.memory_space<vmem>>) dst(%dma_wait3A_113 : memref<50000x32xf32, #tpu.memory_space<vmem_shared>>)
          tpu.yield
        }) : () -> ()
      } else {
      }
      %mul3A_49 = arith.constant 2 : i32
      %mul3A_50 = arith.muli %mul3A_49, %scan3A_23 : i32
      %add3A_51 = arith.constant 1 : i32
      %add3A_52 = arith.addi %mul3A_50, %add3A_51 : i32
      %add3A_53 = arith.constant 1 : i32
      %add3A_54 = arith.addi %add3A_52, %add3A_53 : i32
      %mul3A_55 = arith.constant 16 : i32
      %mul3A_56 = arith.muli %add3A_54, %mul3A_55 : i32
      %add3A_57 = arith.addi %mul3A_56, %arg1 : i32
      %mul3A_58 = arith.constant 2 : i32
      %mul3A_59 = arith.muli %add3A_57, %mul3A_58 : i32
      %add3A_60 = arith.addi %mul3A_59, %arg0 : i32
      %lt3A_61 = arith.constant 3125 : i32
      %lt3A_62 = arith.cmpi slt, %add3A_60, %lt3A_61 : i32
      %convert_element_type3A_63 = arith.extui %lt3A_62 : i1 to i32
      %cond3A_64 = arith.constant 0 : i32
      %cond3A_65 = arith.cmpi ne, %convert_element_type3A_63, %cond3A_64 : i32
      scf.if %cond3A_65 {
        %mul3A_77 = arith.constant 128 : i32
        %mul3A_78 = arith.muli %add3A_60, %mul3A_77 : i32
        %run_scoped3A_79 = arith.constant 0 : i32
        "tpu.region"() ({
          %run_scoped3A_93 = tpu.sem_alloc : memref<!tpu.dma_semaphore, #tpu.memory_space<semaphore_mem>>
          %dma_start3A_94 = arith.constant 0 : i32
          %dma_start3A_95 = tpu.memref_slice %arg6[%run_scoped3A_79, %dma_start3A_94] : memref<2x128xi32, #tpu.memory_space<vmem>> -> memref<1x128xi32, #tpu.memory_space<vmem>>
          %dma_start3A_96 = tpu.memref_squeeze %dma_start3A_95 : memref<1x128xi32, #tpu.memory_space<vmem>> -> memref<128xi32, #tpu.memory_space<vmem>>
          %dma_start3A_97 = tpu.memref_slice %arg2[%mul3A_78] : memref<400000xi32, #tpu.memory_space<hbm>> -> memref<128xi32, #tpu.memory_space<hbm>>
          %dma_start3A_98 = arith.constant 0 : i32
          %dma_start3A_99 = tpu.memref_slice %arg6[%run_scoped3A_79, %dma_start3A_98] : memref<2x128xi32, #tpu.memory_space<vmem>> -> memref<1x128xi32, #tpu.memory_space<vmem>>
          %dma_start3A_100 = tpu.memref_squeeze %dma_start3A_99 : memref<1x128xi32, #tpu.memory_space<vmem>> -> memref<128xi32, #tpu.memory_space<vmem>>
          %dma_start3A_101 = tpu.memref_slice %arg2[%mul3A_78] : memref<400000xi32, #tpu.memory_space<hbm>> -> memref<128xi32, #tpu.memory_space<hbm>>
          tpu.enqueue_dma source(%dma_start3A_101 : memref<128xi32, #tpu.memory_space<hbm>>) target(%dma_start3A_100 : memref<128xi32, #tpu.memory_space<vmem>>) target_semaphore(%run_scoped3A_93 : memref<!tpu.dma_semaphore, #tpu.memory_space<semaphore_mem>>)
          %dma_wait3A = arith.constant 0 : i32
          %dma_wait3A_102 = tpu.memref_slice %arg6[%run_scoped3A_79, %dma_wait3A] : memref<2x128xi32, #tpu.memory_space<vmem>> -> memref<1x128xi32, #tpu.memory_space<vmem>>
          %dma_wait3A_103 = tpu.memref_squeeze %dma_wait3A_102 : memref<1x128xi32, #tpu.memory_space<vmem>> -> memref<128xi32, #tpu.memory_space<vmem>>
          %dma_wait3A_104 = tpu.memref_slice %arg2[%mul3A_78] : memref<400000xi32, #tpu.memory_space<hbm>> -> memref<128xi32, #tpu.memory_space<hbm>>
          %dma_wait3A_105 = arith.constant 0 : i32
          %dma_wait3A_106 = tpu.memref_slice %arg6[%run_scoped3A_79, %dma_wait3A_105] : memref<2x128xi32, #tpu.memory_space<vmem>> -> memref<1x128xi32, #tpu.memory_space<vmem>>
          %dma_wait3A_107 = tpu.memref_squeeze %dma_wait3A_106 : memref<1x128xi32, #tpu.memory_space<vmem>> -> memref<128xi32, #tpu.memory_space<vmem>>
          %dma_wait3A_108 = tpu.memref_slice %arg2[%mul3A_78] : memref<400000xi32, #tpu.memory_space<hbm>> -> memref<128xi32, #tpu.memory_space<hbm>>
          tpu.wait_dma2 semaphore(%run_scoped3A_93 : memref<!tpu.dma_semaphore, #tpu.memory_space<semaphore_mem>>) src(%dma_wait3A_108 : memref<128xi32, #tpu.memory_space<hbm>>) dst(%dma_wait3A_107 : memref<128xi32, #tpu.memory_space<vmem>>)
          tpu.yield
        }) : () -> ()
        %dma_start3A_80 = arith.constant 0 : i32
        %dma_start3A_81 = arith.constant 0 : i32
        %dma_start3A_82 = arith.constant 0 : i32
        %dma_start3A_83 = tpu.memref_slice %arg7[%dma_start3A_80, %dma_start3A_81, %dma_start3A_82] : memref<2x128x32xf32, #tpu.memory_space<vmem>> -> memref<1x128x32xf32, #tpu.memory_space<vmem>>
        %dma_start3A_84 = tpu.memref_squeeze %dma_start3A_83 : memref<1x128x32xf32, #tpu.memory_space<vmem>> -> memref<128x32xf32, #tpu.memory_space<vmem>>
        %dma_start3A_85 = arith.constant 0 : i32
        %dma_start3A_86 = tpu.memref_slice %arg3[%mul3A_78, %dma_start3A_85] : memref<400000x32xf32, #tpu.memory_space<hbm>> -> memref<128x32xf32, #tpu.memory_space<hbm>>
        %dma_start3A_87 = arith.constant 0 : i32
        %dma_start3A_88 = arith.constant 0 : i32
        %dma_start3A_89 = tpu.memref_slice %arg7[%dma_start3A_80, %dma_start3A_87, %dma_start3A_88] : memref<2x128x32xf32, #tpu.memory_space<vmem>> -> memref<1x128x32xf32, #tpu.memory_space<vmem>>
        %dma_start3A_90 = tpu.memref_squeeze %dma_start3A_89 : memref<1x128x32xf32, #tpu.memory_space<vmem>> -> memref<128x32xf32, #tpu.memory_space<vmem>>
        %dma_start3A_91 = arith.constant 0 : i32
        %dma_start3A_92 = tpu.memref_slice %arg3[%mul3A_78, %dma_start3A_91] : memref<400000x32xf32, #tpu.memory_space<hbm>> -> memref<128x32xf32, #tpu.memory_space<hbm>>
        tpu.enqueue_dma source(%dma_start3A_92 : memref<128x32xf32, #tpu.memory_space<hbm>>) target(%dma_start3A_90 : memref<128x32xf32, #tpu.memory_space<vmem>>) target_semaphore(%arg9 : memref<!tpu.dma_semaphore, #tpu.memory_space<semaphore_mem>>)
      } else {
      }
      %mul3A_66 = arith.constant 16 : i32
      %mul3A_67 = arith.muli %add3A_52, %mul3A_66 : i32
      %add3A_68 = arith.addi %mul3A_67, %arg1 : i32
      %mul3A_69 = arith.constant 2 : i32
      %mul3A_70 = arith.muli %add3A_68, %mul3A_69 : i32
      %add3A_71 = arith.addi %mul3A_70, %arg0 : i32
      %lt3A_72 = arith.constant 3125 : i32
      %lt3A_73 = arith.cmpi slt, %add3A_71, %lt3A_72 : i32
      %convert_element_type3A_74 = arith.extui %lt3A_73 : i1 to i32
      %cond3A_75 = arith.constant 0 : i32
      %cond3A_76 = arith.cmpi ne, %convert_element_type3A_74, %cond3A_75 : i32
      scf.if %cond3A_76 {
        %mul3A_77 = arith.constant 128 : i32
        %mul3A_78 = arith.muli %add3A_71, %mul3A_77 : i32
        %dma_wait3A = arith.constant 1 : i32
        %dma_wait3A_79 = arith.constant 0 : i32
        %dma_wait3A_80 = arith.constant 0 : i32
        %dma_wait3A_81 = tpu.memref_slice %arg7[%dma_wait3A, %dma_wait3A_79, %dma_wait3A_80] : memref<2x128x32xf32, #tpu.memory_space<vmem>> -> memref<1x128x32xf32, #tpu.memory_space<vmem>>
        %dma_wait3A_82 = tpu.memref_squeeze %dma_wait3A_81 : memref<1x128x32xf32, #tpu.memory_space<vmem>> -> memref<128x32xf32, #tpu.memory_space<vmem>>
        %dma_wait3A_83 = arith.constant 0 : i32
        %dma_wait3A_84 = tpu.memref_slice %arg3[%mul3A_78, %dma_wait3A_83] : memref<400000x32xf32, #tpu.memory_space<hbm>> -> memref<128x32xf32, #tpu.memory_space<hbm>>
        %dma_wait3A_85 = arith.constant 0 : i32
        %dma_wait3A_86 = arith.constant 0 : i32
        %dma_wait3A_87 = tpu.memref_slice %arg7[%dma_wait3A, %dma_wait3A_85, %dma_wait3A_86] : memref<2x128x32xf32, #tpu.memory_space<vmem>> -> memref<1x128x32xf32, #tpu.memory_space<vmem>>
        %dma_wait3A_88 = tpu.memref_squeeze %dma_wait3A_87 : memref<1x128x32xf32, #tpu.memory_space<vmem>> -> memref<128x32xf32, #tpu.memory_space<vmem>>
        %dma_wait3A_89 = arith.constant 0 : i32
        %dma_wait3A_90 = tpu.memref_slice %arg3[%mul3A_78, %dma_wait3A_89] : memref<400000x32xf32, #tpu.memory_space<hbm>> -> memref<128x32xf32, #tpu.memory_space<hbm>>
        tpu.wait_dma2 semaphore(%arg10 : memref<!tpu.dma_semaphore, #tpu.memory_space<semaphore_mem>>) src(%dma_wait3A_90 : memref<128x32xf32, #tpu.memory_space<hbm>>) dst(%dma_wait3A_88 : memref<128x32xf32, #tpu.memory_space<vmem>>)
        %run_scoped3A_91 = arith.constant 1 : i32
        %run_scoped3A_92 = arith.constant 1 : i32
        "tpu.region"() ({
          %run_scoped3A_93 = tpu.sem_alloc : memref<!tpu.dma_semaphore, #tpu.memory_space<semaphore_mem>>
          %dma_start3A_94 = arith.constant 0 : i32
          %dma_start3A_95 = arith.constant 0 : i32
          %dma_start3A_96 = tpu.memref_slice %arg7[%run_scoped3A_91, %dma_start3A_94, %dma_start3A_95] : memref<2x128x32xf32, #tpu.memory_space<vmem>> -> memref<1x128x32xf32, #tpu.memory_space<vmem>>
          %dma_start3A_97 = tpu.memref_squeeze %dma_start3A_96 : memref<1x128x32xf32, #tpu.memory_space<vmem>> -> memref<128x32xf32, #tpu.memory_space<vmem>>
          %dma_start3A_98 = arith.constant 0 : i32
          %dma_start3A_99 = tpu.memref_slice %arg6[%run_scoped3A_92, %dma_start3A_98] : memref<2x128xi32, #tpu.memory_space<vmem>> -> memref<1x128xi32, #tpu.memory_space<vmem>>
          %dma_start3A_100 = tpu.memref_squeeze %dma_start3A_99 : memref<1x128xi32, #tpu.memory_space<vmem>> -> memref<128xi32, #tpu.memory_space<vmem>>
          %dma_start3A_101 = arith.constant 0 : i32
          %dma_start3A_102 = arith.constant 0 : i32
          %dma_start3A_103 = tpu.memref_slice %arg8[%dma_start3A_101, %dma_start3A_102] : memref<50000x32xf32, #tpu.memory_space<vmem_shared>> -> memref<50000x32xf32, #tpu.memory_space<vmem_shared>>
          tpu.enqueue_indirect_dma source(%dma_start3A_97 : memref<128x32xf32, #tpu.memory_space<vmem>>) target(%dma_start3A_103 : memref<50000x32xf32, #tpu.memory_space<vmem_shared>>) offsets(%dma_start3A_100 : memref<128xi32, #tpu.memory_space<vmem>>) semaphore(%run_scoped3A_93 : memref<!tpu.dma_semaphore, #tpu.memory_space<semaphore_mem>>) {add = true}
          %dma_wait3A_104 = arith.constant 0 : i32
          %dma_wait3A_105 = arith.constant 0 : i32
          %dma_wait3A_106 = tpu.memref_slice %arg7[%run_scoped3A_91, %dma_wait3A_104, %dma_wait3A_105] : memref<2x128x32xf32, #tpu.memory_space<vmem>> -> memref<1x128x32xf32, #tpu.memory_space<vmem>>
          %dma_wait3A_107 = tpu.memref_squeeze %dma_wait3A_106 : memref<1x128x32xf32, #tpu.memory_space<vmem>> -> memref<128x32xf32, #tpu.memory_space<vmem>>
          %dma_wait3A_108 = arith.constant 0 : i32
          %dma_wait3A_109 = tpu.memref_slice %arg6[%run_scoped3A_92, %dma_wait3A_108] : memref<2x128xi32, #tpu.memory_space<vmem>> -> memref<1x128xi32, #tpu.memory_space<vmem>>
          %dma_wait3A_110 = tpu.memref_squeeze %dma_wait3A_109 : memref<1x128xi32, #tpu.memory_space<vmem>> -> memref<128xi32, #tpu.memory_space<vmem>>
          %dma_wait3A_111 = arith.constant 0 : i32
          %dma_wait3A_112 = arith.constant 0 : i32
          %dma_wait3A_113 = tpu.memref_slice %arg8[%dma_wait3A_111, %dma_wait3A_112] : memref<50000x32xf32, #tpu.memory_space<vmem_shared>> -> memref<50000x32xf32, #tpu.memory_space<vmem_shared>>
          tpu.wait_indirect_dma semaphore(%run_scoped3A_93 : memref<!tpu.dma_semaphore, #tpu.memory_space<semaphore_mem>>) src(%dma_wait3A_107 : memref<128x32xf32, #tpu.memory_space<vmem>>) dst(%dma_wait3A_113 : memref<50000x32xf32, #tpu.memory_space<vmem_shared>>)
          tpu.yield
        }) : () -> ()
      } else {
      }
    }
    %scan3A_21 = arith.constant 49 : i32
    %barrier3A_22 = arith.constant 0 : index
    tpu.barrier barrier_id(%barrier3A_22)
    "tpu.region"() ({
      %run_scoped3A_23 = tpu.sem_alloc : memref<!tpu.dma_semaphore, #tpu.memory_space<semaphore_mem>>
      %dma_start3A_24 = arith.constant 0 : i32
      %dma_start3A_25 = tpu.memref_slice %arg5[%arg0, %mul3A_0, %dma_start3A_24] : memref<2x50000x32xf32, #tpu.memory_space<hbm>> -> memref<1x3125x32xf32, #tpu.memory_space<hbm>>
      %dma_start3A_26 = tpu.memref_squeeze %dma_start3A_25 : memref<1x3125x32xf32, #tpu.memory_space<hbm>> -> memref<3125x32xf32, #tpu.memory_space<hbm>>
      %dma_start3A_27 = arith.constant 0 : i32
      %dma_start3A_28 = tpu.memref_slice %arg8[%mul3A_0, %dma_start3A_27] : memref<50000x32xf32, #tpu.memory_space<vmem_shared>> -> memref<3125x32xf32, #tpu.memory_space<vmem_shared>>
      tpu.enqueue_dma source(%dma_start3A_28 : memref<3125x32xf32, #tpu.memory_space<vmem_shared>>) target(%dma_start3A_26 : memref<3125x32xf32, #tpu.memory_space<hbm>>) target_semaphore(%run_scoped3A_23 : memref<!tpu.dma_semaphore, #tpu.memory_space<semaphore_mem>>)
      %dma_wait3A = arith.constant 0 : i32
      %dma_wait3A_29 = tpu.memref_slice %arg5[%arg0, %mul3A_0, %dma_wait3A] : memref<2x50000x32xf32, #tpu.memory_space<hbm>> -> memref<1x3125x32xf32, #tpu.memory_space<hbm>>
      %dma_wait3A_30 = tpu.memref_squeeze %dma_wait3A_29 : memref<1x3125x32xf32, #tpu.memory_space<hbm>> -> memref<3125x32xf32, #tpu.memory_space<hbm>>
      %dma_wait3A_31 = arith.constant 0 : i32
      %dma_wait3A_32 = tpu.memref_slice %arg8[%mul3A_0, %dma_wait3A_31] : memref<50000x32xf32, #tpu.memory_space<vmem_shared>> -> memref<3125x32xf32, #tpu.memory_space<vmem_shared>>
      tpu.wait_dma2 semaphore(%run_scoped3A_23 : memref<!tpu.dma_semaphore, #tpu.memory_space<semaphore_mem>>) src(%dma_wait3A_32 : memref<3125x32xf32, #tpu.memory_space<vmem_shared>>) dst(%dma_wait3A_30 : memref<3125x32xf32, #tpu.memory_space<hbm>>)
      tpu.yield
    }) : () -> ()
    return
  }
}

#map = affine_map<(d0, d1) -> (0)>
#map1 = affine_map<(d0, d1) -> (0, 0)>
module attributes {stable_mosaic.version = 14 : i64} {
  func.func @_gather(%arg0: i32, %arg1: i32, %arg2: memref<400000xi32, #tpu.memory_space<hbm>>, %arg3: memref<50000x128xf32, #tpu.memory_space<hbm>>, %arg4: memref<400000x128xf32, #tpu.memory_space<hbm>>, %arg5: memref<2x128xi32, #tpu.memory_space<vmem>>, %arg6: memref<2x128x128xf32, #tpu.memory_space<vmem>>, %arg7: memref<!tpu.dma_semaphore, #tpu.memory_space<semaphore_mem>>, %arg8: memref<!tpu.dma_semaphore, #tpu.memory_space<semaphore_mem>>) attributes {dimension_semantics = [#tpu.dimension_semantics<core_parallel>, #tpu.dimension_semantics<subcore_parallel>], iteration_bounds = array<i64: 2, 16>, scalar_prefetch = 0 : i64, scratch_operands = 4 : i64, tpu.core_type = #tpu.core_type<sc_vector_subcore>, window_params = [{transform_indices = #map}, {transform_indices = #map1}, {transform_indices = #map1}]} {
    %mul3A = arith.constant 2 : i32
    %mul3A_0 = arith.muli %arg1, %mul3A : i32
    %add3A = arith.addi %mul3A_0, %arg0 : i32
    %mul3A_1 = arith.constant 128 : i32
    %mul3A_2 = arith.muli %add3A, %mul3A_1 : i32
    %run_scoped3A = arith.constant 0 : i32
    "tpu.region"() ({
      %run_scoped3A_19 = tpu.sem_alloc : memref<!tpu.dma_semaphore, #tpu.memory_space<semaphore_mem>>
      %dma_start3A_20 = arith.constant 0 : i32
      %dma_start3A_21 = tpu.memref_slice %arg5[%run_scoped3A, %dma_start3A_20] : memref<2x128xi32, #tpu.memory_space<vmem>> -> memref<1x128xi32, #tpu.memory_space<vmem>>
      %dma_start3A_22 = tpu.memref_squeeze %dma_start3A_21 : memref<1x128xi32, #tpu.memory_space<vmem>> -> memref<128xi32, #tpu.memory_space<vmem>>
      %dma_start3A_23 = tpu.memref_slice %arg2[%mul3A_2] : memref<400000xi32, #tpu.memory_space<hbm>> -> memref<128xi32, #tpu.memory_space<hbm>>
      %dma_start3A_24 = arith.constant 0 : i32
      %dma_start3A_25 = tpu.memref_slice %arg5[%run_scoped3A, %dma_start3A_24] : memref<2x128xi32, #tpu.memory_space<vmem>> -> memref<1x128xi32, #tpu.memory_space<vmem>>
      %dma_start3A_26 = tpu.memref_squeeze %dma_start3A_25 : memref<1x128xi32, #tpu.memory_space<vmem>> -> memref<128xi32, #tpu.memory_space<vmem>>
      %dma_start3A_27 = tpu.memref_slice %arg2[%mul3A_2] : memref<400000xi32, #tpu.memory_space<hbm>> -> memref<128xi32, #tpu.memory_space<hbm>>
      tpu.enqueue_dma source(%dma_start3A_27 : memref<128xi32, #tpu.memory_space<hbm>>) target(%dma_start3A_26 : memref<128xi32, #tpu.memory_space<vmem>>) target_semaphore(%run_scoped3A_19 : memref<!tpu.dma_semaphore, #tpu.memory_space<semaphore_mem>>)
      %dma_wait3A = arith.constant 0 : i32
      %dma_wait3A_28 = tpu.memref_slice %arg5[%run_scoped3A, %dma_wait3A] : memref<2x128xi32, #tpu.memory_space<vmem>> -> memref<1x128xi32, #tpu.memory_space<vmem>>
      %dma_wait3A_29 = tpu.memref_squeeze %dma_wait3A_28 : memref<1x128xi32, #tpu.memory_space<vmem>> -> memref<128xi32, #tpu.memory_space<vmem>>
      %dma_wait3A_30 = tpu.memref_slice %arg2[%mul3A_2] : memref<400000xi32, #tpu.memory_space<hbm>> -> memref<128xi32, #tpu.memory_space<hbm>>
      %dma_wait3A_31 = arith.constant 0 : i32
      %dma_wait3A_32 = tpu.memref_slice %arg5[%run_scoped3A, %dma_wait3A_31] : memref<2x128xi32, #tpu.memory_space<vmem>> -> memref<1x128xi32, #tpu.memory_space<vmem>>
      %dma_wait3A_33 = tpu.memref_squeeze %dma_wait3A_32 : memref<1x128xi32, #tpu.memory_space<vmem>> -> memref<128xi32, #tpu.memory_space<vmem>>
      %dma_wait3A_34 = tpu.memref_slice %arg2[%mul3A_2] : memref<400000xi32, #tpu.memory_space<hbm>> -> memref<128xi32, #tpu.memory_space<hbm>>
      tpu.wait_dma2 semaphore(%run_scoped3A_19 : memref<!tpu.dma_semaphore, #tpu.memory_space<semaphore_mem>>) src(%dma_wait3A_34 : memref<128xi32, #tpu.memory_space<hbm>>) dst(%dma_wait3A_33 : memref<128xi32, #tpu.memory_space<vmem>>)
      tpu.yield
    }) : () -> ()
    %dma_start3A = arith.constant 0 : i32
    %dma_start3A_3 = arith.constant 0 : i32
    %dma_start3A_4 = arith.constant 0 : i32
    %dma_start3A_5 = arith.constant 0 : i32
    %dma_start3A_6 = tpu.memref_slice %arg6[%dma_start3A_3, %dma_start3A_4, %dma_start3A_5] : memref<2x128x128xf32, #tpu.memory_space<vmem>> -> memref<1x128x128xf32, #tpu.memory_space<vmem>>
    %dma_start3A_7 = tpu.memref_squeeze %dma_start3A_6 : memref<1x128x128xf32, #tpu.memory_space<vmem>> -> memref<128x128xf32, #tpu.memory_space<vmem>>
    %dma_start3A_8 = arith.constant 0 : i32
    %dma_start3A_9 = tpu.memref_slice %arg5[%dma_start3A, %dma_start3A_8] : memref<2x128xi32, #tpu.memory_space<vmem>> -> memref<1x128xi32, #tpu.memory_space<vmem>>
    %dma_start3A_10 = tpu.memref_squeeze %dma_start3A_9 : memref<1x128xi32, #tpu.memory_space<vmem>> -> memref<128xi32, #tpu.memory_space<vmem>>
    %dma_start3A_11 = arith.constant 0 : i32
    %dma_start3A_12 = arith.constant 0 : i32
    %dma_start3A_13 = tpu.memref_slice %arg3[%dma_start3A_11, %dma_start3A_12] : memref<50000x128xf32, #tpu.memory_space<hbm>> -> memref<50000x128xf32, #tpu.memory_space<hbm>>
    tpu.enqueue_indirect_dma source(%dma_start3A_13 : memref<50000x128xf32, #tpu.memory_space<hbm>>) target(%dma_start3A_7 : memref<128x128xf32, #tpu.memory_space<vmem>>) offsets(%dma_start3A_10 : memref<128xi32, #tpu.memory_space<vmem>>) semaphore(%arg7 : memref<!tpu.dma_semaphore, #tpu.memory_space<semaphore_mem>>)
    %scan3A = arith.constant 0 : i32
    %scan3A_14 = arith.constant 0 : i32
    %scan3A_15 = arith.constant 49 : i32
    %scan3A_16 = arith.addi %scan3A_14, %scan3A_15 : i32
    %scan3A_17 = arith.constant 1 : i32
    scf.for %scan3A_19 = %scan3A_14 to %scan3A_16 step %scan3A_17  : i32 {
      %mul3A_20 = arith.constant 2 : i32
      %mul3A_21 = arith.muli %mul3A_20, %scan3A_19 : i32
      %add3A_22 = arith.constant 0 : i32
      %add3A_23 = arith.addi %mul3A_21, %add3A_22 : i32
      %add3A_24 = arith.constant 1 : i32
      %add3A_25 = arith.addi %add3A_23, %add3A_24 : i32
      %mul3A_26 = arith.constant 32 : i32
      %mul3A_27 = arith.muli %add3A_25, %mul3A_26 : i32
      %add3A_28 = arith.addi %mul3A_27, %add3A : i32
      %lt3A = arith.constant 3125 : i32
      %lt3A_29 = arith.cmpi slt, %add3A_28, %lt3A : i32
      %convert_element_type3A = arith.extui %lt3A_29 : i1 to i32
      %cond3A = arith.constant 0 : i32
      %cond3A_30 = arith.cmpi ne, %convert_element_type3A, %cond3A : i32
      scf.if %cond3A_30 {
        %mul3A_61 = arith.constant 128 : i32
        %mul3A_62 = arith.muli %add3A_28, %mul3A_61 : i32
        %run_scoped3A_63 = arith.constant 1 : i32
        "tpu.region"() ({
          %run_scoped3A_76 = tpu.sem_alloc : memref<!tpu.dma_semaphore, #tpu.memory_space<semaphore_mem>>
          %dma_start3A_77 = arith.constant 0 : i32
          %dma_start3A_78 = tpu.memref_slice %arg5[%run_scoped3A_63, %dma_start3A_77] : memref<2x128xi32, #tpu.memory_space<vmem>> -> memref<1x128xi32, #tpu.memory_space<vmem>>
          %dma_start3A_79 = tpu.memref_squeeze %dma_start3A_78 : memref<1x128xi32, #tpu.memory_space<vmem>> -> memref<128xi32, #tpu.memory_space<vmem>>
          %dma_start3A_80 = tpu.memref_slice %arg2[%mul3A_62] : memref<400000xi32, #tpu.memory_space<hbm>> -> memref<128xi32, #tpu.memory_space<hbm>>
          %dma_start3A_81 = arith.constant 0 : i32
          %dma_start3A_82 = tpu.memref_slice %arg5[%run_scoped3A_63, %dma_start3A_81] : memref<2x128xi32, #tpu.memory_space<vmem>> -> memref<1x128xi32, #tpu.memory_space<vmem>>
          %dma_start3A_83 = tpu.memref_squeeze %dma_start3A_82 : memref<1x128xi32, #tpu.memory_space<vmem>> -> memref<128xi32, #tpu.memory_space<vmem>>
          %dma_start3A_84 = tpu.memref_slice %arg2[%mul3A_62] : memref<400000xi32, #tpu.memory_space<hbm>> -> memref<128xi32, #tpu.memory_space<hbm>>
          tpu.enqueue_dma source(%dma_start3A_84 : memref<128xi32, #tpu.memory_space<hbm>>) target(%dma_start3A_83 : memref<128xi32, #tpu.memory_space<vmem>>) target_semaphore(%run_scoped3A_76 : memref<!tpu.dma_semaphore, #tpu.memory_space<semaphore_mem>>)
          %dma_wait3A = arith.constant 0 : i32
          %dma_wait3A_85 = tpu.memref_slice %arg5[%run_scoped3A_63, %dma_wait3A] : memref<2x128xi32, #tpu.memory_space<vmem>> -> memref<1x128xi32, #tpu.memory_space<vmem>>
          %dma_wait3A_86 = tpu.memref_squeeze %dma_wait3A_85 : memref<1x128xi32, #tpu.memory_space<vmem>> -> memref<128xi32, #tpu.memory_space<vmem>>
          %dma_wait3A_87 = tpu.memref_slice %arg2[%mul3A_62] : memref<400000xi32, #tpu.memory_space<hbm>> -> memref<128xi32, #tpu.memory_space<hbm>>
          %dma_wait3A_88 = arith.constant 0 : i32
          %dma_wait3A_89 = tpu.memref_slice %arg5[%run_scoped3A_63, %dma_wait3A_88] : memref<2x128xi32, #tpu.memory_space<vmem>> -> memref<1x128xi32, #tpu.memory_space<vmem>>
          %dma_wait3A_90 = tpu.memref_squeeze %dma_wait3A_89 : memref<1x128xi32, #tpu.memory_space<vmem>> -> memref<128xi32, #tpu.memory_space<vmem>>
          %dma_wait3A_91 = tpu.memref_slice %arg2[%mul3A_62] : memref<400000xi32, #tpu.memory_space<hbm>> -> memref<128xi32, #tpu.memory_space<hbm>>
          tpu.wait_dma2 semaphore(%run_scoped3A_76 : memref<!tpu.dma_semaphore, #tpu.memory_space<semaphore_mem>>) src(%dma_wait3A_91 : memref<128xi32, #tpu.memory_space<hbm>>) dst(%dma_wait3A_90 : memref<128xi32, #tpu.memory_space<vmem>>)
          tpu.yield
        }) : () -> ()
        %dma_start3A_64 = arith.constant 1 : i32
        %dma_start3A_65 = arith.constant 1 : i32
        %dma_start3A_66 = arith.constant 0 : i32
        %dma_start3A_67 = arith.constant 0 : i32
        %dma_start3A_68 = tpu.memref_slice %arg6[%dma_start3A_65, %dma_start3A_66, %dma_start3A_67] : memref<2x128x128xf32, #tpu.memory_space<vmem>> -> memref<1x128x128xf32, #tpu.memory_space<vmem>>
        %dma_start3A_69 = tpu.memref_squeeze %dma_start3A_68 : memref<1x128x128xf32, #tpu.memory_space<vmem>> -> memref<128x128xf32, #tpu.memory_space<vmem>>
        %dma_start3A_70 = arith.constant 0 : i32
        %dma_start3A_71 = tpu.memref_slice %arg5[%dma_start3A_64, %dma_start3A_70] : memref<2x128xi32, #tpu.memory_space<vmem>> -> memref<1x128xi32, #tpu.memory_space<vmem>>
        %dma_start3A_72 = tpu.memref_squeeze %dma_start3A_71 : memref<1x128xi32, #tpu.memory_space<vmem>> -> memref<128xi32, #tpu.memory_space<vmem>>
        %dma_start3A_73 = arith.constant 0 : i32
        %dma_start3A_74 = arith.constant 0 : i32
        %dma_start3A_75 = tpu.memref_slice %arg3[%dma_start3A_73, %dma_start3A_74] : memref<50000x128xf32, #tpu.memory_space<hbm>> -> memref<50000x128xf32, #tpu.memory_space<hbm>>
        tpu.enqueue_indirect_dma source(%dma_start3A_75 : memref<50000x128xf32, #tpu.memory_space<hbm>>) target(%dma_start3A_69 : memref<128x128xf32, #tpu.memory_space<vmem>>) offsets(%dma_start3A_72 : memref<128xi32, #tpu.memory_space<vmem>>) semaphore(%arg8 : memref<!tpu.dma_semaphore, #tpu.memory_space<semaphore_mem>>)
      } else {
      }
      %mul3A_31 = arith.constant 32 : i32
      %mul3A_32 = arith.muli %add3A_23, %mul3A_31 : i32
      %add3A_33 = arith.addi %mul3A_32, %add3A : i32
      %lt3A_34 = arith.constant 3125 : i32
      %lt3A_35 = arith.cmpi slt, %add3A_33, %lt3A_34 : i32
      %convert_element_type3A_36 = arith.extui %lt3A_35 : i1 to i32
      %cond3A_37 = arith.constant 0 : i32
      %cond3A_38 = arith.cmpi ne, %convert_element_type3A_36, %cond3A_37 : i32
      scf.if %cond3A_38 {
        %dma_wait3A = arith.constant 0 : i32
        %dma_wait3A_61 = arith.constant 0 : i32
        %dma_wait3A_62 = arith.constant 0 : i32
        %dma_wait3A_63 = arith.constant 0 : i32
        %dma_wait3A_64 = tpu.memref_slice %arg6[%dma_wait3A_61, %dma_wait3A_62, %dma_wait3A_63] : memref<2x128x128xf32, #tpu.memory_space<vmem>> -> memref<1x128x128xf32, #tpu.memory_space<vmem>>
        %dma_wait3A_65 = tpu.memref_squeeze %dma_wait3A_64 : memref<1x128x128xf32, #tpu.memory_space<vmem>> -> memref<128x128xf32, #tpu.memory_space<vmem>>
        %dma_wait3A_66 = arith.constant 0 : i32
        %dma_wait3A_67 = tpu.memref_slice %arg5[%dma_wait3A, %dma_wait3A_66] : memref<2x128xi32, #tpu.memory_space<vmem>> -> memref<1x128xi32, #tpu.memory_space<vmem>>
        %dma_wait3A_68 = tpu.memref_squeeze %dma_wait3A_67 : memref<1x128xi32, #tpu.memory_space<vmem>> -> memref<128xi32, #tpu.memory_space<vmem>>
        %dma_wait3A_69 = arith.constant 0 : i32
        %dma_wait3A_70 = arith.constant 0 : i32
        %dma_wait3A_71 = tpu.memref_slice %arg3[%dma_wait3A_69, %dma_wait3A_70] : memref<50000x128xf32, #tpu.memory_space<hbm>> -> memref<50000x128xf32, #tpu.memory_space<hbm>>
        tpu.wait_indirect_dma semaphore(%arg7 : memref<!tpu.dma_semaphore, #tpu.memory_space<semaphore_mem>>) src(%dma_wait3A_71 : memref<50000x128xf32, #tpu.memory_space<hbm>>) dst(%dma_wait3A_65 : memref<128x128xf32, #tpu.memory_space<vmem>>)
        %mul3A_72 = arith.constant 128 : i32
        %mul3A_73 = arith.muli %add3A_33, %mul3A_72 : i32
        %run_scoped3A_74 = arith.constant 0 : i32
        "tpu.region"() ({
          %run_scoped3A_75 = tpu.sem_alloc : memref<!tpu.dma_semaphore, #tpu.memory_space<semaphore_mem>>
          %dma_start3A_76 = arith.constant 0 : i32
          %dma_start3A_77 = arith.constant 0 : i32
          %dma_start3A_78 = tpu.memref_slice %arg6[%run_scoped3A_74, %dma_start3A_76, %dma_start3A_77] : memref<2x128x128xf32, #tpu.memory_space<vmem>> -> memref<1x128x128xf32, #tpu.memory_space<vmem>>
          %dma_start3A_79 = tpu.memref_squeeze %dma_start3A_78 : memref<1x128x128xf32, #tpu.memory_space<vmem>> -> memref<128x128xf32, #tpu.memory_space<vmem>>
          %dma_start3A_80 = arith.constant 0 : i32
          %dma_start3A_81 = tpu.memref_slice %arg4[%mul3A_73, %dma_start3A_80] : memref<400000x128xf32, #tpu.memory_space<hbm>> -> memref<128x128xf32, #tpu.memory_space<hbm>>
          %dma_start3A_82 = arith.constant 0 : i32
          %dma_start3A_83 = tpu.memref_slice %arg4[%mul3A_73, %dma_start3A_82] : memref<400000x128xf32, #tpu.memory_space<hbm>> -> memref<128x128xf32, #tpu.memory_space<hbm>>
          %dma_start3A_84 = arith.constant 0 : i32
          %dma_start3A_85 = arith.constant 0 : i32
          %dma_start3A_86 = tpu.memref_slice %arg6[%run_scoped3A_74, %dma_start3A_84, %dma_start3A_85] : memref<2x128x128xf32, #tpu.memory_space<vmem>> -> memref<1x128x128xf32, #tpu.memory_space<vmem>>
          %dma_start3A_87 = tpu.memref_squeeze %dma_start3A_86 : memref<1x128x128xf32, #tpu.memory_space<vmem>> -> memref<128x128xf32, #tpu.memory_space<vmem>>
          tpu.enqueue_dma source(%dma_start3A_87 : memref<128x128xf32, #tpu.memory_space<vmem>>) target(%dma_start3A_83 : memref<128x128xf32, #tpu.memory_space<hbm>>) target_semaphore(%run_scoped3A_75 : memref<!tpu.dma_semaphore, #tpu.memory_space<semaphore_mem>>)
          %dma_wait3A_88 = arith.constant 0 : i32
          %dma_wait3A_89 = arith.constant 0 : i32
          %dma_wait3A_90 = tpu.memref_slice %arg6[%run_scoped3A_74, %dma_wait3A_88, %dma_wait3A_89] : memref<2x128x128xf32, #tpu.memory_space<vmem>> -> memref<1x128x128xf32, #tpu.memory_space<vmem>>
          %dma_wait3A_91 = tpu.memref_squeeze %dma_wait3A_90 : memref<1x128x128xf32, #tpu.memory_space<vmem>> -> memref<128x128xf32, #tpu.memory_space<vmem>>
          %dma_wait3A_92 = arith.constant 0 : i32
          %dma_wait3A_93 = tpu.memref_slice %arg4[%mul3A_73, %dma_wait3A_92] : memref<400000x128xf32, #tpu.memory_space<hbm>> -> memref<128x128xf32, #tpu.memory_space<hbm>>
          %dma_wait3A_94 = arith.constant 0 : i32
          %dma_wait3A_95 = tpu.memref_slice %arg4[%mul3A_73, %dma_wait3A_94] : memref<400000x128xf32, #tpu.memory_space<hbm>> -> memref<128x128xf32, #tpu.memory_space<hbm>>
          %dma_wait3A_96 = arith.constant 0 : i32
          %dma_wait3A_97 = arith.constant 0 : i32
          %dma_wait3A_98 = tpu.memref_slice %arg6[%run_scoped3A_74, %dma_wait3A_96, %dma_wait3A_97] : memref<2x128x128xf32, #tpu.memory_space<vmem>> -> memref<1x128x128xf32, #tpu.memory_space<vmem>>
          %dma_wait3A_99 = tpu.memref_squeeze %dma_wait3A_98 : memref<1x128x128xf32, #tpu.memory_space<vmem>> -> memref<128x128xf32, #tpu.memory_space<vmem>>
          tpu.wait_dma2 semaphore(%run_scoped3A_75 : memref<!tpu.dma_semaphore, #tpu.memory_space<semaphore_mem>>) src(%dma_wait3A_99 : memref<128x128xf32, #tpu.memory_space<vmem>>) dst(%dma_wait3A_95 : memref<128x128xf32, #tpu.memory_space<hbm>>)
          tpu.yield
        }) : () -> ()
      } else {
      }
      %mul3A_39 = arith.constant 2 : i32
      %mul3A_40 = arith.muli %mul3A_39, %scan3A_19 : i32
      %add3A_41 = arith.constant 1 : i32
      %add3A_42 = arith.addi %mul3A_40, %add3A_41 : i32
      %add3A_43 = arith.constant 1 : i32
      %add3A_44 = arith.addi %add3A_42, %add3A_43 : i32
      %mul3A_45 = arith.constant 32 : i32
      %mul3A_46 = arith.muli %add3A_44, %mul3A_45 : i32
      %add3A_47 = arith.addi %mul3A_46, %add3A : i32
      %lt3A_48 = arith.constant 3125 : i32
      %lt3A_49 = arith.cmpi slt, %add3A_47, %lt3A_48 : i32
      %convert_element_type3A_50 = arith.extui %lt3A_49 : i1 to i32
      %cond3A_51 = arith.constant 0 : i32
      %cond3A_52 = arith.cmpi ne, %convert_element_type3A_50, %cond3A_51 : i32
      scf.if %cond3A_52 {
        %mul3A_61 = arith.constant 128 : i32
        %mul3A_62 = arith.muli %add3A_47, %mul3A_61 : i32
        %run_scoped3A_63 = arith.constant 0 : i32
        "tpu.region"() ({
          %run_scoped3A_76 = tpu.sem_alloc : memref<!tpu.dma_semaphore, #tpu.memory_space<semaphore_mem>>
          %dma_start3A_77 = arith.constant 0 : i32
          %dma_start3A_78 = tpu.memref_slice %arg5[%run_scoped3A_63, %dma_start3A_77] : memref<2x128xi32, #tpu.memory_space<vmem>> -> memref<1x128xi32, #tpu.memory_space<vmem>>
          %dma_start3A_79 = tpu.memref_squeeze %dma_start3A_78 : memref<1x128xi32, #tpu.memory_space<vmem>> -> memref<128xi32, #tpu.memory_space<vmem>>
          %dma_start3A_80 = tpu.memref_slice %arg2[%mul3A_62] : memref<400000xi32, #tpu.memory_space<hbm>> -> memref<128xi32, #tpu.memory_space<hbm>>
          %dma_start3A_81 = arith.constant 0 : i32
          %dma_start3A_82 = tpu.memref_slice %arg5[%run_scoped3A_63, %dma_start3A_81] : memref<2x128xi32, #tpu.memory_space<vmem>> -> memref<1x128xi32, #tpu.memory_space<vmem>>
          %dma_start3A_83 = tpu.memref_squeeze %dma_start3A_82 : memref<1x128xi32, #tpu.memory_space<vmem>> -> memref<128xi32, #tpu.memory_space<vmem>>
          %dma_start3A_84 = tpu.memref_slice %arg2[%mul3A_62] : memref<400000xi32, #tpu.memory_space<hbm>> -> memref<128xi32, #tpu.memory_space<hbm>>
          tpu.enqueue_dma source(%dma_start3A_84 : memref<128xi32, #tpu.memory_space<hbm>>) target(%dma_start3A_83 : memref<128xi32, #tpu.memory_space<vmem>>) target_semaphore(%run_scoped3A_76 : memref<!tpu.dma_semaphore, #tpu.memory_space<semaphore_mem>>)
          %dma_wait3A = arith.constant 0 : i32
          %dma_wait3A_85 = tpu.memref_slice %arg5[%run_scoped3A_63, %dma_wait3A] : memref<2x128xi32, #tpu.memory_space<vmem>> -> memref<1x128xi32, #tpu.memory_space<vmem>>
          %dma_wait3A_86 = tpu.memref_squeeze %dma_wait3A_85 : memref<1x128xi32, #tpu.memory_space<vmem>> -> memref<128xi32, #tpu.memory_space<vmem>>
          %dma_wait3A_87 = tpu.memref_slice %arg2[%mul3A_62] : memref<400000xi32, #tpu.memory_space<hbm>> -> memref<128xi32, #tpu.memory_space<hbm>>
          %dma_wait3A_88 = arith.constant 0 : i32
          %dma_wait3A_89 = tpu.memref_slice %arg5[%run_scoped3A_63, %dma_wait3A_88] : memref<2x128xi32, #tpu.memory_space<vmem>> -> memref<1x128xi32, #tpu.memory_space<vmem>>
          %dma_wait3A_90 = tpu.memref_squeeze %dma_wait3A_89 : memref<1x128xi32, #tpu.memory_space<vmem>> -> memref<128xi32, #tpu.memory_space<vmem>>
          %dma_wait3A_91 = tpu.memref_slice %arg2[%mul3A_62] : memref<400000xi32, #tpu.memory_space<hbm>> -> memref<128xi32, #tpu.memory_space<hbm>>
          tpu.wait_dma2 semaphore(%run_scoped3A_76 : memref<!tpu.dma_semaphore, #tpu.memory_space<semaphore_mem>>) src(%dma_wait3A_91 : memref<128xi32, #tpu.memory_space<hbm>>) dst(%dma_wait3A_90 : memref<128xi32, #tpu.memory_space<vmem>>)
          tpu.yield
        }) : () -> ()
        %dma_start3A_64 = arith.constant 0 : i32
        %dma_start3A_65 = arith.constant 0 : i32
        %dma_start3A_66 = arith.constant 0 : i32
        %dma_start3A_67 = arith.constant 0 : i32
        %dma_start3A_68 = tpu.memref_slice %arg6[%dma_start3A_65, %dma_start3A_66, %dma_start3A_67] : memref<2x128x128xf32, #tpu.memory_space<vmem>> -> memref<1x128x128xf32, #tpu.memory_space<vmem>>
        %dma_start3A_69 = tpu.memref_squeeze %dma_start3A_68 : memref<1x128x128xf32, #tpu.memory_space<vmem>> -> memref<128x128xf32, #tpu.memory_space<vmem>>
        %dma_start3A_70 = arith.constant 0 : i32
        %dma_start3A_71 = tpu.memref_slice %arg5[%dma_start3A_64, %dma_start3A_70] : memref<2x128xi32, #tpu.memory_space<vmem>> -> memref<1x128xi32, #tpu.memory_space<vmem>>
        %dma_start3A_72 = tpu.memref_squeeze %dma_start3A_71 : memref<1x128xi32, #tpu.memory_space<vmem>> -> memref<128xi32, #tpu.memory_space<vmem>>
        %dma_start3A_73 = arith.constant 0 : i32
        %dma_start3A_74 = arith.constant 0 : i32
        %dma_start3A_75 = tpu.memref_slice %arg3[%dma_start3A_73, %dma_start3A_74] : memref<50000x128xf32, #tpu.memory_space<hbm>> -> memref<50000x128xf32, #tpu.memory_space<hbm>>
        tpu.enqueue_indirect_dma source(%dma_start3A_75 : memref<50000x128xf32, #tpu.memory_space<hbm>>) target(%dma_start3A_69 : memref<128x128xf32, #tpu.memory_space<vmem>>) offsets(%dma_start3A_72 : memref<128xi32, #tpu.memory_space<vmem>>) semaphore(%arg7 : memref<!tpu.dma_semaphore, #tpu.memory_space<semaphore_mem>>)
      } else {
      }
      %mul3A_53 = arith.constant 32 : i32
      %mul3A_54 = arith.muli %add3A_42, %mul3A_53 : i32
      %add3A_55 = arith.addi %mul3A_54, %add3A : i32
      %lt3A_56 = arith.constant 3125 : i32
      %lt3A_57 = arith.cmpi slt, %add3A_55, %lt3A_56 : i32
      %convert_element_type3A_58 = arith.extui %lt3A_57 : i1 to i32
      %cond3A_59 = arith.constant 0 : i32
      %cond3A_60 = arith.cmpi ne, %convert_element_type3A_58, %cond3A_59 : i32
      scf.if %cond3A_60 {
        %dma_wait3A = arith.constant 1 : i32
        %dma_wait3A_61 = arith.constant 1 : i32
        %dma_wait3A_62 = arith.constant 0 : i32
        %dma_wait3A_63 = arith.constant 0 : i32
        %dma_wait3A_64 = tpu.memref_slice %arg6[%dma_wait3A_61, %dma_wait3A_62, %dma_wait3A_63] : memref<2x128x128xf32, #tpu.memory_space<vmem>> -> memref<1x128x128xf32, #tpu.memory_space<vmem>>
        %dma_wait3A_65 = tpu.memref_squeeze %dma_wait3A_64 : memref<1x128x128xf32, #tpu.memory_space<vmem>> -> memref<128x128xf32, #tpu.memory_space<vmem>>
        %dma_wait3A_66 = arith.constant 0 : i32
        %dma_wait3A_67 = tpu.memref_slice %arg5[%dma_wait3A, %dma_wait3A_66] : memref<2x128xi32, #tpu.memory_space<vmem>> -> memref<1x128xi32, #tpu.memory_space<vmem>>
        %dma_wait3A_68 = tpu.memref_squeeze %dma_wait3A_67 : memref<1x128xi32, #tpu.memory_space<vmem>> -> memref<128xi32, #tpu.memory_space<vmem>>
        %dma_wait3A_69 = arith.constant 0 : i32
        %dma_wait3A_70 = arith.constant 0 : i32
        %dma_wait3A_71 = tpu.memref_slice %arg3[%dma_wait3A_69, %dma_wait3A_70] : memref<50000x128xf32, #tpu.memory_space<hbm>> -> memref<50000x128xf32, #tpu.memory_space<hbm>>
        tpu.wait_indirect_dma semaphore(%arg8 : memref<!tpu.dma_semaphore, #tpu.memory_space<semaphore_mem>>) src(%dma_wait3A_71 : memref<50000x128xf32, #tpu.memory_space<hbm>>) dst(%dma_wait3A_65 : memref<128x128xf32, #tpu.memory_space<vmem>>)
        %mul3A_72 = arith.constant 128 : i32
        %mul3A_73 = arith.muli %add3A_55, %mul3A_72 : i32
        %run_scoped3A_74 = arith.constant 1 : i32
        "tpu.region"() ({
          %run_scoped3A_75 = tpu.sem_alloc : memref<!tpu.dma_semaphore, #tpu.memory_space<semaphore_mem>>
          %dma_start3A_76 = arith.constant 0 : i32
          %dma_start3A_77 = arith.constant 0 : i32
          %dma_start3A_78 = tpu.memref_slice %arg6[%run_scoped3A_74, %dma_start3A_76, %dma_start3A_77] : memref<2x128x128xf32, #tpu.memory_space<vmem>> -> memref<1x128x128xf32, #tpu.memory_space<vmem>>
          %dma_start3A_79 = tpu.memref_squeeze %dma_start3A_78 : memref<1x128x128xf32, #tpu.memory_space<vmem>> -> memref<128x128xf32, #tpu.memory_space<vmem>>
          %dma_start3A_80 = arith.constant 0 : i32
          %dma_start3A_81 = tpu.memref_slice %arg4[%mul3A_73, %dma_start3A_80] : memref<400000x128xf32, #tpu.memory_space<hbm>> -> memref<128x128xf32, #tpu.memory_space<hbm>>
          %dma_start3A_82 = arith.constant 0 : i32
          %dma_start3A_83 = tpu.memref_slice %arg4[%mul3A_73, %dma_start3A_82] : memref<400000x128xf32, #tpu.memory_space<hbm>> -> memref<128x128xf32, #tpu.memory_space<hbm>>
          %dma_start3A_84 = arith.constant 0 : i32
          %dma_start3A_85 = arith.constant 0 : i32
          %dma_start3A_86 = tpu.memref_slice %arg6[%run_scoped3A_74, %dma_start3A_84, %dma_start3A_85] : memref<2x128x128xf32, #tpu.memory_space<vmem>> -> memref<1x128x128xf32, #tpu.memory_space<vmem>>
          %dma_start3A_87 = tpu.memref_squeeze %dma_start3A_86 : memref<1x128x128xf32, #tpu.memory_space<vmem>> -> memref<128x128xf32, #tpu.memory_space<vmem>>
          tpu.enqueue_dma source(%dma_start3A_87 : memref<128x128xf32, #tpu.memory_space<vmem>>) target(%dma_start3A_83 : memref<128x128xf32, #tpu.memory_space<hbm>>) target_semaphore(%run_scoped3A_75 : memref<!tpu.dma_semaphore, #tpu.memory_space<semaphore_mem>>)
          %dma_wait3A_88 = arith.constant 0 : i32
          %dma_wait3A_89 = arith.constant 0 : i32
          %dma_wait3A_90 = tpu.memref_slice %arg6[%run_scoped3A_74, %dma_wait3A_88, %dma_wait3A_89] : memref<2x128x128xf32, #tpu.memory_space<vmem>> -> memref<1x128x128xf32, #tpu.memory_space<vmem>>
          %dma_wait3A_91 = tpu.memref_squeeze %dma_wait3A_90 : memref<1x128x128xf32, #tpu.memory_space<vmem>> -> memref<128x128xf32, #tpu.memory_space<vmem>>
          %dma_wait3A_92 = arith.constant 0 : i32
          %dma_wait3A_93 = tpu.memref_slice %arg4[%mul3A_73, %dma_wait3A_92] : memref<400000x128xf32, #tpu.memory_space<hbm>> -> memref<128x128xf32, #tpu.memory_space<hbm>>
          %dma_wait3A_94 = arith.constant 0 : i32
          %dma_wait3A_95 = tpu.memref_slice %arg4[%mul3A_73, %dma_wait3A_94] : memref<400000x128xf32, #tpu.memory_space<hbm>> -> memref<128x128xf32, #tpu.memory_space<hbm>>
          %dma_wait3A_96 = arith.constant 0 : i32
          %dma_wait3A_97 = arith.constant 0 : i32
          %dma_wait3A_98 = tpu.memref_slice %arg6[%run_scoped3A_74, %dma_wait3A_96, %dma_wait3A_97] : memref<2x128x128xf32, #tpu.memory_space<vmem>> -> memref<1x128x128xf32, #tpu.memory_space<vmem>>
          %dma_wait3A_99 = tpu.memref_squeeze %dma_wait3A_98 : memref<1x128x128xf32, #tpu.memory_space<vmem>> -> memref<128x128xf32, #tpu.memory_space<vmem>>
          tpu.wait_dma2 semaphore(%run_scoped3A_75 : memref<!tpu.dma_semaphore, #tpu.memory_space<semaphore_mem>>) src(%dma_wait3A_99 : memref<128x128xf32, #tpu.memory_space<vmem>>) dst(%dma_wait3A_95 : memref<128x128xf32, #tpu.memory_space<hbm>>)
          tpu.yield
        }) : () -> ()
      } else {
      }
    }
    %scan3A_18 = arith.constant 49 : i32
    return
  }
}

#map = affine_map<(d0, d1) -> (0)>
#map1 = affine_map<(d0, d1) -> (0, 0)>
module attributes {stable_mosaic.version = 14 : i64} {
  func.func @_gather(%arg0: i32, %arg1: i32, %arg2: memref<400000xi32, #tpu.memory_space<hbm>>, %arg3: memref<50000x128xf32, #tpu.memory_space<hbm>>, %arg4: memref<400000x128xf32, #tpu.memory_space<hbm>>, %arg5: memref<2x128xi32, #tpu.memory_space<vmem>>, %arg6: memref<2x128x128xf32, #tpu.memory_space<vmem>>, %arg7: memref<!tpu.dma_semaphore, #tpu.memory_space<semaphore_mem>>, %arg8: memref<!tpu.dma_semaphore, #tpu.memory_space<semaphore_mem>>) attributes {dimension_semantics = [#tpu.dimension_semantics<core_parallel>, #tpu.dimension_semantics<subcore_parallel>], iteration_bounds = array<i64: 2, 16>, scalar_prefetch = 0 : i64, scratch_operands = 4 : i64, tpu.core_type = #tpu.core_type<sc_vector_subcore>, window_params = [{transform_indices = #map}, {transform_indices = #map1}, {transform_indices = #map1}]} {
    %mul3A = arith.constant 2 : i32
    %mul3A_0 = arith.muli %arg1, %mul3A : i32
    %add3A = arith.addi %mul3A_0, %arg0 : i32
    %mul3A_1 = arith.constant 128 : i32
    %mul3A_2 = arith.muli %add3A, %mul3A_1 : i32
    %run_scoped3A = arith.constant 0 : i32
    "tpu.region"() ({
      %run_scoped3A_19 = tpu.sem_alloc : memref<!tpu.dma_semaphore, #tpu.memory_space<semaphore_mem>>
      %dma_start3A_20 = arith.constant 0 : i32
      %dma_start3A_21 = tpu.memref_slice %arg5[%run_scoped3A, %dma_start3A_20] : memref<2x128xi32, #tpu.memory_space<vmem>> -> memref<1x128xi32, #tpu.memory_space<vmem>>
      %dma_start3A_22 = tpu.memref_squeeze %dma_start3A_21 : memref<1x128xi32, #tpu.memory_space<vmem>> -> memref<128xi32, #tpu.memory_space<vmem>>
      %dma_start3A_23 = tpu.memref_slice %arg2[%mul3A_2] : memref<400000xi32, #tpu.memory_space<hbm>> -> memref<128xi32, #tpu.memory_space<hbm>>
      %dma_start3A_24 = arith.constant 0 : i32
      %dma_start3A_25 = tpu.memref_slice %arg5[%run_scoped3A, %dma_start3A_24] : memref<2x128xi32, #tpu.memory_space<vmem>> -> memref<1x128xi32, #tpu.memory_space<vmem>>
      %dma_start3A_26 = tpu.memref_squeeze %dma_start3A_25 : memref<1x128xi32, #tpu.memory_space<vmem>> -> memref<128xi32, #tpu.memory_space<vmem>>
      %dma_start3A_27 = tpu.memref_slice %arg2[%mul3A_2] : memref<400000xi32, #tpu.memory_space<hbm>> -> memref<128xi32, #tpu.memory_space<hbm>>
      tpu.enqueue_dma source(%dma_start3A_27 : memref<128xi32, #tpu.memory_space<hbm>>) target(%dma_start3A_26 : memref<128xi32, #tpu.memory_space<vmem>>) target_semaphore(%run_scoped3A_19 : memref<!tpu.dma_semaphore, #tpu.memory_space<semaphore_mem>>)
      %dma_wait3A = arith.constant 0 : i32
      %dma_wait3A_28 = tpu.memref_slice %arg5[%run_scoped3A, %dma_wait3A] : memref<2x128xi32, #tpu.memory_space<vmem>> -> memref<1x128xi32, #tpu.memory_space<vmem>>
      %dma_wait3A_29 = tpu.memref_squeeze %dma_wait3A_28 : memref<1x128xi32, #tpu.memory_space<vmem>> -> memref<128xi32, #tpu.memory_space<vmem>>
      %dma_wait3A_30 = tpu.memref_slice %arg2[%mul3A_2] : memref<400000xi32, #tpu.memory_space<hbm>> -> memref<128xi32, #tpu.memory_space<hbm>>
      %dma_wait3A_31 = arith.constant 0 : i32
      %dma_wait3A_32 = tpu.memref_slice %arg5[%run_scoped3A, %dma_wait3A_31] : memref<2x128xi32, #tpu.memory_space<vmem>> -> memref<1x128xi32, #tpu.memory_space<vmem>>
      %dma_wait3A_33 = tpu.memref_squeeze %dma_wait3A_32 : memref<1x128xi32, #tpu.memory_space<vmem>> -> memref<128xi32, #tpu.memory_space<vmem>>
      %dma_wait3A_34 = tpu.memref_slice %arg2[%mul3A_2] : memref<400000xi32, #tpu.memory_space<hbm>> -> memref<128xi32, #tpu.memory_space<hbm>>
      tpu.wait_dma2 semaphore(%run_scoped3A_19 : memref<!tpu.dma_semaphore, #tpu.memory_space<semaphore_mem>>) src(%dma_wait3A_34 : memref<128xi32, #tpu.memory_space<hbm>>) dst(%dma_wait3A_33 : memref<128xi32, #tpu.memory_space<vmem>>)
      tpu.yield
    }) : () -> ()
    %dma_start3A = arith.constant 0 : i32
    %dma_start3A_3 = arith.constant 0 : i32
    %dma_start3A_4 = arith.constant 0 : i32
    %dma_start3A_5 = arith.constant 0 : i32
    %dma_start3A_6 = tpu.memref_slice %arg6[%dma_start3A_3, %dma_start3A_4, %dma_start3A_5] : memref<2x128x128xf32, #tpu.memory_space<vmem>> -> memref<1x128x128xf32, #tpu.memory_space<vmem>>
    %dma_start3A_7 = tpu.memref_squeeze %dma_start3A_6 : memref<1x128x128xf32, #tpu.memory_space<vmem>> -> memref<128x128xf32, #tpu.memory_space<vmem>>
    %dma_start3A_8 = arith.constant 0 : i32
    %dma_start3A_9 = tpu.memref_slice %arg5[%dma_start3A, %dma_start3A_8] : memref<2x128xi32, #tpu.memory_space<vmem>> -> memref<1x128xi32, #tpu.memory_space<vmem>>
    %dma_start3A_10 = tpu.memref_squeeze %dma_start3A_9 : memref<1x128xi32, #tpu.memory_space<vmem>> -> memref<128xi32, #tpu.memory_space<vmem>>
    %dma_start3A_11 = arith.constant 0 : i32
    %dma_start3A_12 = arith.constant 0 : i32
    %dma_start3A_13 = tpu.memref_slice %arg3[%dma_start3A_11, %dma_start3A_12] : memref<50000x128xf32, #tpu.memory_space<hbm>> -> memref<50000x128xf32, #tpu.memory_space<hbm>>
    tpu.enqueue_indirect_dma source(%dma_start3A_13 : memref<50000x128xf32, #tpu.memory_space<hbm>>) target(%dma_start3A_7 : memref<128x128xf32, #tpu.memory_space<vmem>>) offsets(%dma_start3A_10 : memref<128xi32, #tpu.memory_space<vmem>>) semaphore(%arg7 : memref<!tpu.dma_semaphore, #tpu.memory_space<semaphore_mem>>)
    %scan3A = arith.constant 0 : i32
    %scan3A_14 = arith.constant 0 : i32
    %scan3A_15 = arith.constant 49 : i32
    %scan3A_16 = arith.addi %scan3A_14, %scan3A_15 : i32
    %scan3A_17 = arith.constant 1 : i32
    scf.for %scan3A_19 = %scan3A_14 to %scan3A_16 step %scan3A_17  : i32 {
      %mul3A_20 = arith.constant 2 : i32
      %mul3A_21 = arith.muli %mul3A_20, %scan3A_19 : i32
      %add3A_22 = arith.constant 0 : i32
      %add3A_23 = arith.addi %mul3A_21, %add3A_22 : i32
      %add3A_24 = arith.constant 1 : i32
      %add3A_25 = arith.addi %add3A_23, %add3A_24 : i32
      %mul3A_26 = arith.constant 32 : i32
      %mul3A_27 = arith.muli %add3A_25, %mul3A_26 : i32
      %add3A_28 = arith.addi %mul3A_27, %add3A : i32
      %lt3A = arith.constant 3125 : i32
      %lt3A_29 = arith.cmpi slt, %add3A_28, %lt3A : i32
      %convert_element_type3A = arith.extui %lt3A_29 : i1 to i32
      %cond3A = arith.constant 0 : i32
      %cond3A_30 = arith.cmpi ne, %convert_element_type3A, %cond3A : i32
      scf.if %cond3A_30 {
        %mul3A_61 = arith.constant 128 : i32
        %mul3A_62 = arith.muli %add3A_28, %mul3A_61 : i32
        %run_scoped3A_63 = arith.constant 1 : i32
        "tpu.region"() ({
          %run_scoped3A_76 = tpu.sem_alloc : memref<!tpu.dma_semaphore, #tpu.memory_space<semaphore_mem>>
          %dma_start3A_77 = arith.constant 0 : i32
          %dma_start3A_78 = tpu.memref_slice %arg5[%run_scoped3A_63, %dma_start3A_77] : memref<2x128xi32, #tpu.memory_space<vmem>> -> memref<1x128xi32, #tpu.memory_space<vmem>>
          %dma_start3A_79 = tpu.memref_squeeze %dma_start3A_78 : memref<1x128xi32, #tpu.memory_space<vmem>> -> memref<128xi32, #tpu.memory_space<vmem>>
          %dma_start3A_80 = tpu.memref_slice %arg2[%mul3A_62] : memref<400000xi32, #tpu.memory_space<hbm>> -> memref<128xi32, #tpu.memory_space<hbm>>
          %dma_start3A_81 = arith.constant 0 : i32
          %dma_start3A_82 = tpu.memref_slice %arg5[%run_scoped3A_63, %dma_start3A_81] : memref<2x128xi32, #tpu.memory_space<vmem>> -> memref<1x128xi32, #tpu.memory_space<vmem>>
          %dma_start3A_83 = tpu.memref_squeeze %dma_start3A_82 : memref<1x128xi32, #tpu.memory_space<vmem>> -> memref<128xi32, #tpu.memory_space<vmem>>
          %dma_start3A_84 = tpu.memref_slice %arg2[%mul3A_62] : memref<400000xi32, #tpu.memory_space<hbm>> -> memref<128xi32, #tpu.memory_space<hbm>>
          tpu.enqueue_dma source(%dma_start3A_84 : memref<128xi32, #tpu.memory_space<hbm>>) target(%dma_start3A_83 : memref<128xi32, #tpu.memory_space<vmem>>) target_semaphore(%run_scoped3A_76 : memref<!tpu.dma_semaphore, #tpu.memory_space<semaphore_mem>>)
          %dma_wait3A = arith.constant 0 : i32
          %dma_wait3A_85 = tpu.memref_slice %arg5[%run_scoped3A_63, %dma_wait3A] : memref<2x128xi32, #tpu.memory_space<vmem>> -> memref<1x128xi32, #tpu.memory_space<vmem>>
          %dma_wait3A_86 = tpu.memref_squeeze %dma_wait3A_85 : memref<1x128xi32, #tpu.memory_space<vmem>> -> memref<128xi32, #tpu.memory_space<vmem>>
          %dma_wait3A_87 = tpu.memref_slice %arg2[%mul3A_62] : memref<400000xi32, #tpu.memory_space<hbm>> -> memref<128xi32, #tpu.memory_space<hbm>>
          %dma_wait3A_88 = arith.constant 0 : i32
          %dma_wait3A_89 = tpu.memref_slice %arg5[%run_scoped3A_63, %dma_wait3A_88] : memref<2x128xi32, #tpu.memory_space<vmem>> -> memref<1x128xi32, #tpu.memory_space<vmem>>
          %dma_wait3A_90 = tpu.memref_squeeze %dma_wait3A_89 : memref<1x128xi32, #tpu.memory_space<vmem>> -> memref<128xi32, #tpu.memory_space<vmem>>
          %dma_wait3A_91 = tpu.memref_slice %arg2[%mul3A_62] : memref<400000xi32, #tpu.memory_space<hbm>> -> memref<128xi32, #tpu.memory_space<hbm>>
          tpu.wait_dma2 semaphore(%run_scoped3A_76 : memref<!tpu.dma_semaphore, #tpu.memory_space<semaphore_mem>>) src(%dma_wait3A_91 : memref<128xi32, #tpu.memory_space<hbm>>) dst(%dma_wait3A_90 : memref<128xi32, #tpu.memory_space<vmem>>)
          tpu.yield
        }) : () -> ()
        %dma_start3A_64 = arith.constant 1 : i32
        %dma_start3A_65 = arith.constant 1 : i32
        %dma_start3A_66 = arith.constant 0 : i32
        %dma_start3A_67 = arith.constant 0 : i32
        %dma_start3A_68 = tpu.memref_slice %arg6[%dma_start3A_65, %dma_start3A_66, %dma_start3A_67] : memref<2x128x128xf32, #tpu.memory_space<vmem>> -> memref<1x128x128xf32, #tpu.memory_space<vmem>>
        %dma_start3A_69 = tpu.memref_squeeze %dma_start3A_68 : memref<1x128x128xf32, #tpu.memory_space<vmem>> -> memref<128x128xf32, #tpu.memory_space<vmem>>
        %dma_start3A_70 = arith.constant 0 : i32
        %dma_start3A_71 = tpu.memref_slice %arg5[%dma_start3A_64, %dma_start3A_70] : memref<2x128xi32, #tpu.memory_space<vmem>> -> memref<1x128xi32, #tpu.memory_space<vmem>>
        %dma_start3A_72 = tpu.memref_squeeze %dma_start3A_71 : memref<1x128xi32, #tpu.memory_space<vmem>> -> memref<128xi32, #tpu.memory_space<vmem>>
        %dma_start3A_73 = arith.constant 0 : i32
        %dma_start3A_74 = arith.constant 0 : i32
        %dma_start3A_75 = tpu.memref_slice %arg3[%dma_start3A_73, %dma_start3A_74] : memref<50000x128xf32, #tpu.memory_space<hbm>> -> memref<50000x128xf32, #tpu.memory_space<hbm>>
        tpu.enqueue_indirect_dma source(%dma_start3A_75 : memref<50000x128xf32, #tpu.memory_space<hbm>>) target(%dma_start3A_69 : memref<128x128xf32, #tpu.memory_space<vmem>>) offsets(%dma_start3A_72 : memref<128xi32, #tpu.memory_space<vmem>>) semaphore(%arg8 : memref<!tpu.dma_semaphore, #tpu.memory_space<semaphore_mem>>)
      } else {
      }
      %mul3A_31 = arith.constant 32 : i32
      %mul3A_32 = arith.muli %add3A_23, %mul3A_31 : i32
      %add3A_33 = arith.addi %mul3A_32, %add3A : i32
      %lt3A_34 = arith.constant 3125 : i32
      %lt3A_35 = arith.cmpi slt, %add3A_33, %lt3A_34 : i32
      %convert_element_type3A_36 = arith.extui %lt3A_35 : i1 to i32
      %cond3A_37 = arith.constant 0 : i32
      %cond3A_38 = arith.cmpi ne, %convert_element_type3A_36, %cond3A_37 : i32
      scf.if %cond3A_38 {
        %dma_wait3A = arith.constant 0 : i32
        %dma_wait3A_61 = arith.constant 0 : i32
        %dma_wait3A_62 = arith.constant 0 : i32
        %dma_wait3A_63 = arith.constant 0 : i32
        %dma_wait3A_64 = tpu.memref_slice %arg6[%dma_wait3A_61, %dma_wait3A_62, %dma_wait3A_63] : memref<2x128x128xf32, #tpu.memory_space<vmem>> -> memref<1x128x128xf32, #tpu.memory_space<vmem>>
        %dma_wait3A_65 = tpu.memref_squeeze %dma_wait3A_64 : memref<1x128x128xf32, #tpu.memory_space<vmem>> -> memref<128x128xf32, #tpu.memory_space<vmem>>
        %dma_wait3A_66 = arith.constant 0 : i32
        %dma_wait3A_67 = tpu.memref_slice %arg5[%dma_wait3A, %dma_wait3A_66] : memref<2x128xi32, #tpu.memory_space<vmem>> -> memref<1x128xi32, #tpu.memory_space<vmem>>
        %dma_wait3A_68 = tpu.memref_squeeze %dma_wait3A_67 : memref<1x128xi32, #tpu.memory_space<vmem>> -> memref<128xi32, #tpu.memory_space<vmem>>
        %dma_wait3A_69 = arith.constant 0 : i32
        %dma_wait3A_70 = arith.constant 0 : i32
        %dma_wait3A_71 = tpu.memref_slice %arg3[%dma_wait3A_69, %dma_wait3A_70] : memref<50000x128xf32, #tpu.memory_space<hbm>> -> memref<50000x128xf32, #tpu.memory_space<hbm>>
        tpu.wait_indirect_dma semaphore(%arg7 : memref<!tpu.dma_semaphore, #tpu.memory_space<semaphore_mem>>) src(%dma_wait3A_71 : memref<50000x128xf32, #tpu.memory_space<hbm>>) dst(%dma_wait3A_65 : memref<128x128xf32, #tpu.memory_space<vmem>>)
        %mul3A_72 = arith.constant 128 : i32
        %mul3A_73 = arith.muli %add3A_33, %mul3A_72 : i32
        %run_scoped3A_74 = arith.constant 0 : i32
        "tpu.region"() ({
          %run_scoped3A_75 = tpu.sem_alloc : memref<!tpu.dma_semaphore, #tpu.memory_space<semaphore_mem>>
          %dma_start3A_76 = arith.constant 0 : i32
          %dma_start3A_77 = arith.constant 0 : i32
          %dma_start3A_78 = tpu.memref_slice %arg6[%run_scoped3A_74, %dma_start3A_76, %dma_start3A_77] : memref<2x128x128xf32, #tpu.memory_space<vmem>> -> memref<1x128x128xf32, #tpu.memory_space<vmem>>
          %dma_start3A_79 = tpu.memref_squeeze %dma_start3A_78 : memref<1x128x128xf32, #tpu.memory_space<vmem>> -> memref<128x128xf32, #tpu.memory_space<vmem>>
          %dma_start3A_80 = arith.constant 0 : i32
          %dma_start3A_81 = tpu.memref_slice %arg4[%mul3A_73, %dma_start3A_80] : memref<400000x128xf32, #tpu.memory_space<hbm>> -> memref<128x128xf32, #tpu.memory_space<hbm>>
          %dma_start3A_82 = arith.constant 0 : i32
          %dma_start3A_83 = tpu.memref_slice %arg4[%mul3A_73, %dma_start3A_82] : memref<400000x128xf32, #tpu.memory_space<hbm>> -> memref<128x128xf32, #tpu.memory_space<hbm>>
          %dma_start3A_84 = arith.constant 0 : i32
          %dma_start3A_85 = arith.constant 0 : i32
          %dma_start3A_86 = tpu.memref_slice %arg6[%run_scoped3A_74, %dma_start3A_84, %dma_start3A_85] : memref<2x128x128xf32, #tpu.memory_space<vmem>> -> memref<1x128x128xf32, #tpu.memory_space<vmem>>
          %dma_start3A_87 = tpu.memref_squeeze %dma_start3A_86 : memref<1x128x128xf32, #tpu.memory_space<vmem>> -> memref<128x128xf32, #tpu.memory_space<vmem>>
          tpu.enqueue_dma source(%dma_start3A_87 : memref<128x128xf32, #tpu.memory_space<vmem>>) target(%dma_start3A_83 : memref<128x128xf32, #tpu.memory_space<hbm>>) target_semaphore(%run_scoped3A_75 : memref<!tpu.dma_semaphore, #tpu.memory_space<semaphore_mem>>)
          %dma_wait3A_88 = arith.constant 0 : i32
          %dma_wait3A_89 = arith.constant 0 : i32
          %dma_wait3A_90 = tpu.memref_slice %arg6[%run_scoped3A_74, %dma_wait3A_88, %dma_wait3A_89] : memref<2x128x128xf32, #tpu.memory_space<vmem>> -> memref<1x128x128xf32, #tpu.memory_space<vmem>>
          %dma_wait3A_91 = tpu.memref_squeeze %dma_wait3A_90 : memref<1x128x128xf32, #tpu.memory_space<vmem>> -> memref<128x128xf32, #tpu.memory_space<vmem>>
          %dma_wait3A_92 = arith.constant 0 : i32
          %dma_wait3A_93 = tpu.memref_slice %arg4[%mul3A_73, %dma_wait3A_92] : memref<400000x128xf32, #tpu.memory_space<hbm>> -> memref<128x128xf32, #tpu.memory_space<hbm>>
          %dma_wait3A_94 = arith.constant 0 : i32
          %dma_wait3A_95 = tpu.memref_slice %arg4[%mul3A_73, %dma_wait3A_94] : memref<400000x128xf32, #tpu.memory_space<hbm>> -> memref<128x128xf32, #tpu.memory_space<hbm>>
          %dma_wait3A_96 = arith.constant 0 : i32
          %dma_wait3A_97 = arith.constant 0 : i32
          %dma_wait3A_98 = tpu.memref_slice %arg6[%run_scoped3A_74, %dma_wait3A_96, %dma_wait3A_97] : memref<2x128x128xf32, #tpu.memory_space<vmem>> -> memref<1x128x128xf32, #tpu.memory_space<vmem>>
          %dma_wait3A_99 = tpu.memref_squeeze %dma_wait3A_98 : memref<1x128x128xf32, #tpu.memory_space<vmem>> -> memref<128x128xf32, #tpu.memory_space<vmem>>
          tpu.wait_dma2 semaphore(%run_scoped3A_75 : memref<!tpu.dma_semaphore, #tpu.memory_space<semaphore_mem>>) src(%dma_wait3A_99 : memref<128x128xf32, #tpu.memory_space<vmem>>) dst(%dma_wait3A_95 : memref<128x128xf32, #tpu.memory_space<hbm>>)
          tpu.yield
        }) : () -> ()
      } else {
      }
      %mul3A_39 = arith.constant 2 : i32
      %mul3A_40 = arith.muli %mul3A_39, %scan3A_19 : i32
      %add3A_41 = arith.constant 1 : i32
      %add3A_42 = arith.addi %mul3A_40, %add3A_41 : i32
      %add3A_43 = arith.constant 1 : i32
      %add3A_44 = arith.addi %add3A_42, %add3A_43 : i32
      %mul3A_45 = arith.constant 32 : i32
      %mul3A_46 = arith.muli %add3A_44, %mul3A_45 : i32
      %add3A_47 = arith.addi %mul3A_46, %add3A : i32
      %lt3A_48 = arith.constant 3125 : i32
      %lt3A_49 = arith.cmpi slt, %add3A_47, %lt3A_48 : i32
      %convert_element_type3A_50 = arith.extui %lt3A_49 : i1 to i32
      %cond3A_51 = arith.constant 0 : i32
      %cond3A_52 = arith.cmpi ne, %convert_element_type3A_50, %cond3A_51 : i32
      scf.if %cond3A_52 {
        %mul3A_61 = arith.constant 128 : i32
        %mul3A_62 = arith.muli %add3A_47, %mul3A_61 : i32
        %run_scoped3A_63 = arith.constant 0 : i32
        "tpu.region"() ({
          %run_scoped3A_76 = tpu.sem_alloc : memref<!tpu.dma_semaphore, #tpu.memory_space<semaphore_mem>>
          %dma_start3A_77 = arith.constant 0 : i32
          %dma_start3A_78 = tpu.memref_slice %arg5[%run_scoped3A_63, %dma_start3A_77] : memref<2x128xi32, #tpu.memory_space<vmem>> -> memref<1x128xi32, #tpu.memory_space<vmem>>
          %dma_start3A_79 = tpu.memref_squeeze %dma_start3A_78 : memref<1x128xi32, #tpu.memory_space<vmem>> -> memref<128xi32, #tpu.memory_space<vmem>>
          %dma_start3A_80 = tpu.memref_slice %arg2[%mul3A_62] : memref<400000xi32, #tpu.memory_space<hbm>> -> memref<128xi32, #tpu.memory_space<hbm>>
          %dma_start3A_81 = arith.constant 0 : i32
          %dma_start3A_82 = tpu.memref_slice %arg5[%run_scoped3A_63, %dma_start3A_81] : memref<2x128xi32, #tpu.memory_space<vmem>> -> memref<1x128xi32, #tpu.memory_space<vmem>>
          %dma_start3A_83 = tpu.memref_squeeze %dma_start3A_82 : memref<1x128xi32, #tpu.memory_space<vmem>> -> memref<128xi32, #tpu.memory_space<vmem>>
          %dma_start3A_84 = tpu.memref_slice %arg2[%mul3A_62] : memref<400000xi32, #tpu.memory_space<hbm>> -> memref<128xi32, #tpu.memory_space<hbm>>
          tpu.enqueue_dma source(%dma_start3A_84 : memref<128xi32, #tpu.memory_space<hbm>>) target(%dma_start3A_83 : memref<128xi32, #tpu.memory_space<vmem>>) target_semaphore(%run_scoped3A_76 : memref<!tpu.dma_semaphore, #tpu.memory_space<semaphore_mem>>)
          %dma_wait3A = arith.constant 0 : i32
          %dma_wait3A_85 = tpu.memref_slice %arg5[%run_scoped3A_63, %dma_wait3A] : memref<2x128xi32, #tpu.memory_space<vmem>> -> memref<1x128xi32, #tpu.memory_space<vmem>>
          %dma_wait3A_86 = tpu.memref_squeeze %dma_wait3A_85 : memref<1x128xi32, #tpu.memory_space<vmem>> -> memref<128xi32, #tpu.memory_space<vmem>>
          %dma_wait3A_87 = tpu.memref_slice %arg2[%mul3A_62] : memref<400000xi32, #tpu.memory_space<hbm>> -> memref<128xi32, #tpu.memory_space<hbm>>
          %dma_wait3A_88 = arith.constant 0 : i32
          %dma_wait3A_89 = tpu.memref_slice %arg5[%run_scoped3A_63, %dma_wait3A_88] : memref<2x128xi32, #tpu.memory_space<vmem>> -> memref<1x128xi32, #tpu.memory_space<vmem>>
          %dma_wait3A_90 = tpu.memref_squeeze %dma_wait3A_89 : memref<1x128xi32, #tpu.memory_space<vmem>> -> memref<128xi32, #tpu.memory_space<vmem>>
          %dma_wait3A_91 = tpu.memref_slice %arg2[%mul3A_62] : memref<400000xi32, #tpu.memory_space<hbm>> -> memref<128xi32, #tpu.memory_space<hbm>>
          tpu.wait_dma2 semaphore(%run_scoped3A_76 : memref<!tpu.dma_semaphore, #tpu.memory_space<semaphore_mem>>) src(%dma_wait3A_91 : memref<128xi32, #tpu.memory_space<hbm>>) dst(%dma_wait3A_90 : memref<128xi32, #tpu.memory_space<vmem>>)
          tpu.yield
        }) : () -> ()
        %dma_start3A_64 = arith.constant 0 : i32
        %dma_start3A_65 = arith.constant 0 : i32
        %dma_start3A_66 = arith.constant 0 : i32
        %dma_start3A_67 = arith.constant 0 : i32
        %dma_start3A_68 = tpu.memref_slice %arg6[%dma_start3A_65, %dma_start3A_66, %dma_start3A_67] : memref<2x128x128xf32, #tpu.memory_space<vmem>> -> memref<1x128x128xf32, #tpu.memory_space<vmem>>
        %dma_start3A_69 = tpu.memref_squeeze %dma_start3A_68 : memref<1x128x128xf32, #tpu.memory_space<vmem>> -> memref<128x128xf32, #tpu.memory_space<vmem>>
        %dma_start3A_70 = arith.constant 0 : i32
        %dma_start3A_71 = tpu.memref_slice %arg5[%dma_start3A_64, %dma_start3A_70] : memref<2x128xi32, #tpu.memory_space<vmem>> -> memref<1x128xi32, #tpu.memory_space<vmem>>
        %dma_start3A_72 = tpu.memref_squeeze %dma_start3A_71 : memref<1x128xi32, #tpu.memory_space<vmem>> -> memref<128xi32, #tpu.memory_space<vmem>>
        %dma_start3A_73 = arith.constant 0 : i32
        %dma_start3A_74 = arith.constant 0 : i32
        %dma_start3A_75 = tpu.memref_slice %arg3[%dma_start3A_73, %dma_start3A_74] : memref<50000x128xf32, #tpu.memory_space<hbm>> -> memref<50000x128xf32, #tpu.memory_space<hbm>>
        tpu.enqueue_indirect_dma source(%dma_start3A_75 : memref<50000x128xf32, #tpu.memory_space<hbm>>) target(%dma_start3A_69 : memref<128x128xf32, #tpu.memory_space<vmem>>) offsets(%dma_start3A_72 : memref<128xi32, #tpu.memory_space<vmem>>) semaphore(%arg7 : memref<!tpu.dma_semaphore, #tpu.memory_space<semaphore_mem>>)
      } else {
      }
      %mul3A_53 = arith.constant 32 : i32
      %mul3A_54 = arith.muli %add3A_42, %mul3A_53 : i32
      %add3A_55 = arith.addi %mul3A_54, %add3A : i32
      %lt3A_56 = arith.constant 3125 : i32
      %lt3A_57 = arith.cmpi slt, %add3A_55, %lt3A_56 : i32
      %convert_element_type3A_58 = arith.extui %lt3A_57 : i1 to i32
      %cond3A_59 = arith.constant 0 : i32
      %cond3A_60 = arith.cmpi ne, %convert_element_type3A_58, %cond3A_59 : i32
      scf.if %cond3A_60 {
        %dma_wait3A = arith.constant 1 : i32
        %dma_wait3A_61 = arith.constant 1 : i32
        %dma_wait3A_62 = arith.constant 0 : i32
        %dma_wait3A_63 = arith.constant 0 : i32
        %dma_wait3A_64 = tpu.memref_slice %arg6[%dma_wait3A_61, %dma_wait3A_62, %dma_wait3A_63] : memref<2x128x128xf32, #tpu.memory_space<vmem>> -> memref<1x128x128xf32, #tpu.memory_space<vmem>>
        %dma_wait3A_65 = tpu.memref_squeeze %dma_wait3A_64 : memref<1x128x128xf32, #tpu.memory_space<vmem>> -> memref<128x128xf32, #tpu.memory_space<vmem>>
        %dma_wait3A_66 = arith.constant 0 : i32
        %dma_wait3A_67 = tpu.memref_slice %arg5[%dma_wait3A, %dma_wait3A_66] : memref<2x128xi32, #tpu.memory_space<vmem>> -> memref<1x128xi32, #tpu.memory_space<vmem>>
        %dma_wait3A_68 = tpu.memref_squeeze %dma_wait3A_67 : memref<1x128xi32, #tpu.memory_space<vmem>> -> memref<128xi32, #tpu.memory_space<vmem>>
        %dma_wait3A_69 = arith.constant 0 : i32
        %dma_wait3A_70 = arith.constant 0 : i32
        %dma_wait3A_71 = tpu.memref_slice %arg3[%dma_wait3A_69, %dma_wait3A_70] : memref<50000x128xf32, #tpu.memory_space<hbm>> -> memref<50000x128xf32, #tpu.memory_space<hbm>>
        tpu.wait_indirect_dma semaphore(%arg8 : memref<!tpu.dma_semaphore, #tpu.memory_space<semaphore_mem>>) src(%dma_wait3A_71 : memref<50000x128xf32, #tpu.memory_space<hbm>>) dst(%dma_wait3A_65 : memref<128x128xf32, #tpu.memory_space<vmem>>)
        %mul3A_72 = arith.constant 128 : i32
        %mul3A_73 = arith.muli %add3A_55, %mul3A_72 : i32
        %run_scoped3A_74 = arith.constant 1 : i32
        "tpu.region"() ({
          %run_scoped3A_75 = tpu.sem_alloc : memref<!tpu.dma_semaphore, #tpu.memory_space<semaphore_mem>>
          %dma_start3A_76 = arith.constant 0 : i32
          %dma_start3A_77 = arith.constant 0 : i32
          %dma_start3A_78 = tpu.memref_slice %arg6[%run_scoped3A_74, %dma_start3A_76, %dma_start3A_77] : memref<2x128x128xf32, #tpu.memory_space<vmem>> -> memref<1x128x128xf32, #tpu.memory_space<vmem>>
          %dma_start3A_79 = tpu.memref_squeeze %dma_start3A_78 : memref<1x128x128xf32, #tpu.memory_space<vmem>> -> memref<128x128xf32, #tpu.memory_space<vmem>>
          %dma_start3A_80 = arith.constant 0 : i32
          %dma_start3A_81 = tpu.memref_slice %arg4[%mul3A_73, %dma_start3A_80] : memref<400000x128xf32, #tpu.memory_space<hbm>> -> memref<128x128xf32, #tpu.memory_space<hbm>>
          %dma_start3A_82 = arith.constant 0 : i32
          %dma_start3A_83 = tpu.memref_slice %arg4[%mul3A_73, %dma_start3A_82] : memref<400000x128xf32, #tpu.memory_space<hbm>> -> memref<128x128xf32, #tpu.memory_space<hbm>>
          %dma_start3A_84 = arith.constant 0 : i32
          %dma_start3A_85 = arith.constant 0 : i32
          %dma_start3A_86 = tpu.memref_slice %arg6[%run_scoped3A_74, %dma_start3A_84, %dma_start3A_85] : memref<2x128x128xf32, #tpu.memory_space<vmem>> -> memref<1x128x128xf32, #tpu.memory_space<vmem>>
          %dma_start3A_87 = tpu.memref_squeeze %dma_start3A_86 : memref<1x128x128xf32, #tpu.memory_space<vmem>> -> memref<128x128xf32, #tpu.memory_space<vmem>>
          tpu.enqueue_dma source(%dma_start3A_87 : memref<128x128xf32, #tpu.memory_space<vmem>>) target(%dma_start3A_83 : memref<128x128xf32, #tpu.memory_space<hbm>>) target_semaphore(%run_scoped3A_75 : memref<!tpu.dma_semaphore, #tpu.memory_space<semaphore_mem>>)
          %dma_wait3A_88 = arith.constant 0 : i32
          %dma_wait3A_89 = arith.constant 0 : i32
          %dma_wait3A_90 = tpu.memref_slice %arg6[%run_scoped3A_74, %dma_wait3A_88, %dma_wait3A_89] : memref<2x128x128xf32, #tpu.memory_space<vmem>> -> memref<1x128x128xf32, #tpu.memory_space<vmem>>
          %dma_wait3A_91 = tpu.memref_squeeze %dma_wait3A_90 : memref<1x128x128xf32, #tpu.memory_space<vmem>> -> memref<128x128xf32, #tpu.memory_space<vmem>>
          %dma_wait3A_92 = arith.constant 0 : i32
          %dma_wait3A_93 = tpu.memref_slice %arg4[%mul3A_73, %dma_wait3A_92] : memref<400000x128xf32, #tpu.memory_space<hbm>> -> memref<128x128xf32, #tpu.memory_space<hbm>>
          %dma_wait3A_94 = arith.constant 0 : i32
          %dma_wait3A_95 = tpu.memref_slice %arg4[%mul3A_73, %dma_wait3A_94] : memref<400000x128xf32, #tpu.memory_space<hbm>> -> memref<128x128xf32, #tpu.memory_space<hbm>>
          %dma_wait3A_96 = arith.constant 0 : i32
          %dma_wait3A_97 = arith.constant 0 : i32
          %dma_wait3A_98 = tpu.memref_slice %arg6[%run_scoped3A_74, %dma_wait3A_96, %dma_wait3A_97] : memref<2x128x128xf32, #tpu.memory_space<vmem>> -> memref<1x128x128xf32, #tpu.memory_space<vmem>>
          %dma_wait3A_99 = tpu.memref_squeeze %dma_wait3A_98 : memref<1x128x128xf32, #tpu.memory_space<vmem>> -> memref<128x128xf32, #tpu.memory_space<vmem>>
          tpu.wait_dma2 semaphore(%run_scoped3A_75 : memref<!tpu.dma_semaphore, #tpu.memory_space<semaphore_mem>>) src(%dma_wait3A_99 : memref<128x128xf32, #tpu.memory_space<vmem>>) dst(%dma_wait3A_95 : memref<128x128xf32, #tpu.memory_space<hbm>>)
          tpu.yield
        }) : () -> ()
      } else {
      }
    }
    %scan3A_18 = arith.constant 49 : i32
    return
  }
}

#map = affine_map<(d0, d1) -> (0)>
#map1 = affine_map<(d0, d1) -> (0, 0)>
#map2 = affine_map<(d0, d1) -> (0, 0, 0)>
module attributes {stable_mosaic.version = 14 : i64} {
  func.func @_scatter(%arg0: i32, %arg1: i32, %arg2: memref<400000xi32, #tpu.memory_space<hbm>>, %arg3: memref<400000x32xf32, #tpu.memory_space<hbm>>, %arg4: memref<50000x32xf32, #tpu.memory_space<hbm>>, %arg5: memref<2x50000x32xf32, #tpu.memory_space<hbm>>, %arg6: memref<2x128xi32, #tpu.memory_space<vmem>>, %arg7: memref<2x128x32xf32, #tpu.memory_space<vmem>>, %arg8: memref<50000x32xf32, #tpu.memory_space<vmem_shared>>, %arg9: memref<!tpu.dma_semaphore, #tpu.memory_space<semaphore_mem>>, %arg10: memref<!tpu.dma_semaphore, #tpu.memory_space<semaphore_mem>>) attributes {dimension_semantics = [#tpu.dimension_semantics<core_parallel>, #tpu.dimension_semantics<subcore_parallel>], iteration_bounds = array<i64: 2, 16>, scalar_prefetch = 0 : i64, scratch_operands = 5 : i64, tpu.core_type = #tpu.core_type<sc_vector_subcore>, window_params = [{transform_indices = #map}, {transform_indices = #map1}, {transform_indices = #map1}, {transform_indices = #map2}]} {
    %mul3A = arith.constant 3125 : i32
    %mul3A_0 = arith.muli %arg1, %mul3A : i32
    "tpu.region"() ({
      %run_scoped3A_23 = tpu.sem_alloc : memref<!tpu.dma_semaphore, #tpu.memory_space<semaphore_mem>>
      %dma_start3A_24 = arith.constant 0 : i32
      %dma_start3A_25 = tpu.memref_slice %arg8[%mul3A_0, %dma_start3A_24] : memref<50000x32xf32, #tpu.memory_space<vmem_shared>> -> memref<3125x32xf32, #tpu.memory_space<vmem_shared>>
      %dma_start3A_26 = arith.constant 0 : i32
      %dma_start3A_27 = tpu.memref_slice %arg4[%mul3A_0, %dma_start3A_26] : memref<50000x32xf32, #tpu.memory_space<hbm>> -> memref<3125x32xf32, #tpu.memory_space<hbm>>
      tpu.enqueue_dma source(%dma_start3A_27 : memref<3125x32xf32, #tpu.memory_space<hbm>>) target(%dma_start3A_25 : memref<3125x32xf32, #tpu.memory_space<vmem_shared>>) target_semaphore(%run_scoped3A_23 : memref<!tpu.dma_semaphore, #tpu.memory_space<semaphore_mem>>)
      %dma_wait3A = arith.constant 0 : i32
      %dma_wait3A_28 = tpu.memref_slice %arg8[%mul3A_0, %dma_wait3A] : memref<50000x32xf32, #tpu.memory_space<vmem_shared>> -> memref<3125x32xf32, #tpu.memory_space<vmem_shared>>
      %dma_wait3A_29 = arith.constant 0 : i32
      %dma_wait3A_30 = tpu.memref_slice %arg4[%mul3A_0, %dma_wait3A_29] : memref<50000x32xf32, #tpu.memory_space<hbm>> -> memref<3125x32xf32, #tpu.memory_space<hbm>>
      tpu.wait_dma2 semaphore(%run_scoped3A_23 : memref<!tpu.dma_semaphore, #tpu.memory_space<semaphore_mem>>) src(%dma_wait3A_30 : memref<3125x32xf32, #tpu.memory_space<hbm>>) dst(%dma_wait3A_28 : memref<3125x32xf32, #tpu.memory_space<vmem_shared>>)
      tpu.yield
    }) : () -> ()
    %barrier3A = arith.constant 0 : index
    tpu.barrier barrier_id(%barrier3A)
    %mul3A_1 = arith.constant 2 : i32
    %mul3A_2 = arith.muli %arg1, %mul3A_1 : i32
    %add3A = arith.addi %mul3A_2, %arg0 : i32
    %mul3A_3 = arith.constant 128 : i32
    %mul3A_4 = arith.muli %add3A, %mul3A_3 : i32
    %run_scoped3A = arith.constant 0 : i32
    "tpu.region"() ({
      %run_scoped3A_23 = tpu.sem_alloc : memref<!tpu.dma_semaphore, #tpu.memory_space<semaphore_mem>>
      %dma_start3A_24 = arith.constant 0 : i32
      %dma_start3A_25 = tpu.memref_slice %arg6[%run_scoped3A, %dma_start3A_24] : memref<2x128xi32, #tpu.memory_space<vmem>> -> memref<1x128xi32, #tpu.memory_space<vmem>>
      %dma_start3A_26 = tpu.memref_squeeze %dma_start3A_25 : memref<1x128xi32, #tpu.memory_space<vmem>> -> memref<128xi32, #tpu.memory_space<vmem>>
      %dma_start3A_27 = tpu.memref_slice %arg2[%mul3A_4] : memref<400000xi32, #tpu.memory_space<hbm>> -> memref<128xi32, #tpu.memory_space<hbm>>
      %dma_start3A_28 = arith.constant 0 : i32
      %dma_start3A_29 = tpu.memref_slice %arg6[%run_scoped3A, %dma_start3A_28] : memref<2x128xi32, #tpu.memory_space<vmem>> -> memref<1x128xi32, #tpu.memory_space<vmem>>
      %dma_start3A_30 = tpu.memref_squeeze %dma_start3A_29 : memref<1x128xi32, #tpu.memory_space<vmem>> -> memref<128xi32, #tpu.memory_space<vmem>>
      %dma_start3A_31 = tpu.memref_slice %arg2[%mul3A_4] : memref<400000xi32, #tpu.memory_space<hbm>> -> memref<128xi32, #tpu.memory_space<hbm>>
      tpu.enqueue_dma source(%dma_start3A_31 : memref<128xi32, #tpu.memory_space<hbm>>) target(%dma_start3A_30 : memref<128xi32, #tpu.memory_space<vmem>>) target_semaphore(%run_scoped3A_23 : memref<!tpu.dma_semaphore, #tpu.memory_space<semaphore_mem>>)
      %dma_wait3A = arith.constant 0 : i32
      %dma_wait3A_32 = tpu.memref_slice %arg6[%run_scoped3A, %dma_wait3A] : memref<2x128xi32, #tpu.memory_space<vmem>> -> memref<1x128xi32, #tpu.memory_space<vmem>>
      %dma_wait3A_33 = tpu.memref_squeeze %dma_wait3A_32 : memref<1x128xi32, #tpu.memory_space<vmem>> -> memref<128xi32, #tpu.memory_space<vmem>>
      %dma_wait3A_34 = tpu.memref_slice %arg2[%mul3A_4] : memref<400000xi32, #tpu.memory_space<hbm>> -> memref<128xi32, #tpu.memory_space<hbm>>
      %dma_wait3A_35 = arith.constant 0 : i32
      %dma_wait3A_36 = tpu.memref_slice %arg6[%run_scoped3A, %dma_wait3A_35] : memref<2x128xi32, #tpu.memory_space<vmem>> -> memref<1x128xi32, #tpu.memory_space<vmem>>
      %dma_wait3A_37 = tpu.memref_squeeze %dma_wait3A_36 : memref<1x128xi32, #tpu.memory_space<vmem>> -> memref<128xi32, #tpu.memory_space<vmem>>
      %dma_wait3A_38 = tpu.memref_slice %arg2[%mul3A_4] : memref<400000xi32, #tpu.memory_space<hbm>> -> memref<128xi32, #tpu.memory_space<hbm>>
      tpu.wait_dma2 semaphore(%run_scoped3A_23 : memref<!tpu.dma_semaphore, #tpu.memory_space<semaphore_mem>>) src(%dma_wait3A_38 : memref<128xi32, #tpu.memory_space<hbm>>) dst(%dma_wait3A_37 : memref<128xi32, #tpu.memory_space<vmem>>)
      tpu.yield
    }) : () -> ()
    %dma_start3A = arith.constant 0 : i32
    %dma_start3A_5 = arith.constant 0 : i32
    %dma_start3A_6 = arith.constant 0 : i32
    %dma_start3A_7 = tpu.memref_slice %arg7[%dma_start3A, %dma_start3A_5, %dma_start3A_6] : memref<2x128x32xf32, #tpu.memory_space<vmem>> -> memref<1x128x32xf32, #tpu.memory_space<vmem>>
    %dma_start3A_8 = tpu.memref_squeeze %dma_start3A_7 : memref<1x128x32xf32, #tpu.memory_space<vmem>> -> memref<128x32xf32, #tpu.memory_space<vmem>>
    %dma_start3A_9 = arith.constant 0 : i32
    %dma_start3A_10 = tpu.memref_slice %arg3[%mul3A_4, %dma_start3A_9] : memref<400000x32xf32, #tpu.memory_space<hbm>> -> memref<128x32xf32, #tpu.memory_space<hbm>>
    %dma_start3A_11 = arith.constant 0 : i32
    %dma_start3A_12 = arith.constant 0 : i32
    %dma_start3A_13 = tpu.memref_slice %arg7[%dma_start3A, %dma_start3A_11, %dma_start3A_12] : memref<2x128x32xf32, #tpu.memory_space<vmem>> -> memref<1x128x32xf32, #tpu.memory_space<vmem>>
    %dma_start3A_14 = tpu.memref_squeeze %dma_start3A_13 : memref<1x128x32xf32, #tpu.memory_space<vmem>> -> memref<128x32xf32, #tpu.memory_space<vmem>>
    %dma_start3A_15 = arith.constant 0 : i32
    %dma_start3A_16 = tpu.memref_slice %arg3[%mul3A_4, %dma_start3A_15] : memref<400000x32xf32, #tpu.memory_space<hbm>> -> memref<128x32xf32, #tpu.memory_space<hbm>>
    tpu.enqueue_dma source(%dma_start3A_16 : memref<128x32xf32, #tpu.memory_space<hbm>>) target(%dma_start3A_14 : memref<128x32xf32, #tpu.memory_space<vmem>>) target_semaphore(%arg9 : memref<!tpu.dma_semaphore, #tpu.memory_space<semaphore_mem>>)
    %scan3A = arith.constant 0 : i32
    %scan3A_17 = arith.constant 0 : i32
    %scan3A_18 = arith.constant 49 : i32
    %scan3A_19 = arith.addi %scan3A_17, %scan3A_18 : i32
    %scan3A_20 = arith.constant 1 : i32
    scf.for %scan3A_23 = %scan3A_17 to %scan3A_19 step %scan3A_20  : i32 {
      %mul3A_24 = arith.constant 2 : i32
      %mul3A_25 = arith.muli %mul3A_24, %scan3A_23 : i32
      %add3A_26 = arith.constant 0 : i32
      %add3A_27 = arith.addi %mul3A_25, %add3A_26 : i32
      %add3A_28 = arith.constant 1 : i32
      %add3A_29 = arith.addi %add3A_27, %add3A_28 : i32
      %mul3A_30 = arith.constant 16 : i32
      %mul3A_31 = arith.muli %add3A_29, %mul3A_30 : i32
      %add3A_32 = arith.addi %mul3A_31, %arg1 : i32
      %mul3A_33 = arith.constant 2 : i32
      %mul3A_34 = arith.muli %add3A_32, %mul3A_33 : i32
      %add3A_35 = arith.addi %mul3A_34, %arg0 : i32
      %lt3A = arith.constant 3125 : i32
      %lt3A_36 = arith.cmpi slt, %add3A_35, %lt3A : i32
      %convert_element_type3A = arith.extui %lt3A_36 : i1 to i32
      %cond3A = arith.constant 0 : i32
      %cond3A_37 = arith.cmpi ne, %convert_element_type3A, %cond3A : i32
      scf.if %cond3A_37 {
        %mul3A_77 = arith.constant 128 : i32
        %mul3A_78 = arith.muli %add3A_35, %mul3A_77 : i32
        %run_scoped3A_79 = arith.constant 1 : i32
        "tpu.region"() ({
          %run_scoped3A_93 = tpu.sem_alloc : memref<!tpu.dma_semaphore, #tpu.memory_space<semaphore_mem>>
          %dma_start3A_94 = arith.constant 0 : i32
          %dma_start3A_95 = tpu.memref_slice %arg6[%run_scoped3A_79, %dma_start3A_94] : memref<2x128xi32, #tpu.memory_space<vmem>> -> memref<1x128xi32, #tpu.memory_space<vmem>>
          %dma_start3A_96 = tpu.memref_squeeze %dma_start3A_95 : memref<1x128xi32, #tpu.memory_space<vmem>> -> memref<128xi32, #tpu.memory_space<vmem>>
          %dma_start3A_97 = tpu.memref_slice %arg2[%mul3A_78] : memref<400000xi32, #tpu.memory_space<hbm>> -> memref<128xi32, #tpu.memory_space<hbm>>
          %dma_start3A_98 = arith.constant 0 : i32
          %dma_start3A_99 = tpu.memref_slice %arg6[%run_scoped3A_79, %dma_start3A_98] : memref<2x128xi32, #tpu.memory_space<vmem>> -> memref<1x128xi32, #tpu.memory_space<vmem>>
          %dma_start3A_100 = tpu.memref_squeeze %dma_start3A_99 : memref<1x128xi32, #tpu.memory_space<vmem>> -> memref<128xi32, #tpu.memory_space<vmem>>
          %dma_start3A_101 = tpu.memref_slice %arg2[%mul3A_78] : memref<400000xi32, #tpu.memory_space<hbm>> -> memref<128xi32, #tpu.memory_space<hbm>>
          tpu.enqueue_dma source(%dma_start3A_101 : memref<128xi32, #tpu.memory_space<hbm>>) target(%dma_start3A_100 : memref<128xi32, #tpu.memory_space<vmem>>) target_semaphore(%run_scoped3A_93 : memref<!tpu.dma_semaphore, #tpu.memory_space<semaphore_mem>>)
          %dma_wait3A = arith.constant 0 : i32
          %dma_wait3A_102 = tpu.memref_slice %arg6[%run_scoped3A_79, %dma_wait3A] : memref<2x128xi32, #tpu.memory_space<vmem>> -> memref<1x128xi32, #tpu.memory_space<vmem>>
          %dma_wait3A_103 = tpu.memref_squeeze %dma_wait3A_102 : memref<1x128xi32, #tpu.memory_space<vmem>> -> memref<128xi32, #tpu.memory_space<vmem>>
          %dma_wait3A_104 = tpu.memref_slice %arg2[%mul3A_78] : memref<400000xi32, #tpu.memory_space<hbm>> -> memref<128xi32, #tpu.memory_space<hbm>>
          %dma_wait3A_105 = arith.constant 0 : i32
          %dma_wait3A_106 = tpu.memref_slice %arg6[%run_scoped3A_79, %dma_wait3A_105] : memref<2x128xi32, #tpu.memory_space<vmem>> -> memref<1x128xi32, #tpu.memory_space<vmem>>
          %dma_wait3A_107 = tpu.memref_squeeze %dma_wait3A_106 : memref<1x128xi32, #tpu.memory_space<vmem>> -> memref<128xi32, #tpu.memory_space<vmem>>
          %dma_wait3A_108 = tpu.memref_slice %arg2[%mul3A_78] : memref<400000xi32, #tpu.memory_space<hbm>> -> memref<128xi32, #tpu.memory_space<hbm>>
          tpu.wait_dma2 semaphore(%run_scoped3A_93 : memref<!tpu.dma_semaphore, #tpu.memory_space<semaphore_mem>>) src(%dma_wait3A_108 : memref<128xi32, #tpu.memory_space<hbm>>) dst(%dma_wait3A_107 : memref<128xi32, #tpu.memory_space<vmem>>)
          tpu.yield
        }) : () -> ()
        %dma_start3A_80 = arith.constant 1 : i32
        %dma_start3A_81 = arith.constant 0 : i32
        %dma_start3A_82 = arith.constant 0 : i32
        %dma_start3A_83 = tpu.memref_slice %arg7[%dma_start3A_80, %dma_start3A_81, %dma_start3A_82] : memref<2x128x32xf32, #tpu.memory_space<vmem>> -> memref<1x128x32xf32, #tpu.memory_space<vmem>>
        %dma_start3A_84 = tpu.memref_squeeze %dma_start3A_83 : memref<1x128x32xf32, #tpu.memory_space<vmem>> -> memref<128x32xf32, #tpu.memory_space<vmem>>
        %dma_start3A_85 = arith.constant 0 : i32
        %dma_start3A_86 = tpu.memref_slice %arg3[%mul3A_78, %dma_start3A_85] : memref<400000x32xf32, #tpu.memory_space<hbm>> -> memref<128x32xf32, #tpu.memory_space<hbm>>
        %dma_start3A_87 = arith.constant 0 : i32
        %dma_start3A_88 = arith.constant 0 : i32
        %dma_start3A_89 = tpu.memref_slice %arg7[%dma_start3A_80, %dma_start3A_87, %dma_start3A_88] : memref<2x128x32xf32, #tpu.memory_space<vmem>> -> memref<1x128x32xf32, #tpu.memory_space<vmem>>
        %dma_start3A_90 = tpu.memref_squeeze %dma_start3A_89 : memref<1x128x32xf32, #tpu.memory_space<vmem>> -> memref<128x32xf32, #tpu.memory_space<vmem>>
        %dma_start3A_91 = arith.constant 0 : i32
        %dma_start3A_92 = tpu.memref_slice %arg3[%mul3A_78, %dma_start3A_91] : memref<400000x32xf32, #tpu.memory_space<hbm>> -> memref<128x32xf32, #tpu.memory_space<hbm>>
        tpu.enqueue_dma source(%dma_start3A_92 : memref<128x32xf32, #tpu.memory_space<hbm>>) target(%dma_start3A_90 : memref<128x32xf32, #tpu.memory_space<vmem>>) target_semaphore(%arg10 : memref<!tpu.dma_semaphore, #tpu.memory_space<semaphore_mem>>)
      } else {
      }
      %mul3A_38 = arith.constant 16 : i32
      %mul3A_39 = arith.muli %add3A_27, %mul3A_38 : i32
      %add3A_40 = arith.addi %mul3A_39, %arg1 : i32
      %mul3A_41 = arith.constant 2 : i32
      %mul3A_42 = arith.muli %add3A_40, %mul3A_41 : i32
      %add3A_43 = arith.addi %mul3A_42, %arg0 : i32
      %lt3A_44 = arith.constant 3125 : i32
      %lt3A_45 = arith.cmpi slt, %add3A_43, %lt3A_44 : i32
      %convert_element_type3A_46 = arith.extui %lt3A_45 : i1 to i32
      %cond3A_47 = arith.constant 0 : i32
      %cond3A_48 = arith.cmpi ne, %convert_element_type3A_46, %cond3A_47 : i32
      scf.if %cond3A_48 {
        %mul3A_77 = arith.constant 128 : i32
        %mul3A_78 = arith.muli %add3A_43, %mul3A_77 : i32
        %dma_wait3A = arith.constant 0 : i32
        %dma_wait3A_79 = arith.constant 0 : i32
        %dma_wait3A_80 = arith.constant 0 : i32
        %dma_wait3A_81 = tpu.memref_slice %arg7[%dma_wait3A, %dma_wait3A_79, %dma_wait3A_80] : memref<2x128x32xf32, #tpu.memory_space<vmem>> -> memref<1x128x32xf32, #tpu.memory_space<vmem>>
        %dma_wait3A_82 = tpu.memref_squeeze %dma_wait3A_81 : memref<1x128x32xf32, #tpu.memory_space<vmem>> -> memref<128x32xf32, #tpu.memory_space<vmem>>
        %dma_wait3A_83 = arith.constant 0 : i32
        %dma_wait3A_84 = tpu.memref_slice %arg3[%mul3A_78, %dma_wait3A_83] : memref<400000x32xf32, #tpu.memory_space<hbm>> -> memref<128x32xf32, #tpu.memory_space<hbm>>
        %dma_wait3A_85 = arith.constant 0 : i32
        %dma_wait3A_86 = arith.constant 0 : i32
        %dma_wait3A_87 = tpu.memref_slice %arg7[%dma_wait3A, %dma_wait3A_85, %dma_wait3A_86] : memref<2x128x32xf32, #tpu.memory_space<vmem>> -> memref<1x128x32xf32, #tpu.memory_space<vmem>>
        %dma_wait3A_88 = tpu.memref_squeeze %dma_wait3A_87 : memref<1x128x32xf32, #tpu.memory_space<vmem>> -> memref<128x32xf32, #tpu.memory_space<vmem>>
        %dma_wait3A_89 = arith.constant 0 : i32
        %dma_wait3A_90 = tpu.memref_slice %arg3[%mul3A_78, %dma_wait3A_89] : memref<400000x32xf32, #tpu.memory_space<hbm>> -> memref<128x32xf32, #tpu.memory_space<hbm>>
        tpu.wait_dma2 semaphore(%arg9 : memref<!tpu.dma_semaphore, #tpu.memory_space<semaphore_mem>>) src(%dma_wait3A_90 : memref<128x32xf32, #tpu.memory_space<hbm>>) dst(%dma_wait3A_88 : memref<128x32xf32, #tpu.memory_space<vmem>>)
        %run_scoped3A_91 = arith.constant 0 : i32
        %run_scoped3A_92 = arith.constant 0 : i32
        "tpu.region"() ({
          %run_scoped3A_93 = tpu.sem_alloc : memref<!tpu.dma_semaphore, #tpu.memory_space<semaphore_mem>>
          %dma_start3A_94 = arith.constant 0 : i32
          %dma_start3A_95 = arith.constant 0 : i32
          %dma_start3A_96 = tpu.memref_slice %arg7[%run_scoped3A_91, %dma_start3A_94, %dma_start3A_95] : memref<2x128x32xf32, #tpu.memory_space<vmem>> -> memref<1x128x32xf32, #tpu.memory_space<vmem>>
          %dma_start3A_97 = tpu.memref_squeeze %dma_start3A_96 : memref<1x128x32xf32, #tpu.memory_space<vmem>> -> memref<128x32xf32, #tpu.memory_space<vmem>>
          %dma_start3A_98 = arith.constant 0 : i32
          %dma_start3A_99 = tpu.memref_slice %arg6[%run_scoped3A_92, %dma_start3A_98] : memref<2x128xi32, #tpu.memory_space<vmem>> -> memref<1x128xi32, #tpu.memory_space<vmem>>
          %dma_start3A_100 = tpu.memref_squeeze %dma_start3A_99 : memref<1x128xi32, #tpu.memory_space<vmem>> -> memref<128xi32, #tpu.memory_space<vmem>>
          %dma_start3A_101 = arith.constant 0 : i32
          %dma_start3A_102 = arith.constant 0 : i32
          %dma_start3A_103 = tpu.memref_slice %arg8[%dma_start3A_101, %dma_start3A_102] : memref<50000x32xf32, #tpu.memory_space<vmem_shared>> -> memref<50000x32xf32, #tpu.memory_space<vmem_shared>>
          tpu.enqueue_indirect_dma source(%dma_start3A_97 : memref<128x32xf32, #tpu.memory_space<vmem>>) target(%dma_start3A_103 : memref<50000x32xf32, #tpu.memory_space<vmem_shared>>) offsets(%dma_start3A_100 : memref<128xi32, #tpu.memory_space<vmem>>) semaphore(%run_scoped3A_93 : memref<!tpu.dma_semaphore, #tpu.memory_space<semaphore_mem>>) {add = true}
          %dma_wait3A_104 = arith.constant 0 : i32
          %dma_wait3A_105 = arith.constant 0 : i32
          %dma_wait3A_106 = tpu.memref_slice %arg7[%run_scoped3A_91, %dma_wait3A_104, %dma_wait3A_105] : memref<2x128x32xf32, #tpu.memory_space<vmem>> -> memref<1x128x32xf32, #tpu.memory_space<vmem>>
          %dma_wait3A_107 = tpu.memref_squeeze %dma_wait3A_106 : memref<1x128x32xf32, #tpu.memory_space<vmem>> -> memref<128x32xf32, #tpu.memory_space<vmem>>
          %dma_wait3A_108 = arith.constant 0 : i32
          %dma_wait3A_109 = tpu.memref_slice %arg6[%run_scoped3A_92, %dma_wait3A_108] : memref<2x128xi32, #tpu.memory_space<vmem>> -> memref<1x128xi32, #tpu.memory_space<vmem>>
          %dma_wait3A_110 = tpu.memref_squeeze %dma_wait3A_109 : memref<1x128xi32, #tpu.memory_space<vmem>> -> memref<128xi32, #tpu.memory_space<vmem>>
          %dma_wait3A_111 = arith.constant 0 : i32
          %dma_wait3A_112 = arith.constant 0 : i32
          %dma_wait3A_113 = tpu.memref_slice %arg8[%dma_wait3A_111, %dma_wait3A_112] : memref<50000x32xf32, #tpu.memory_space<vmem_shared>> -> memref<50000x32xf32, #tpu.memory_space<vmem_shared>>
          tpu.wait_indirect_dma semaphore(%run_scoped3A_93 : memref<!tpu.dma_semaphore, #tpu.memory_space<semaphore_mem>>) src(%dma_wait3A_107 : memref<128x32xf32, #tpu.memory_space<vmem>>) dst(%dma_wait3A_113 : memref<50000x32xf32, #tpu.memory_space<vmem_shared>>)
          tpu.yield
        }) : () -> ()
      } else {
      }
      %mul3A_49 = arith.constant 2 : i32
      %mul3A_50 = arith.muli %mul3A_49, %scan3A_23 : i32
      %add3A_51 = arith.constant 1 : i32
      %add3A_52 = arith.addi %mul3A_50, %add3A_51 : i32
      %add3A_53 = arith.constant 1 : i32
      %add3A_54 = arith.addi %add3A_52, %add3A_53 : i32
      %mul3A_55 = arith.constant 16 : i32
      %mul3A_56 = arith.muli %add3A_54, %mul3A_55 : i32
      %add3A_57 = arith.addi %mul3A_56, %arg1 : i32
      %mul3A_58 = arith.constant 2 : i32
      %mul3A_59 = arith.muli %add3A_57, %mul3A_58 : i32
      %add3A_60 = arith.addi %mul3A_59, %arg0 : i32
      %lt3A_61 = arith.constant 3125 : i32
      %lt3A_62 = arith.cmpi slt, %add3A_60, %lt3A_61 : i32
      %convert_element_type3A_63 = arith.extui %lt3A_62 : i1 to i32
      %cond3A_64 = arith.constant 0 : i32
      %cond3A_65 = arith.cmpi ne, %convert_element_type3A_63, %cond3A_64 : i32
      scf.if %cond3A_65 {
        %mul3A_77 = arith.constant 128 : i32
        %mul3A_78 = arith.muli %add3A_60, %mul3A_77 : i32
        %run_scoped3A_79 = arith.constant 0 : i32
        "tpu.region"() ({
          %run_scoped3A_93 = tpu.sem_alloc : memref<!tpu.dma_semaphore, #tpu.memory_space<semaphore_mem>>
          %dma_start3A_94 = arith.constant 0 : i32
          %dma_start3A_95 = tpu.memref_slice %arg6[%run_scoped3A_79, %dma_start3A_94] : memref<2x128xi32, #tpu.memory_space<vmem>> -> memref<1x128xi32, #tpu.memory_space<vmem>>
          %dma_start3A_96 = tpu.memref_squeeze %dma_start3A_95 : memref<1x128xi32, #tpu.memory_space<vmem>> -> memref<128xi32, #tpu.memory_space<vmem>>
          %dma_start3A_97 = tpu.memref_slice %arg2[%mul3A_78] : memref<400000xi32, #tpu.memory_space<hbm>> -> memref<128xi32, #tpu.memory_space<hbm>>
          %dma_start3A_98 = arith.constant 0 : i32
          %dma_start3A_99 = tpu.memref_slice %arg6[%run_scoped3A_79, %dma_start3A_98] : memref<2x128xi32, #tpu.memory_space<vmem>> -> memref<1x128xi32, #tpu.memory_space<vmem>>
          %dma_start3A_100 = tpu.memref_squeeze %dma_start3A_99 : memref<1x128xi32, #tpu.memory_space<vmem>> -> memref<128xi32, #tpu.memory_space<vmem>>
          %dma_start3A_101 = tpu.memref_slice %arg2[%mul3A_78] : memref<400000xi32, #tpu.memory_space<hbm>> -> memref<128xi32, #tpu.memory_space<hbm>>
          tpu.enqueue_dma source(%dma_start3A_101 : memref<128xi32, #tpu.memory_space<hbm>>) target(%dma_start3A_100 : memref<128xi32, #tpu.memory_space<vmem>>) target_semaphore(%run_scoped3A_93 : memref<!tpu.dma_semaphore, #tpu.memory_space<semaphore_mem>>)
          %dma_wait3A = arith.constant 0 : i32
          %dma_wait3A_102 = tpu.memref_slice %arg6[%run_scoped3A_79, %dma_wait3A] : memref<2x128xi32, #tpu.memory_space<vmem>> -> memref<1x128xi32, #tpu.memory_space<vmem>>
          %dma_wait3A_103 = tpu.memref_squeeze %dma_wait3A_102 : memref<1x128xi32, #tpu.memory_space<vmem>> -> memref<128xi32, #tpu.memory_space<vmem>>
          %dma_wait3A_104 = tpu.memref_slice %arg2[%mul3A_78] : memref<400000xi32, #tpu.memory_space<hbm>> -> memref<128xi32, #tpu.memory_space<hbm>>
          %dma_wait3A_105 = arith.constant 0 : i32
          %dma_wait3A_106 = tpu.memref_slice %arg6[%run_scoped3A_79, %dma_wait3A_105] : memref<2x128xi32, #tpu.memory_space<vmem>> -> memref<1x128xi32, #tpu.memory_space<vmem>>
          %dma_wait3A_107 = tpu.memref_squeeze %dma_wait3A_106 : memref<1x128xi32, #tpu.memory_space<vmem>> -> memref<128xi32, #tpu.memory_space<vmem>>
          %dma_wait3A_108 = tpu.memref_slice %arg2[%mul3A_78] : memref<400000xi32, #tpu.memory_space<hbm>> -> memref<128xi32, #tpu.memory_space<hbm>>
          tpu.wait_dma2 semaphore(%run_scoped3A_93 : memref<!tpu.dma_semaphore, #tpu.memory_space<semaphore_mem>>) src(%dma_wait3A_108 : memref<128xi32, #tpu.memory_space<hbm>>) dst(%dma_wait3A_107 : memref<128xi32, #tpu.memory_space<vmem>>)
          tpu.yield
        }) : () -> ()
        %dma_start3A_80 = arith.constant 0 : i32
        %dma_start3A_81 = arith.constant 0 : i32
        %dma_start3A_82 = arith.constant 0 : i32
        %dma_start3A_83 = tpu.memref_slice %arg7[%dma_start3A_80, %dma_start3A_81, %dma_start3A_82] : memref<2x128x32xf32, #tpu.memory_space<vmem>> -> memref<1x128x32xf32, #tpu.memory_space<vmem>>
        %dma_start3A_84 = tpu.memref_squeeze %dma_start3A_83 : memref<1x128x32xf32, #tpu.memory_space<vmem>> -> memref<128x32xf32, #tpu.memory_space<vmem>>
        %dma_start3A_85 = arith.constant 0 : i32
        %dma_start3A_86 = tpu.memref_slice %arg3[%mul3A_78, %dma_start3A_85] : memref<400000x32xf32, #tpu.memory_space<hbm>> -> memref<128x32xf32, #tpu.memory_space<hbm>>
        %dma_start3A_87 = arith.constant 0 : i32
        %dma_start3A_88 = arith.constant 0 : i32
        %dma_start3A_89 = tpu.memref_slice %arg7[%dma_start3A_80, %dma_start3A_87, %dma_start3A_88] : memref<2x128x32xf32, #tpu.memory_space<vmem>> -> memref<1x128x32xf32, #tpu.memory_space<vmem>>
        %dma_start3A_90 = tpu.memref_squeeze %dma_start3A_89 : memref<1x128x32xf32, #tpu.memory_space<vmem>> -> memref<128x32xf32, #tpu.memory_space<vmem>>
        %dma_start3A_91 = arith.constant 0 : i32
        %dma_start3A_92 = tpu.memref_slice %arg3[%mul3A_78, %dma_start3A_91] : memref<400000x32xf32, #tpu.memory_space<hbm>> -> memref<128x32xf32, #tpu.memory_space<hbm>>
        tpu.enqueue_dma source(%dma_start3A_92 : memref<128x32xf32, #tpu.memory_space<hbm>>) target(%dma_start3A_90 : memref<128x32xf32, #tpu.memory_space<vmem>>) target_semaphore(%arg9 : memref<!tpu.dma_semaphore, #tpu.memory_space<semaphore_mem>>)
      } else {
      }
      %mul3A_66 = arith.constant 16 : i32
      %mul3A_67 = arith.muli %add3A_52, %mul3A_66 : i32
      %add3A_68 = arith.addi %mul3A_67, %arg1 : i32
      %mul3A_69 = arith.constant 2 : i32
      %mul3A_70 = arith.muli %add3A_68, %mul3A_69 : i32
      %add3A_71 = arith.addi %mul3A_70, %arg0 : i32
      %lt3A_72 = arith.constant 3125 : i32
      %lt3A_73 = arith.cmpi slt, %add3A_71, %lt3A_72 : i32
      %convert_element_type3A_74 = arith.extui %lt3A_73 : i1 to i32
      %cond3A_75 = arith.constant 0 : i32
      %cond3A_76 = arith.cmpi ne, %convert_element_type3A_74, %cond3A_75 : i32
      scf.if %cond3A_76 {
        %mul3A_77 = arith.constant 128 : i32
        %mul3A_78 = arith.muli %add3A_71, %mul3A_77 : i32
        %dma_wait3A = arith.constant 1 : i32
        %dma_wait3A_79 = arith.constant 0 : i32
        %dma_wait3A_80 = arith.constant 0 : i32
        %dma_wait3A_81 = tpu.memref_slice %arg7[%dma_wait3A, %dma_wait3A_79, %dma_wait3A_80] : memref<2x128x32xf32, #tpu.memory_space<vmem>> -> memref<1x128x32xf32, #tpu.memory_space<vmem>>
        %dma_wait3A_82 = tpu.memref_squeeze %dma_wait3A_81 : memref<1x128x32xf32, #tpu.memory_space<vmem>> -> memref<128x32xf32, #tpu.memory_space<vmem>>
        %dma_wait3A_83 = arith.constant 0 : i32
        %dma_wait3A_84 = tpu.memref_slice %arg3[%mul3A_78, %dma_wait3A_83] : memref<400000x32xf32, #tpu.memory_space<hbm>> -> memref<128x32xf32, #tpu.memory_space<hbm>>
        %dma_wait3A_85 = arith.constant 0 : i32
        %dma_wait3A_86 = arith.constant 0 : i32
        %dma_wait3A_87 = tpu.memref_slice %arg7[%dma_wait3A, %dma_wait3A_85, %dma_wait3A_86] : memref<2x128x32xf32, #tpu.memory_space<vmem>> -> memref<1x128x32xf32, #tpu.memory_space<vmem>>
        %dma_wait3A_88 = tpu.memref_squeeze %dma_wait3A_87 : memref<1x128x32xf32, #tpu.memory_space<vmem>> -> memref<128x32xf32, #tpu.memory_space<vmem>>
        %dma_wait3A_89 = arith.constant 0 : i32
        %dma_wait3A_90 = tpu.memref_slice %arg3[%mul3A_78, %dma_wait3A_89] : memref<400000x32xf32, #tpu.memory_space<hbm>> -> memref<128x32xf32, #tpu.memory_space<hbm>>
        tpu.wait_dma2 semaphore(%arg10 : memref<!tpu.dma_semaphore, #tpu.memory_space<semaphore_mem>>) src(%dma_wait3A_90 : memref<128x32xf32, #tpu.memory_space<hbm>>) dst(%dma_wait3A_88 : memref<128x32xf32, #tpu.memory_space<vmem>>)
        %run_scoped3A_91 = arith.constant 1 : i32
        %run_scoped3A_92 = arith.constant 1 : i32
        "tpu.region"() ({
          %run_scoped3A_93 = tpu.sem_alloc : memref<!tpu.dma_semaphore, #tpu.memory_space<semaphore_mem>>
          %dma_start3A_94 = arith.constant 0 : i32
          %dma_start3A_95 = arith.constant 0 : i32
          %dma_start3A_96 = tpu.memref_slice %arg7[%run_scoped3A_91, %dma_start3A_94, %dma_start3A_95] : memref<2x128x32xf32, #tpu.memory_space<vmem>> -> memref<1x128x32xf32, #tpu.memory_space<vmem>>
          %dma_start3A_97 = tpu.memref_squeeze %dma_start3A_96 : memref<1x128x32xf32, #tpu.memory_space<vmem>> -> memref<128x32xf32, #tpu.memory_space<vmem>>
          %dma_start3A_98 = arith.constant 0 : i32
          %dma_start3A_99 = tpu.memref_slice %arg6[%run_scoped3A_92, %dma_start3A_98] : memref<2x128xi32, #tpu.memory_space<vmem>> -> memref<1x128xi32, #tpu.memory_space<vmem>>
          %dma_start3A_100 = tpu.memref_squeeze %dma_start3A_99 : memref<1x128xi32, #tpu.memory_space<vmem>> -> memref<128xi32, #tpu.memory_space<vmem>>
          %dma_start3A_101 = arith.constant 0 : i32
          %dma_start3A_102 = arith.constant 0 : i32
          %dma_start3A_103 = tpu.memref_slice %arg8[%dma_start3A_101, %dma_start3A_102] : memref<50000x32xf32, #tpu.memory_space<vmem_shared>> -> memref<50000x32xf32, #tpu.memory_space<vmem_shared>>
          tpu.enqueue_indirect_dma source(%dma_start3A_97 : memref<128x32xf32, #tpu.memory_space<vmem>>) target(%dma_start3A_103 : memref<50000x32xf32, #tpu.memory_space<vmem_shared>>) offsets(%dma_start3A_100 : memref<128xi32, #tpu.memory_space<vmem>>) semaphore(%run_scoped3A_93 : memref<!tpu.dma_semaphore, #tpu.memory_space<semaphore_mem>>) {add = true}
          %dma_wait3A_104 = arith.constant 0 : i32
          %dma_wait3A_105 = arith.constant 0 : i32
          %dma_wait3A_106 = tpu.memref_slice %arg7[%run_scoped3A_91, %dma_wait3A_104, %dma_wait3A_105] : memref<2x128x32xf32, #tpu.memory_space<vmem>> -> memref<1x128x32xf32, #tpu.memory_space<vmem>>
          %dma_wait3A_107 = tpu.memref_squeeze %dma_wait3A_106 : memref<1x128x32xf32, #tpu.memory_space<vmem>> -> memref<128x32xf32, #tpu.memory_space<vmem>>
          %dma_wait3A_108 = arith.constant 0 : i32
          %dma_wait3A_109 = tpu.memref_slice %arg6[%run_scoped3A_92, %dma_wait3A_108] : memref<2x128xi32, #tpu.memory_space<vmem>> -> memref<1x128xi32, #tpu.memory_space<vmem>>
          %dma_wait3A_110 = tpu.memref_squeeze %dma_wait3A_109 : memref<1x128xi32, #tpu.memory_space<vmem>> -> memref<128xi32, #tpu.memory_space<vmem>>
          %dma_wait3A_111 = arith.constant 0 : i32
          %dma_wait3A_112 = arith.constant 0 : i32
          %dma_wait3A_113 = tpu.memref_slice %arg8[%dma_wait3A_111, %dma_wait3A_112] : memref<50000x32xf32, #tpu.memory_space<vmem_shared>> -> memref<50000x32xf32, #tpu.memory_space<vmem_shared>>
          tpu.wait_indirect_dma semaphore(%run_scoped3A_93 : memref<!tpu.dma_semaphore, #tpu.memory_space<semaphore_mem>>) src(%dma_wait3A_107 : memref<128x32xf32, #tpu.memory_space<vmem>>) dst(%dma_wait3A_113 : memref<50000x32xf32, #tpu.memory_space<vmem_shared>>)
          tpu.yield
        }) : () -> ()
      } else {
      }
    }
    %scan3A_21 = arith.constant 49 : i32
    %barrier3A_22 = arith.constant 0 : index
    tpu.barrier barrier_id(%barrier3A_22)
    "tpu.region"() ({
      %run_scoped3A_23 = tpu.sem_alloc : memref<!tpu.dma_semaphore, #tpu.memory_space<semaphore_mem>>
      %dma_start3A_24 = arith.constant 0 : i32
      %dma_start3A_25 = tpu.memref_slice %arg5[%arg0, %mul3A_0, %dma_start3A_24] : memref<2x50000x32xf32, #tpu.memory_space<hbm>> -> memref<1x3125x32xf32, #tpu.memory_space<hbm>>
      %dma_start3A_26 = tpu.memref_squeeze %dma_start3A_25 : memref<1x3125x32xf32, #tpu.memory_space<hbm>> -> memref<3125x32xf32, #tpu.memory_space<hbm>>
      %dma_start3A_27 = arith.constant 0 : i32
      %dma_start3A_28 = tpu.memref_slice %arg8[%mul3A_0, %dma_start3A_27] : memref<50000x32xf32, #tpu.memory_space<vmem_shared>> -> memref<3125x32xf32, #tpu.memory_space<vmem_shared>>
      tpu.enqueue_dma source(%dma_start3A_28 : memref<3125x32xf32, #tpu.memory_space<vmem_shared>>) target(%dma_start3A_26 : memref<3125x32xf32, #tpu.memory_space<hbm>>) target_semaphore(%run_scoped3A_23 : memref<!tpu.dma_semaphore, #tpu.memory_space<semaphore_mem>>)
      %dma_wait3A = arith.constant 0 : i32
      %dma_wait3A_29 = tpu.memref_slice %arg5[%arg0, %mul3A_0, %dma_wait3A] : memref<2x50000x32xf32, #tpu.memory_space<hbm>> -> memref<1x3125x32xf32, #tpu.memory_space<hbm>>
      %dma_wait3A_30 = tpu.memref_squeeze %dma_wait3A_29 : memref<1x3125x32xf32, #tpu.memory_space<hbm>> -> memref<3125x32xf32, #tpu.memory_space<hbm>>
      %dma_wait3A_31 = arith.constant 0 : i32
      %dma_wait3A_32 = tpu.memref_slice %arg8[%mul3A_0, %dma_wait3A_31] : memref<50000x32xf32, #tpu.memory_space<vmem_shared>> -> memref<3125x32xf32, #tpu.memory_space<vmem_shared>>
      tpu.wait_dma2 semaphore(%run_scoped3A_23 : memref<!tpu.dma_semaphore, #tpu.memory_space<semaphore_mem>>) src(%dma_wait3A_32 : memref<3125x32xf32, #tpu.memory_space<vmem_shared>>) dst(%dma_wait3A_30 : memref<3125x32xf32, #tpu.memory_space<hbm>>)
      tpu.yield
    }) : () -> ()
    return
  }
}

module attributes {stable_mosaic.version = 14 : i64} {
  func.func @_mlp_body(%arg0: i32, %arg1: memref<4000x128xf32, #tpu.memory_space<vmem>>, %arg2: memref<4000x16xbf16, #tpu.memory_space<vmem>>, %arg3: memref<32x192xbf16, #tpu.memory_space<vmem>>, %arg4: memref<1x192xf32, #tpu.memory_space<vmem>>, %arg5: memref<64x192xbf16, #tpu.memory_space<vmem>>, %arg6: memref<192x32xbf16, #tpu.memory_space<vmem>>, %arg7: memref<1000x128xf32, #tpu.memory_space<vmem>>) attributes {dimension_semantics = [#tpu.dimension_semantics<arbitrary>], iteration_bounds = array<i64: 100>, scalar_prefetch = 0 : i64, scratch_operands = 0 : i64, tpu.core_type = #tpu.core_type<tc>, window_params = [{transform_indices = @transform_0, window_bounds = array<i64: 4000, 128>}, {transform_indices = @transform_1, window_bounds = array<i64: 4000, 16>}, {pipeline_mode = #tpu.pipeline_mode<synchronous>, transform_indices = @transform_2, window_bounds = array<i64: 32, 192>}, {pipeline_mode = #tpu.pipeline_mode<synchronous>, transform_indices = @transform_3, window_bounds = array<i64: 1, 192>}, {pipeline_mode = #tpu.pipeline_mode<synchronous>, transform_indices = @transform_4, window_bounds = array<i64: 64, 192>}, {pipeline_mode = #tpu.pipeline_mode<synchronous>, transform_indices = @transform_5, window_bounds = array<i64: 192, 32>}, {transform_indices = @transform_6, window_bounds = array<i64: 1000, 128>}]} {
    %get3A = arith.constant 0 : index
    %get3A_0 = arith.constant 0 : index
    %get3A_1 = vector.load %arg1[%get3A, %get3A_0] : memref<4000x128xf32, #tpu.memory_space<vmem>>, vector<4000x128xf32>
    %convert_element_type3A = arith.truncf %get3A_1 : vector<4000x128xf32> to vector<4000x128xbf16>
    %slice3A = vector.extract_strided_slice %convert_element_type3A {offsets = [0, 0], sizes = [4000, 64], strides = [1, 1]} : vector<4000x128xbf16> to vector<4000x64xbf16>
    %slice3A_2 = vector.extract_strided_slice %convert_element_type3A {offsets = [0, 64], sizes = [4000, 16], strides = [1, 1]} : vector<4000x128xbf16> to vector<4000x16xbf16>
    %get3A_3 = arith.constant 0 : index
    %get3A_4 = arith.constant 0 : index
    %get3A_5 = vector.load %arg2[%get3A_3, %get3A_4] : memref<4000x16xbf16, #tpu.memory_space<vmem>>, vector<4000x16xbf16>
    %concatenate3A = tpu.concatenate %slice3A_2, %get3A_5 in 1 : vector<4000x16xbf16>, vector<4000x16xbf16> -> vector<4000x32xbf16>
    %get3A_6 = arith.constant 0 : index
    %get3A_7 = arith.constant 0 : index
    %get3A_8 = vector.load %arg3[%get3A_6, %get3A_7] : memref<32x192xbf16, #tpu.memory_space<vmem>>, vector<32x192xbf16>
    %dot_general3A = arith.constant dense<0.000000e+00> : vector<4000x192xf32>
    %dot_general3A_9 = tpu.matmul %concatenate3A, %get3A_8, %dot_general3A {dimension_numbers = #tpu.dot_dimension_numbers<[1], [0], [0], [1], [0, 0, 1, 1], [], []>, transpose_lhs_hint = false} : vector<4000x32xbf16>, vector<32x192xbf16>, vector<4000x192xf32> -> vector<4000x192xf32>
    %get3A_10 = arith.constant 0 : index
    %get3A_11 = arith.constant 0 : index
    %get3A_12 = vector.load %arg4[%get3A_10, %get3A_11] : memref<1x192xf32, #tpu.memory_space<vmem>>, vector<1x192xf32>
    %add3A = vector.broadcast %get3A_12 : vector<1x192xf32> to vector<4000x192xf32>
    %add3A_13 = arith.addf %dot_general3A_9, %add3A : vector<4000x192xf32>
    %logistic3A = arith.negf %add3A_13 : vector<4000x192xf32>
    %logistic3A_14 = math.exp %logistic3A : vector<4000x192xf32>
    %logistic3A_15 = arith.constant 1.000000e+00 : f32
    %logistic3A_16 = vector.broadcast %logistic3A_15 : f32 to vector<4000x192xf32>
    %logistic3A_17 = arith.addf %logistic3A_16, %logistic3A_14 : vector<4000x192xf32>
    %logistic3A_18 = arith.divf %logistic3A_16, %logistic3A_17 : vector<4000x192xf32>
    %mul3A = arith.mulf %add3A_13, %logistic3A_18 : vector<4000x192xf32>
    %get3A_19 = arith.constant 0 : index
    %get3A_20 = arith.constant 0 : index
    %get3A_21 = vector.load %arg5[%get3A_19, %get3A_20] : memref<64x192xbf16, #tpu.memory_space<vmem>>, vector<64x192xbf16>
    %dot_general3A_22 = arith.constant dense<0.000000e+00> : vector<4000x192xf32>
    %dot_general3A_23 = tpu.matmul %slice3A, %get3A_21, %dot_general3A_22 {dimension_numbers = #tpu.dot_dimension_numbers<[1], [0], [0], [1], [0, 0, 1, 1], [], []>, transpose_lhs_hint = false} : vector<4000x64xbf16>, vector<64x192xbf16>, vector<4000x192xf32> -> vector<4000x192xf32>
    %mul3A_24 = arith.mulf %dot_general3A_23, %mul3A : vector<4000x192xf32>
    %convert_element_type3A_25 = arith.truncf %mul3A_24 : vector<4000x192xf32> to vector<4000x192xbf16>
    %get3A_26 = arith.constant 0 : index
    %get3A_27 = arith.constant 0 : index
    %get3A_28 = vector.load %arg6[%get3A_26, %get3A_27] : memref<192x32xbf16, #tpu.memory_space<vmem>>, vector<192x32xbf16>
    %dot_general3A_29 = arith.constant dense<0.000000e+00> : vector<4000x32xf32>
    %dot_general3A_30 = tpu.matmul %convert_element_type3A_25, %get3A_28, %dot_general3A_29 {dimension_numbers = #tpu.dot_dimension_numbers<[1], [0], [0], [1], [0, 0, 1, 1], [], []>, transpose_lhs_hint = false} : vector<4000x192xbf16>, vector<192x32xbf16>, vector<4000x32xf32> -> vector<4000x32xf32>
    %slice3A_31 = vector.extract_strided_slice %dot_general3A_30 {offsets = [0, 0], sizes = [1000, 32], strides = [1, 1]} : vector<4000x32xf32> to vector<1000x32xf32>
    %slice3A_32 = vector.extract_strided_slice %dot_general3A_30 {offsets = [1000, 0], sizes = [1000, 32], strides = [1, 1]} : vector<4000x32xf32> to vector<1000x32xf32>
    %slice3A_33 = vector.extract_strided_slice %dot_general3A_30 {offsets = [2000, 0], sizes = [1000, 32], strides = [1, 1]} : vector<4000x32xf32> to vector<1000x32xf32>
    %slice3A_34 = vector.extract_strided_slice %dot_general3A_30 {offsets = [3000, 0], sizes = [1000, 32], strides = [1, 1]} : vector<4000x32xf32> to vector<1000x32xf32>
    %concatenate3A_35 = tpu.concatenate %slice3A_31, %slice3A_32, %slice3A_33, %slice3A_34 in 1 : vector<1000x32xf32>, vector<1000x32xf32>, vector<1000x32xf32>, vector<1000x32xf32> -> vector<1000x128xf32>
    %swap3A = arith.constant 0 : index
    %swap3A_36 = arith.constant 0 : index
    %swap3A_37 = vector.load %arg7[%swap3A, %swap3A_36] : memref<1000x128xf32, #tpu.memory_space<vmem>>, vector<1000x128xf32>
    tpu.vector_store %arg7[%swap3A, %swap3A_36], %concatenate3A_35 {strides = array<i32>} : memref<1000x128xf32, #tpu.memory_space<vmem>>, vector<1000x128xf32>,
    return
  }
  func.func @transform_0(%arg0: i32) -> (i32, i32) {
    %c0_i32 = arith.constant 0 : i32
    %c0_i32_0 = arith.constant 0 : i32
    return %arg0, %c0_i32 : i32, i32
  }
  func.func @transform_1(%arg0: i32) -> (i32, i32) {
    %c0_i32 = arith.constant 0 : i32
    %c0_i32_0 = arith.constant 0 : i32
    return %arg0, %c0_i32 : i32, i32
  }
  func.func @transform_2(%arg0: i32) -> (i32, i32) {
    %c0_i32 = arith.constant 0 : i32
    %c0_i32_0 = arith.constant 0 : i32
    %c0_i32_1 = arith.constant 0 : i32
    return %c0_i32, %c0_i32_0 : i32, i32
  }
  func.func @transform_3(%arg0: i32) -> (i32, i32) {
    %c0_i32 = arith.constant 0 : i32
    %c0_i32_0 = arith.constant 0 : i32
    %c0_i32_1 = arith.constant 0 : i32
    return %c0_i32, %c0_i32_0 : i32, i32
  }
  func.func @transform_4(%arg0: i32) -> (i32, i32) {
    %c0_i32 = arith.constant 0 : i32
    %c0_i32_0 = arith.constant 0 : i32
    %c0_i32_1 = arith.constant 0 : i32
    return %c0_i32, %c0_i32_0 : i32, i32
  }
  func.func @transform_5(%arg0: i32) -> (i32, i32) {
    %c0_i32 = arith.constant 0 : i32
    %c0_i32_0 = arith.constant 0 : i32
    %c0_i32_1 = arith.constant 0 : i32
    return %c0_i32, %c0_i32_0 : i32, i32
  }
  func.func @transform_6(%arg0: i32) -> (i32, i32) {
    %c0_i32 = arith.constant 0 : i32
    %c0_i32_0 = arith.constant 0 : i32
    return %arg0, %c0_i32 : i32, i32
  }
}

module attributes {stable_mosaic.version = 14 : i64} {
  func.func @_add4_body(%arg0: i32, %arg1: memref<2000x32xf32, #tpu.memory_space<vmem>>, %arg2: memref<2000x32xf32, #tpu.memory_space<vmem>>, %arg3: memref<2000x32xf32, #tpu.memory_space<vmem>>, %arg4: memref<2000x32xf32, #tpu.memory_space<vmem>>, %arg5: memref<2000x32xf32, #tpu.memory_space<vmem>>) attributes {dimension_semantics = [#tpu.dimension_semantics<arbitrary>], iteration_bounds = array<i64: 25>, scalar_prefetch = 0 : i64, scratch_operands = 0 : i64, tpu.core_type = #tpu.core_type<tc>, window_params = [{transform_indices = @transform_0, window_bounds = array<i64: 2000, 32>}, {transform_indices = @transform_1, window_bounds = array<i64: 2000, 32>}, {transform_indices = @transform_2, window_bounds = array<i64: 2000, 32>}, {transform_indices = @transform_3, window_bounds = array<i64: 2000, 32>}, {transform_indices = @transform_4, window_bounds = array<i64: 2000, 32>}]} {
    %get3A = arith.constant 0 : index
    %get3A_0 = arith.constant 0 : index
    %get3A_1 = vector.load %arg1[%get3A, %get3A_0] : memref<2000x32xf32, #tpu.memory_space<vmem>>, vector<2000x32xf32>
    %get3A_2 = arith.constant 0 : index
    %get3A_3 = arith.constant 0 : index
    %get3A_4 = vector.load %arg2[%get3A_2, %get3A_3] : memref<2000x32xf32, #tpu.memory_space<vmem>>, vector<2000x32xf32>
    %add3A = arith.addf %get3A_1, %get3A_4 : vector<2000x32xf32>
    %get3A_5 = arith.constant 0 : index
    %get3A_6 = arith.constant 0 : index
    %get3A_7 = vector.load %arg3[%get3A_5, %get3A_6] : memref<2000x32xf32, #tpu.memory_space<vmem>>, vector<2000x32xf32>
    %get3A_8 = arith.constant 0 : index
    %get3A_9 = arith.constant 0 : index
    %get3A_10 = vector.load %arg4[%get3A_8, %get3A_9] : memref<2000x32xf32, #tpu.memory_space<vmem>>, vector<2000x32xf32>
    %add3A_11 = arith.addf %get3A_7, %get3A_10 : vector<2000x32xf32>
    %add3A_12 = arith.addf %add3A, %add3A_11 : vector<2000x32xf32>
    %swap3A = arith.constant 0 : index
    %swap3A_13 = arith.constant 0 : index
    %swap3A_14 = vector.load %arg5[%swap3A, %swap3A_13] : memref<2000x32xf32, #tpu.memory_space<vmem>>, vector<2000x32xf32>
    tpu.vector_store %arg5[%swap3A, %swap3A_13], %add3A_12 {strides = array<i32>} : memref<2000x32xf32, #tpu.memory_space<vmem>>, vector<2000x32xf32>,
    return
  }
  func.func @transform_0(%arg0: i32) -> (i32, i32) {
    %c0_i32 = arith.constant 0 : i32
    %c0_i32_0 = arith.constant 0 : i32
    return %arg0, %c0_i32 : i32, i32
  }
  func.func @transform_1(%arg0: i32) -> (i32, i32) {
    %c0_i32 = arith.constant 0 : i32
    %c0_i32_0 = arith.constant 0 : i32
    return %arg0, %c0_i32 : i32, i32
  }
  func.func @transform_2(%arg0: i32) -> (i32, i32) {
    %c0_i32 = arith.constant 0 : i32
    %c0_i32_0 = arith.constant 0 : i32
    return %arg0, %c0_i32 : i32, i32
  }
  func.func @transform_3(%arg0: i32) -> (i32, i32) {
    %c0_i32 = arith.constant 0 : i32
    %c0_i32_0 = arith.constant 0 : i32
    return %arg0, %c0_i32 : i32, i32
  }
  func.func @transform_4(%arg0: i32) -> (i32, i32) {
    %c0_i32 = arith.constant 0 : i32
    %c0_i32_0 = arith.constant 0 : i32
    return %arg0, %c0_i32 : i32, i32
  }
}

</mosaic_0001>

<sc_bundles>
// kernel: kernel.12.cloned.1.call-start
scs
__scs_entry_jumppad:
0x0: {  	(pc) =	sbr.rel $0x88, $3  }
0x1: {  	(tag) =	ssettag $0x0;
	lr =	simm.s32 $0x1  }
0x2: {  	[smem:$0x3F99] =	sst lr;
	_ =	strace $0xD0000000  }
0x3: {  	_ = 	snop  }
0x4: {  	_ = 	snop  }
0x5: {  	_ = 	snop  }
0x6: {  	_ = 	snop  }
0x7: {  	_ = 	snop  }
__scs_overlays_trampoline_lowered:
0x8: {  	[smem:$0x3FA8] =	sst s0  }
0x9: {  	[smem:$0x3FA9] =	sst s1  }
0xa: {  	[smem:$0x3FAA] =	sst s2  }
0xb: {  	[smem:$0x3FAB] =	sst s3  }
0xc: {  	[smem:$0x3FAC] =	sst s4  }
0xd: {  	[smem:$0x3FAD] =	sst s5  }
0xe: {  	[smem:$0x3FAE] =	sst s6  }
0xf: {  	[smem:$0x3FAF] =	sst s7  }
0x10: {  	[smem:$0x3FB0] =	sst s8  }
0x11: {  	[smem:$0x3FB1] =	sst s9;
	s0 =	simm.s32 @!p0 $0x0  }
0x12: {  	s1 =	sld [smem:$0x3F97];
	s0 =	simm.s32 @p0 $0x1  }
0x13: {  	[smem:$0x3FB2] =	sst s0;
	s0 =	simm.s32 @!p1 $0x0  }
0x14: {  	s2 =	sld [smem:$0x3F96];
	s0 =	simm.s32 @p1 $0x1  }
0x15: {  	[smem:$0x3FB3] =	sst s0;
	s0 =	simm.s32 @!p2 $0x0  }
0x16: {  	s3 =	sld [smem:$0x3FDB];
	s0 =	simm.s32 @p2 $0x1  }
0x17: {  	s4 =	simm.s32 $0x1BF5;
	[smem:$0x3FB5] =	sst s0  }
0x18: {  	s0 =	sld [smem:$0x3F98];
	_ =	swait.ge [sflag:s4], $0x0  }
0x19: {  	s7 =	sld [smem:$0x3F99]  }
0x1a: {  	s8 =	sadd.s32 $0xFFFFE003, lr  }
0x1b: {  	s9 =	sadd.s32 $0xFFFFFEF7, lr;
	s5 =	simm.s32 $0xFFFFFFFF;
	p2 =	slt.u32 s8, $0xFFFFF086  }
0x1c: {  	p1 =	slt.u32 s9, $0xF7A;
	s5 =	simm.s32 @!p2 $0x0  }
0x1d: {  	s5 =	simm.s32 @p1 $0x1;
	p0 =	seq.s32 s7, s2  }
0x1e: {  	s7 =	smul.u32 @!p0 $0xF7A, s2;
	p2 =	seq.s32 @!p0 s5, $0x0  }
0x1f: {  	s9 =	smul.u32 $0xF7A, s1;
	s8 =	simm.s32 @!p0 $0x1BF5;
	p2 =	por !p2, p0  }
0x20: {  	[sflag:s8] =	ssyncset.s32 @!p0 $0xFFFFF086;
	s6 =	sadd.s32 @!p0 s3, s7;
	s7 =	simm.s32 @!p0 $0x108  }
0x21: {  	s3 =	sadd.s32 s3, s9;
	s6 =	sadd.s32 @!p0 $0x88, s6;
	s7 =	simm.s32 @p2 $0x1082  }
0x22: {  	[simem:s7], [sflag:s8] =	dma.local @!p0 [hbm:s6], $0xF7A  }
0x23: {  	s9 =	sor.u32 $0xD0000000, s2;
	s6 =	simm.s32 $0x108;
	_ =	swait.ge @!p0 [sflag:s8], $0x0  }
0x24: {  	s3 =	sadd.s32 $0x88, s3;
	s6 =	simm.s32 @!p1 $0x1082;
	[sflag:s4] =	ssyncset.s32 $0xFFFFF086  }
0x25: {  	[simem:s6], [sflag:s4] =	dma.local [hbm:s3], $0xF7A  }
0x26: {  	[smem:$0x3F99] =	sst s1;
	(tag) =	ssettag s2;
	_ =	strace s9  }
0x27: {  	s1 =	sld [smem:$0x3FA9]  }
0x28: {  	s2 =	sld [smem:$0x3FAA]  }
0x29: {  	s4 =	sld [smem:$0x3FAC]  }
0x2a: {  	p0 =	seq.s32 s5, $0x0;
	s5 =	sld [smem:$0x3FAD]  }
0x2b: {  	s6 =	sld [smem:$0x3FAE]  }
0x2c: {  	s7 =	sld [smem:$0x3FAF]  }
0x2d: {  	s3 =	simm.s32 $0x108;
	s8 =	sld [smem:$0x3FB0]  }
0x2e: {  	s3 =	simm.s32 @!p0 $0x1082;
	s9 =	sld [smem:$0x3FB1]  }
0x2f: {  	lr =	sadd.s32 s0, s3;
	s0 =	sld [smem:$0x3FA8]  }
0x30: {  	s3 =	sld [smem:$0x3FAB]  }
0x31: {  	[smem:$0x3FB4] =	sst s10  }
0x32: {  	s10 =	sld [smem:$0x3FB2];
	_ =	sdelay $0x3  }
0x33: {  	p0 =	seq.s32 s10, $0x1;
	s10 =	sld [smem:$0x3FB4];
	_ =	sdelay $0x3  }
0x34: {  	[smem:$0x3FB4] =	sst s10  }
0x35: {  	s10 =	sld [smem:$0x3FB3];
	_ =	sdelay $0x3  }
0x36: {  	p1 =	seq.s32 s10, $0x1;
	s10 =	sld [smem:$0x3FB4];
	_ =	sdelay $0x3  }
0x37: {  	[smem:$0x3FB4] =	sst s10  }
0x38: {  	s10 =	sld [smem:$0x3FB5]  }
0x39: {  	_ = 	snop;
	(pc) =	sbr.ind lr, $3  }
0x3a: {  	_ = 	snop  }
0x3b: {  	_ = 	snop  }
0x3c: {  	p2 =	seq.s32 s10, $0x1;
	s10 =	sld [smem:$0x3FB4]  }
0x3d: {  	_ =	shalt  }
0x3e: {  	_ =	shalt  }
0x3f: {  	_ =	shalt  }
0x40: {  	_ =	shalt  }
0x41: {  	_ =	shalt  }
0x42: {  	_ =	shalt  }
0x43: {  	_ =	shalt  }
0x44: {  	_ =	shalt  }
0x45: {  	_ =	shalt  }
0x46: {  	_ =	shalt  }
0x47: {  	_ =	shalt  }
0x48: {  	_ =	shalt  }
0x49: {  	_ =	shalt  }
0x4a: {  	_ =	shalt  }
0x4b: {  	_ =	shalt  }
0x4c: {  	_ =	shalt  }
0x4d: {  	_ =	shalt  }
0x4e: {  	_ =	shalt  }
0x4f: {  	_ =	shalt  }
0x50: {  	_ =	shalt  }
0x51: {  	_ =	shalt  }
0x52: {  	_ =	shalt  }
0x53: {  	_ =	shalt  }
0x54: {  	_ =	shalt  }
0x55: {  	_ =	shalt  }
0x56: {  	_ =	shalt  }
0x57: {  	_ =	shalt  }
0x58: {  	_ =	shalt  }
0x59: {  	_ =	shalt  }
0x5a: {  	_ =	shalt  }
0x5b: {  	_ =	shalt  }
0x5c: {  	_ =	shalt  }
0x5d: {  	_ =	shalt  }
0x5e: {  	_ =	shalt  }
0x5f: {  	_ =	shalt  }
0x60: {  	_ =	shalt  }
0x61: {  	_ =	shalt  }
0x62: {  	_ =	shalt  }
0x63: {  	_ =	shalt  }
0x64: {  	_ =	shalt  }
0x65: {  	_ =	shalt  }
0x66: {  	_ =	shalt  }
0x67: {  	_ =	shalt  }
0x68: {  	_ =	shalt  }
0x69: {  	_ =	shalt  }
0x6a: {  	_ =	shalt  }
0x6b: {  	_ =	shalt  }
0x6c: {  	_ =	shalt  }
0x6d: {  	_ =	shalt  }
0x6e: {  	_ =	shalt  }
0x6f: {  	_ =	shalt  }
0x70: {  	_ =	shalt  }
0x71: {  	_ =	shalt  }
0x72: {  	_ =	shalt  }
0x73: {  	_ =	shalt  }
0x74: {  	_ =	shalt  }
0x75: {  	_ =	shalt  }
0x76: {  	_ =	shalt  }
0x77: {  	_ =	shalt  }
0x78: {  	_ =	shalt  }
0x79: {  	_ =	shalt  }
0x7a: {  	_ =	shalt  }
0x7b: {  	_ =	shalt  }
0x7c: {  	_ =	shalt  }
0x7d: {  	_ =	shalt  }
0x7e: {  	_ =	shalt  }
0x7f: {  	_ =	shalt  }
0x80: {  	_ =	shalt  }
0x81: {  	_ =	shalt  }
0x82: {  	_ =	shalt  }
0x83: {  	_ =	shalt  }
0x84: {  	_ =	shalt  }
0x85: {  	_ =	shalt  }
0x86: {  	_ =	shalt  }
0x87: {  	_ =	shalt  }
.Lfunc_end0:
.L_simem_size_0:
called_computation.1_lowered:
.L_overlay_start_0:
0x88: {  	s2 =	sld [smem:$0x3FD9]  }
0x89: {  	s3 =	sld [smem:$0x3FFE];
	_ =	sdelay $0x1  }
0x8a: {  	s1 =	srdreg.scid  }
0x8b: {  	s0 =	sand.u32 $0x1, s1  }
0x8c: {  	s14 =	sshll.u32 s0, $0xA;
	s2 =	sadd.s32 s3, s2  }
0x8d: {  	s2 =	sadd.s32 s2, s14  }
0x8e: {  	[smem:$0x3FC0] =	sst s2  }
0x8f: {  	_ = 	snop  }
0x90: {  	s2 =	sld [smem:$0x3FD0];
	_ =	sdelay $0x2  }
0x91: {  	s15 =	simm.s32 $0xB;
	s4 =	simm.s32 $0x10  }
0x92: {  	[smem:s4], [sflag:s15] =	dma.local [hbm:s2], $0x1  }
0x93: {  	_ =	swait.eq [sflag:s15], $0x1  }
0x94: {  	[sflag:s15] =	ssyncset.done $0x0  }
0x95: {  	[sflag:s15] =	ssyncadd.s32 $0xFFFFFFFF  }
0x96: {  	s16 =	sld [smem:$0x11];
	(tm) =	ssettm $0x1  }
0x97: {  	s17 =	sld [smem:$0x3FFB];
	_ =	sdelay $0x3  }
0x98: {  	_ =	strace s17  }
0x99: {  	s3 =	sld [smem:$0x3FFC];
	_ =	sdelay $0x3  }
0x9a: {  	_ =	strace s3  }
0x9b: {  	s3 =	sld [smem:$0x3FFD];
	_ =	sdelay $0x3  }
0x9c: {  	_ =	strace s3  }
0x9d: {  	_ =	strace $0x8FFFFFFF  }
0x9e: {  	s18 =	sld [smem:$0x3FDB];
	_ =	sdelay $0x1  }
0x9f: {  	s19 =	simm.s32 $_scs_section_size  }
0xa0: {  	s5 =	simm.s32 $_size__tile_overlayer_lowered;
	s6 =	simm.s32 $_tile_overlayer_lowered  }
0xa1: {  	s22 =	simm.s32 $0x1BFF;
	s21 =	sshll.u32 s6, $0x1;
	s3 =	sadd.s32 s19, s18  }
0xa2: {  	s7 =	simm.s32 $0x0;
	s20 =	sshll.u32 s5, $0x1;
	s5 =	sadd.s32 s21, s3  }
0xa3: {  	[timem:s7], [sflag:s22] =	dma.local [hbm:s5], s20  }
0xa4: {  	_ =	swait.ge [sflag:s22], s20  }
0xa5: {  	s4 =	ssub.s32 $0x0, s20;
	[sflag:s22] =	ssyncset.done $0x0  }
0xa6: {  	[sflag:s22] =	ssyncadd.s32 s4;
	_ =	sdelay $0x1  }
0xa7: {  	s23 =	simm.s32 $0x1B8B  }
0xa8: {  	_ =	swait.ge [sflag:s23], $0x1  }
0xa9: {  	[sflag:s23] =	ssyncset.done $0x0  }
0xaa: {  	s25 =	simm.s32 $0x1B8E;
	s24 =	sld [smem:$0x3FFE];
	[sflag:s23] =	ssyncadd.s32 $0xFFFFFFFF  }
0xab: {  	s26 =	simm.s32 $execute0_lowered;
	[smem:$0x3FD2] =	sst s25  }
0xac: {  	s5 =	sshll.u32 s26, $0x1;
	_ =	strace $0x80000046;
	[dreg:$0x1] =	wrdreg $0xFFFFFFFF  }
0xad: {  	s28 =	simm.s32 $_size_execute0_lowered;
	s3 =	sadd.s32 s3, s5;
	[dreg:$0x0] =	wrdreg $0x0  }
0xae: {  	s5 =	sshll.u32 s28, $0x1;
	[dreg:$0x2] =	wrdreg s3  }
0xaf: {  	[dreg:$0x3] =	wrdreg s5  }
0xb0: {  	[dreg:$0x4] =	wrdreg $0xC0  }
0xb1: {  	_ =	task [dreg:s7], $0x5FFFF  }
0xb2: {  	[dreg:$0x1] =	wrdreg $0xFFFFFFFF  }
0xb3: {  	[dreg:$0x0] =	wrdreg $0x60  }
0xb4: {  	[dreg:$0x2] =	wrdreg s16  }
0xb5: {  	[dreg:$0x3] =	wrdreg s24  }
0xb6: {  	[dreg:$0x4] =	wrdreg $0xA  }
0xb7: {  	_ =	task.clear_ibuf [dreg:s7], $0x5FFFF;
	_ =	strace $0x90000046  }
0xb8: {  	s29 =	simm.s32 $0xA;
	_ =	strace $0x80000048  }
0xb9: {  	_ =	swait.ge [sflag:s29], $0x1  }
0xba: {  	[sflag:s29] =	ssyncadd.s32 $0xFFFFFFFF  }
0xbb: {  	_ =	strace $0x90000048  }
0xbc: {  	_ =	sfence  }
0xbd: {  	s30 =	sld [smem:$0x0];
	_ =	sdelay $0x2  }
0xbe: {  	s31 =	sshll.u32 s1, $0xD;
	s1 =	sshrl.u32 s1, $0x2  }
0xbf: {  	s3 =	sand.u32 $0x4000, s31;
	s1 =	sadd.s32 s1, s30  }
0xc0: {  	s0 =	sor.u32 s3, s0;
	s1 =	sshll.u32 s1, $0x11  }
0xc1: {  	s0 =	sor.u32 s1, s0  }
0xc2: {  	s0 =	sadd.s32 $0x8F2B, s0  }
0xc3: {  	[sflag:s0] =	ssyncadd.remote.s32 $0x1  }
0xc4: {  	_ =	sfence.sel $0xFFFF  }
0xc5: {  	[dreg:$0x0] =	wrdreg $0xFFFFFFFF;
	(pc) =	sbr.abs _section_cstart, $3  }
0xc6: {  	[dreg:$0x1] =	wrdreg $0xFFFFFFFF  }
0xc7: {  	_ =	task.clear_ibuf [dreg:s7], $0x2FFFF;
	_ =	strace $0x9FFFFFFF  }
0xc8: {  	(tm) =	ssettm $0x7FFFFFFF  }
0xc9: {  	_ =	shalt  }
tec
execute0_lowered:
.L_overlay_start_1:
0x0: {  	(tag) =	ssettag $0x1  }
0x1: {  	s8 =	rddreg [dreg:$0x0]  }
0x2: {  	s4 =	rddreg [dreg:$0x1]  }
0x3: {  	s0 =	rddreg [dreg:$0x2];
	s2 =	simm.s32 $0x0;
	s3 =	srdreg.scid  }
0x4: {  	s1 =	stileid.u32;
	s16 =	simm.s32 $0x1;
	s17 =	simm.s32 $0x2  }
0x5: {  	[smem:$0x7FF] =	sst s2;
	s9 =	sand.u32 $0x1, s3;
	s6 =	sshll.u32 s1, $0x1  }
0x6: {  	s3 =	sadd.s32 $0xC5000, s4;
	s10 =	sadd.s32 $0x188600, s4;
	s30 =	sshll.u32 s1, $0x5  }
0x7: {  	s31 =	sshll.u32 s1, $0xC;
	_ =	strace $0x80000047;
	s5 =	ssub.s32 $0x2, s9  }
0x8: {  	s6 =	sor.u32 s9, s6;
	s13 =	sshll.u32 s9, $0x4;
	s14 =	sadd.s32 s31, s10  }
0x9: {  	s15 =	sshll.u32 s9, $0xB;
	s7 =	sshrl.u32 s5, $0x1;
	s28 =	sshll.u32 s6, $0x4  }
0xa: {  	s18 =	sor.u32 $0xC20, s6;
	s6 =	sshll.u32 s6, $0xB;
	s5 =	ssub.s32 s5, s7  }
0xb: {  	s4 =	sadd.s32 s8, s28;
	s29 =	sshll.u32 s18, $0x4;
	s11 =	sadd.s32 s6, s10  }
0xc: {  	s12 =	sshll.u32 s18, $0xB;
	p0 =	sgt.u32 s18, $0xC34;
	s18 =	simm.s32 $0x0  }
0xd: {  	s5 =	smax.u32 s5, $0x1;
	s6 =	sadd.s32 s8, s29;
	s7 =	sadd.s32 $0x600000, s11  }
0xe: {  	s11 =	sadd.s32 s30, s8;
	s8 =	sadd.s32 s10, s12;
	s10 =	sadd.s32 s15, s14  }
0xf: {  	s12 =	simm.s32 $0x80;
	s14 =	simm.s32 $0x4;
	s15 =	simm.s32 $0x4100  }
0x10: {  	s9 =	sadd.s32 s13, s11;
	s11 =	simm.s32 $0x3;
	s13 =	simm.s32 $0x100  }
.LBB2_1:
0x11: {  	[tilespmem:s2], [sflag:$0x3] =	stream.linear.gather [hbm4b:s4+s2], $0x80, $0x38;
	[tilespmem:$0x8100] =	vst v63  }
0x12: {  	_ =	swait.ge [sflag:s11], $0x80  }
0x13: {  	[sflag:s11] =	ssyncset.done $0x0  }
0x14: {  	s19 =	sadd.s32 $0x0, s9;
	[sflag:s11] =	ssyncadd.s32 $0xFFFFFF80  }
0x15: {  	[tilespmem:s13], [sflag:$0x1] =	stream.indirect.gather [hbm4b:s3+s12], $0x80, s2, s12, $0xb8;
	[tilespmem:$0x8100] =	vst v63  }
0x16: {  	s20 =	sadd.s32 $0x200, s19  }
0x17: {  	[tilespmem:s12], [sflag:$0x4] =	stream.linear.gather [hbm4b:s20+s2], $0x80, $0x38;
	[tilespmem:$0x8100] =	vst v63  }
0x18: {  	_ =	swait.ge [sflag:s14], $0x80  }
0x19: {  	[sflag:s14] =	ssyncset.done $0x0  }
0x1a: {  	[sflag:s14] =	ssyncadd.s32 $0xFFFFFF80  }
0x1b: {  	[tilespmem:s15], [sflag:$0x2] =	stream.indirect.gather [hbm4b:s3+s12], $0x80, s12, s12, $0xb8;
	[tilespmem:$0x8100] =	vst v63  }
0x1c: {  	_ =	swait.ge [sflag:s16], $0x4000  }
0x1d: {  	[sflag:s16] =	ssyncset.done $0x0  }
0x1e: {  	[sflag:s16] =	ssyncadd.s32 $0xFFFFC000  }
0x1f: {  	[hbm4b:s10+s2] =	stream.linear.scatter [tilespmem:s13], [sflag:$0x4], $0x4000, $0x38;
	[tilespmem:$0x8100] =	vst v63  }
0x20: {  	_ =	swait.ge [sflag:s14], $0x4000  }
0x21: {  	[sflag:s14] =	ssyncset.done $0x0  }
0x22: {  	s19 =	sadd.s32 $0x400, s19;
	[sflag:s14] =	ssyncadd.s32 $0xFFFFC000  }
0x23: {  	[tilespmem:s2], [sflag:$0x4] =	stream.linear.gather [hbm4b:s19+s2], $0x80, $0x38;
	[tilespmem:$0x8100] =	vst v63  }
0x24: {  	_ =	swait.ge [sflag:s14], $0x80  }
0x25: {  	[sflag:s14] =	ssyncset.done $0x0  }
0x26: {  	[sflag:s14] =	ssyncadd.s32 $0xFFFFFF80  }
0x27: {  	[tilespmem:s13], [sflag:$0x1] =	stream.indirect.gather [hbm4b:s3+s12], $0x80, s2, s12, $0xb8;
	[tilespmem:$0x8100] =	vst v63  }
0x28: {  	_ =	swait.ge [sflag:s17], $0x4000  }
0x29: {  	[sflag:s17] =	ssyncset.done $0x0  }
0x2a: {  	s31 =	sadd.s32 $0x10000, s10;
	[sflag:s17] =	ssyncadd.s32 $0xFFFFC000  }
0x2b: {  	[hbm4b:s31+s2] =	stream.linear.scatter [tilespmem:s15], [sflag:$0x3], $0x4000, $0x38;
	[tilespmem:$0x8100] =	vst v63  }
0x2c: {  	s21 =	simm.s32 $0x800;
	_ =	swait.ge [sflag:s11], $0x4000  }
0x2d: {  	s20 =	sadd.s32 $0x400, s9;
	s19 =	sadd.s32 $0x20000, s10;
	[sflag:s11] =	ssyncset.done $0x0  }
.LBB2_2:
0x2e: {  	s22 =	sadd.s32 $0x200, s20  }
0x2f: {  	[sflag:s11] =	ssyncadd.s32 $0xFFFFC000;
	s23 =	smov.u32 s21;
	s24 =	sadd.s32 $0x400, s21  }
0x30: {  	[tilespmem:s12], [sflag:$0x4] =	stream.linear.gather [hbm4b:s22+s2], $0x80, $0x38;
	[tilespmem:$0x8100] =	vst v63  }
0x31: {  	p1 =	sne.s32 s21, $0xBC00;
	_ =	swait.ge [sflag:s14], $0x80  }
0x32: {  	[sflag:s14] =	ssyncset.done $0x0  }
0x33: {  	[sflag:s14] =	ssyncadd.s32 $0xFFFFFF80  }
0x34: {  	[tilespmem:s15], [sflag:$0x2] =	stream.indirect.gather [hbm4b:s3+s12], $0x80, s12, s12, $0xb8;
	[tilespmem:$0x8100] =	vst v63  }
0x35: {  	_ =	swait.ge [sflag:s16], $0x4000  }
0x36: {  	[sflag:s16] =	ssyncset.done $0x0  }
0x37: {  	[sflag:s16] =	ssyncadd.s32 $0xFFFFC000  }
0x38: {  	[hbm4b:s19+s2] =	stream.linear.scatter [tilespmem:s13], [sflag:$0x4], $0x4000, $0x38;
	[tilespmem:$0x8100] =	vst v63  }
0x39: {  	_ =	swait.ge [sflag:s14], $0x4000  }
0x3a: {  	[sflag:s14] =	ssyncset.done $0x0  }
0x3b: {  	s20 =	sadd.s32 $0x400, s20;
	[sflag:s14] =	ssyncadd.s32 $0xFFFFC000  }
0x3c: {  	[tilespmem:s2], [sflag:$0x4] =	stream.linear.gather [hbm4b:s20+s2], $0x80, $0x38;
	[tilespmem:$0x8100] =	vst v63  }
0x3d: {  	_ =	swait.ge [sflag:s14], $0x80  }
0x3e: {  	[sflag:s14] =	ssyncset.done $0x0  }
0x3f: {  	[sflag:s14] =	ssyncadd.s32 $0xFFFFFF80  }
0x40: {  	[tilespmem:s13], [sflag:$0x1] =	stream.indirect.gather [hbm4b:s3+s12], $0x80, s2, s12, $0xb8;
	[tilespmem:$0x8100] =	vst v63  }
0x41: {  	_ =	swait.ge [sflag:s17], $0x4000  }
.Ltmp0:
0x42: {  	[sflag:s17] =	ssyncset.done $0x0;
	(pc) =	sbr.rel @p1 .LBB2_2-.Ltmp0, $4  }
0x43: {  	s20 =	sadd.s32 $0x10000, s19;
	[sflag:s17] =	ssyncadd.s32 $0xFFFFC000  }
0x44: {  	[hbm4b:s20+s2] =	stream.linear.scatter [tilespmem:s15], [sflag:$0x3], $0x4000, $0x38;
	[tilespmem:$0x8100] =	vst v63  }
0x45: {  	s21 =	smov.u32 s24;
	_ =	swait.ge [sflag:s11], $0x4000  }
0x46: {  	s19 =	sadd.s32 $0x20000, s19;
	s20 =	sadd.s32 s23, s9;
	[sflag:s11] =	ssyncset.done $0x0  }
0x47: {  	s21 =	sadd.s32 $0x200, s20;
	[sflag:s11] =	ssyncadd.s32 $0xFFFFC000  }
0x48: {  	[tilespmem:s12], [sflag:$0x4] =	stream.linear.gather [hbm4b:s21+s2], $0x80, $0x38;
	[tilespmem:$0x8100] =	vst v63  }
0x49: {  	_ =	swait.ge [sflag:s14], $0x80  }
0x4a: {  	[sflag:s14] =	ssyncset.done $0x0  }
0x4b: {  	[sflag:s14] =	ssyncadd.s32 $0xFFFFFF80  }
0x4c: {  	[tilespmem:s15], [sflag:$0x2] =	stream.indirect.gather [hbm4b:s3+s12], $0x80, s12, s12, $0xb8;
	[tilespmem:$0x8100] =	vst v63  }
0x4d: {  	_ =	swait.ge [sflag:s16], $0x4000  }
0x4e: {  	[sflag:s16] =	ssyncset.done $0x0  }
0x4f: {  	[sflag:s16] =	ssyncadd.s32 $0xFFFFC000  }
0x50: {  	[hbm4b:s19+s2] =	stream.linear.scatter [tilespmem:s13], [sflag:$0x4], $0x4000, $0x38;
	[tilespmem:$0x8100] =	vst v63  }
0x51: {  	_ =	swait.ge [sflag:s14], $0x4000  }
0x52: {  	[sflag:s14] =	ssyncset.done $0x0  }
0x53: {  	s30 =	sadd.s32 $0x400, s20;
	[sflag:s14] =	ssyncadd.s32 $0xFFFFC000  }
0x54: {  	[tilespmem:s2], [sflag:$0x4] =	stream.linear.gather [hbm4b:s30+s2], $0x80, $0x38;
	[tilespmem:$0x8100] =	vst v63  }
0x55: {  	_ =	swait.ge [sflag:s14], $0x80  }
0x56: {  	[sflag:s14] =	ssyncset.done $0x0  }
0x57: {  	[sflag:s14] =	ssyncadd.s32 $0xFFFFFF80  }
0x58: {  	[tilespmem:s13], [sflag:$0x1] =	stream.indirect.gather [hbm4b:s3+s12], $0x80, s2, s12, $0xb8;
	[tilespmem:$0x8100] =	vst v63  }
0x59: {  	_ =	swait.ge [sflag:s17], $0x4000  }
0x5a: {  	[sflag:s17] =	ssyncset.done $0x0  }
0x5b: {  	s31 =	sadd.s32 $0x10000, s19;
	[sflag:s17] =	ssyncadd.s32 $0xFFFFC000  }
0x5c: {  	[hbm4b:s31+s2] =	stream.linear.scatter [tilespmem:s15], [sflag:$0x3], $0x4000, $0x38;
	[tilespmem:$0x8100] =	vst v63  }
0x5d: {  	_ =	swait.ge [sflag:s11], $0x4000  }
0x5e: {  	s20 =	simm.s32 @!p0 $0x80;
	[sflag:s11] =	ssyncset.done $0x0  }
0x5f: {  	s21 =	simm.s32 @!p0 $0x4;
	s19 =	simm.s32 @!p0 $0x0;
	[sflag:s11] =	ssyncadd.s32 $0xFFFFC000  }
0x60: {  	[tilespmem:s20], [sflag:$0x4] =	stream.linear.gather @!p0 [hbm4b:s6+s19], $0x80, $0x38;
	[tilespmem:$0x8100] =	vst v63  }
0x61: {  	_ =	swait.ge @!p0 [sflag:s21], $0x80  }
0x62: {  	[sflag:s21] =	ssyncset.done @!p0 $0x0  }
0x63: {  	[sflag:s21] =	ssyncadd.s32 @!p0 $0xFFFFFF80;
	s21 =	simm.s32 @!p0 $0x4100  }
0x64: {  	[tilespmem:s21], [sflag:$0x2] =	stream.indirect.gather @!p0 [hbm4b:s3+s20], $0x80, s20, s20, $0xb8;
	[tilespmem:$0x8100] =	vst v63  }
0x65: {  	_ =	swait.ge [sflag:s16], $0x4000  }
0x66: {  	[sflag:s16] =	ssyncset.done $0x0  }
0x67: {  	[sflag:s16] =	ssyncadd.s32 $0xFFFFC000  }
0x68: {  	[hbm4b:s7+s2] =	stream.linear.scatter [tilespmem:s13], [sflag:$0x4], $0x4000, $0x38;
	[tilespmem:$0x8100] =	vst v63  }
0x69: {  	_ =	swait.ge [sflag:s14], $0x4000  }
0x6a: {  	[sflag:s14] =	ssyncset.done $0x0  }
0x6b: {  	s20 =	simm.s32 @!p0 $0x2;
	[sflag:s14] =	ssyncadd.s32 $0xFFFFC000  }
0x6c: {  	_ =	swait.ge @!p0 [sflag:s20], $0x4000  }
0x6d: {  	s18 =	sadd.s32 $0x1, s18;
	[sflag:s20] =	ssyncset.done @!p0 $0x0  }
0x6e: {  	p1 =	sne.s32 s18, s5;
	[sflag:s20] =	ssyncadd.s32 @!p0 $0xFFFFC000  }
0x6f: {  	[hbm4b:s8+s19] =	stream.linear.scatter @!p0 [tilespmem:s21], [sflag:$0x3], $0x4000, $0x38;
	[tilespmem:$0x8100] =	vst v63  }
.Ltmp1:
0x70: {  	_ = 	snop;
	(pc) =	sbr.rel @p1 .LBB2_1-.Ltmp1, $4  }
0x71: {  	s19 =	simm.s32 @!p0 $0x3  }
0x72: {  	_ =	swait.ge @!p0 [sflag:s19], $0x4000  }
0x73: {  	[sflag:s19] =	ssyncset.done @!p0 $0x0  }
0x74: {  	[sflag:s19] =	ssyncadd.s32 @!p0 $0xFFFFC000  }
0x75: {  	_ =	sfence.sel $0x180000  }
0x76: {  	[bflag:$0x0] =	sbarrier.arrive $0xFFFF  }
0x77: {  	p0 =	sne.s32 s1, $0x0;
	_ =	strace $0x90000047  }
0x78: {  	s0 =	sadd.s32 @!p0 $0x100000, s0;
	[bflag:$0x2] =	sbarrier.arrive $0xFFFF  }
0x79: {  	[sflag:s0] =	ssyncadd.tile.s32 @!p0 $0x1;
	_ =	shalt  }
.Lfunc_end2:
_tile_overlayer_lowered:
.L_overlay_start_2:
0x7a: {  	(tag) =	ssettag $0x2  }
0x7b: {  	s0 =	rddreg [dreg:$0x0];
	s2 =	stileid.u32  }
0x7c: {  	s1 =	rddreg [dreg:$0x1];
	p0 =	sne.s32 s2, $0x0  }
0x7d: {  	s3 =	rddreg [dreg:$0x2];
	[bflag:$0x3] =	sbarrier.arrive $0xFFFF;
	s2 =	simm.s32 @!p0 $0x1C03  }
0x7e: {  	[timem:s3], [sflag:s2] =	dma.local @!p0 [hbm:s0], s1  }
0x7f: {  	s0 =	simm.s32 @!p0 $0x3  }
0x80: {  	_ =	swait.ge @!p0 [sflag:s0], s1  }
0x81: {  	s1 =	ssub.s32 @!p0 $0x0, s1;
	[sflag:s0] =	ssyncset.done @!p0 $0x0  }
0x82: {  	[sflag:s0] =	ssyncadd.s32 @!p0 s1  }
0x83: {  	[bflag:$0x3] =	sbarrier.arrive $0xFFFF  }
0x84: {  	_ =	shalt  }

// kernel: kernel.15.cloned.1.call-start
scs
__scs_entry_jumppad:
0x0: {  	(pc) =	sbr.rel $0x88, $3  }
0x1: {  	(tag) =	ssettag $0x0;
	lr =	simm.s32 $0x1  }
0x2: {  	[smem:$0x3F99] =	sst lr;
	_ =	strace $0xD0000000  }
0x3: {  	_ = 	snop  }
0x4: {  	_ = 	snop  }
0x5: {  	_ = 	snop  }
0x6: {  	_ = 	snop  }
0x7: {  	_ = 	snop  }
__scs_overlays_trampoline_lowered:
0x8: {  	[smem:$0x3FA8] =	sst s0  }
0x9: {  	[smem:$0x3FA9] =	sst s1  }
0xa: {  	[smem:$0x3FAA] =	sst s2  }
0xb: {  	[smem:$0x3FAB] =	sst s3  }
0xc: {  	[smem:$0x3FAC] =	sst s4  }
0xd: {  	[smem:$0x3FAD] =	sst s5  }
0xe: {  	[smem:$0x3FAE] =	sst s6  }
0xf: {  	[smem:$0x3FAF] =	sst s7  }
0x10: {  	[smem:$0x3FB0] =	sst s8  }
0x11: {  	[smem:$0x3FB1] =	sst s9;
	s0 =	simm.s32 @!p0 $0x0  }
0x12: {  	s1 =	sld [smem:$0x3F97];
	s0 =	simm.s32 @p0 $0x1  }
0x13: {  	[smem:$0x3FB2] =	sst s0;
	s0 =	simm.s32 @!p1 $0x0  }
0x14: {  	s2 =	sld [smem:$0x3F96];
	s0 =	simm.s32 @p1 $0x1  }
0x15: {  	[smem:$0x3FB3] =	sst s0;
	s0 =	simm.s32 @!p2 $0x0  }
0x16: {  	s3 =	sld [smem:$0x3FDB];
	s0 =	simm.s32 @p2 $0x1  }
0x17: {  	s4 =	simm.s32 $0x1BF5;
	[smem:$0x3FB5] =	sst s0  }
0x18: {  	s0 =	sld [smem:$0x3F98];
	_ =	swait.ge [sflag:s4], $0x0  }
0x19: {  	s7 =	sld [smem:$0x3F99]  }
0x1a: {  	s8 =	sadd.s32 $0xFFFFE003, lr  }
0x1b: {  	s9 =	sadd.s32 $0xFFFFFEF7, lr;
	s5 =	simm.s32 $0xFFFFFFFF;
	p2 =	slt.u32 s8, $0xFFFFF086  }
0x1c: {  	p1 =	slt.u32 s9, $0xF7A;
	s5 =	simm.s32 @!p2 $0x0  }
0x1d: {  	s5 =	simm.s32 @p1 $0x1;
	p0 =	seq.s32 s7, s2  }
0x1e: {  	s7 =	smul.u32 @!p0 $0xF7A, s2;
	p2 =	seq.s32 @!p0 s5, $0x0  }
0x1f: {  	s9 =	smul.u32 $0xF7A, s1;
	s8 =	simm.s32 @!p0 $0x1BF5;
	p2 =	por !p2, p0  }
0x20: {  	[sflag:s8] =	ssyncset.s32 @!p0 $0xFFFFF086;
	s6 =	sadd.s32 @!p0 s3, s7;
	s7 =	simm.s32 @!p0 $0x108  }
0x21: {  	s3 =	sadd.s32 s3, s9;
	s6 =	sadd.s32 @!p0 $0x88, s6;
	s7 =	simm.s32 @p2 $0x1082  }
0x22: {  	[simem:s7], [sflag:s8] =	dma.local @!p0 [hbm:s6], $0xF7A  }
0x23: {  	s9 =	sor.u32 $0xD0000000, s2;
	s6 =	simm.s32 $0x108;
	_ =	swait.ge @!p0 [sflag:s8], $0x0  }
0x24: {  	s3 =	sadd.s32 $0x88, s3;
	s6 =	simm.s32 @!p1 $0x1082;
	[sflag:s4] =	ssyncset.s32 $0xFFFFF086  }
0x25: {  	[simem:s6], [sflag:s4] =	dma.local [hbm:s3], $0xF7A  }
0x26: {  	[smem:$0x3F99] =	sst s1;
	(tag) =	ssettag s2;
	_ =	strace s9  }
0x27: {  	s1 =	sld [smem:$0x3FA9]  }
0x28: {  	s2 =	sld [smem:$0x3FAA]  }
0x29: {  	s4 =	sld [smem:$0x3FAC]  }
0x2a: {  	p0 =	seq.s32 s5, $0x0;
	s5 =	sld [smem:$0x3FAD]  }
0x2b: {  	s6 =	sld [smem:$0x3FAE]  }
0x2c: {  	s7 =	sld [smem:$0x3FAF]  }
0x2d: {  	s3 =	simm.s32 $0x108;
	s8 =	sld [smem:$0x3FB0]  }
0x2e: {  	s3 =	simm.s32 @!p0 $0x1082;
	s9 =	sld [smem:$0x3FB1]  }
0x2f: {  	lr =	sadd.s32 s0, s3;
	s0 =	sld [smem:$0x3FA8]  }
0x30: {  	s3 =	sld [smem:$0x3FAB]  }
0x31: {  	[smem:$0x3FB4] =	sst s10  }
0x32: {  	s10 =	sld [smem:$0x3FB2];
	_ =	sdelay $0x3  }
0x33: {  	p0 =	seq.s32 s10, $0x1;
	s10 =	sld [smem:$0x3FB4];
	_ =	sdelay $0x3  }
0x34: {  	[smem:$0x3FB4] =	sst s10  }
0x35: {  	s10 =	sld [smem:$0x3FB3];
	_ =	sdelay $0x3  }
0x36: {  	p1 =	seq.s32 s10, $0x1;
	s10 =	sld [smem:$0x3FB4];
	_ =	sdelay $0x3  }
0x37: {  	[smem:$0x3FB4] =	sst s10  }
0x38: {  	s10 =	sld [smem:$0x3FB5]  }
0x39: {  	_ = 	snop;
	(pc) =	sbr.ind lr, $3  }
0x3a: {  	_ = 	snop  }
0x3b: {  	_ = 	snop  }
0x3c: {  	p2 =	seq.s32 s10, $0x1;
	s10 =	sld [smem:$0x3FB4]  }
0x3d: {  	_ =	shalt  }
0x3e: {  	_ =	shalt  }
0x3f: {  	_ =	shalt  }
0x40: {  	_ =	shalt  }
0x41: {  	_ =	shalt  }
0x42: {  	_ =	shalt  }
0x43: {  	_ =	shalt  }
0x44: {  	_ =	shalt  }
0x45: {  	_ =	shalt  }
0x46: {  	_ =	shalt  }
0x47: {  	_ =	shalt  }
0x48: {  	_ =	shalt  }
0x49: {  	_ =	shalt  }
0x4a: {  	_ =	shalt  }
0x4b: {  	_ =	shalt  }
0x4c: {  	_ =	shalt  }
0x4d: {  	_ =	shalt  }
0x4e: {  	_ =	shalt  }
0x4f: {  	_ =	shalt  }
0x50: {  	_ =	shalt  }
0x51: {  	_ =	shalt  }
0x52: {  	_ =	shalt  }
0x53: {  	_ =	shalt  }
0x54: {  	_ =	shalt  }
0x55: {  	_ =	shalt  }
0x56: {  	_ =	shalt  }
0x57: {  	_ =	shalt  }
0x58: {  	_ =	shalt  }
0x59: {  	_ =	shalt  }
0x5a: {  	_ =	shalt  }
0x5b: {  	_ =	shalt  }
0x5c: {  	_ =	shalt  }
0x5d: {  	_ =	shalt  }
0x5e: {  	_ =	shalt  }
0x5f: {  	_ =	shalt  }
0x60: {  	_ =	shalt  }
0x61: {  	_ =	shalt  }
0x62: {  	_ =	shalt  }
0x63: {  	_ =	shalt  }
0x64: {  	_ =	shalt  }
0x65: {  	_ =	shalt  }
0x66: {  	_ =	shalt  }
0x67: {  	_ =	shalt  }
0x68: {  	_ =	shalt  }
0x69: {  	_ =	shalt  }
0x6a: {  	_ =	shalt  }
0x6b: {  	_ =	shalt  }
0x6c: {  	_ =	shalt  }
0x6d: {  	_ =	shalt  }
0x6e: {  	_ =	shalt  }
0x6f: {  	_ =	shalt  }
0x70: {  	_ =	shalt  }
0x71: {  	_ =	shalt  }
0x72: {  	_ =	shalt  }
0x73: {  	_ =	shalt  }
0x74: {  	_ =	shalt  }
0x75: {  	_ =	shalt  }
0x76: {  	_ =	shalt  }
0x77: {  	_ =	shalt  }
0x78: {  	_ =	shalt  }
0x79: {  	_ =	shalt  }
0x7a: {  	_ =	shalt  }
0x7b: {  	_ =	shalt  }
0x7c: {  	_ =	shalt  }
0x7d: {  	_ =	shalt  }
0x7e: {  	_ =	shalt  }
0x7f: {  	_ =	shalt  }
0x80: {  	_ =	shalt  }
0x81: {  	_ =	shalt  }
0x82: {  	_ =	shalt  }
0x83: {  	_ =	shalt  }
0x84: {  	_ =	shalt  }
0x85: {  	_ =	shalt  }
0x86: {  	_ =	shalt  }
0x87: {  	_ =	shalt  }
.Lfunc_end0:
.L_simem_size_0:
called_computation.2_lowered:
.L_overlay_start_0:
0x88: {  	s2 =	sld [smem:$0x3FD9]  }
0x89: {  	s3 =	sld [smem:$0x3FFE];
	_ =	sdelay $0x1  }
0x8a: {  	s1 =	srdreg.scid  }
0x8b: {  	s0 =	sand.u32 $0x1, s1  }
0x8c: {  	s15 =	sshll.u32 s0, $0xA;
	s2 =	sadd.s32 s3, s2  }
0x8d: {  	s2 =	sadd.s32 s2, s15  }
0x8e: {  	[smem:$0x3FC0] =	sst s2  }
0x8f: {  	_ = 	snop  }
0x90: {  	s2 =	sld [smem:$0x3FD0];
	_ =	sdelay $0x2  }
0x91: {  	s16 =	simm.s32 $0xB;
	s4 =	simm.s32 $0x10  }
0x92: {  	[smem:s4], [sflag:s16] =	dma.local [hbm:s2], $0x1  }
0x93: {  	_ =	swait.eq [sflag:s16], $0x1  }
0x94: {  	[sflag:s16] =	ssyncset.done $0x0  }
0x95: {  	[sflag:s16] =	ssyncadd.s32 $0xFFFFFFFF  }
0x96: {  	s17 =	sld [smem:$0x11];
	(tm) =	ssettm $0x1  }
0x97: {  	s18 =	sld [smem:$0x3FFB];
	_ =	sdelay $0x3  }
0x98: {  	_ =	strace s18  }
0x99: {  	s2 =	sld [smem:$0x3FFC];
	_ =	sdelay $0x3  }
0x9a: {  	_ =	strace s2  }
0x9b: {  	s2 =	sld [smem:$0x3FFD];
	_ =	sdelay $0x3  }
0x9c: {  	_ =	strace s2  }
0x9d: {  	_ =	strace $0x8FFFFFFF  }
0x9e: {  	s19 =	sld [smem:$0x3FDB];
	_ =	sdelay $0x1  }
0x9f: {  	s20 =	simm.s32 $_scs_section_size  }
0xa0: {  	s5 =	simm.s32 $_size__tile_overlayer_lowered;
	s6 =	simm.s32 $_tile_overlayer_lowered  }
0xa1: {  	s7 =	simm.s32 $0x1BFF;
	s21 =	sshll.u32 s6, $0x1;
	s4 =	sadd.s32 s20, s19  }
0xa2: {  	s22 =	simm.s32 $0x0;
	s5 =	sshll.u32 s5, $0x1;
	s6 =	sadd.s32 s21, s4  }
0xa3: {  	[timem:s22], [sflag:s7] =	dma.local [hbm:s6], s5  }
0xa4: {  	_ =	swait.ge [sflag:s7], s5  }
0xa5: {  	s5 =	ssub.s32 $0x0, s5;
	[sflag:s7] =	ssyncset.done $0x0  }
0xa6: {  	[sflag:s7] =	ssyncadd.s32 s5;
	_ =	sdelay $0x1  }
0xa7: {  	s23 =	simm.s32 $0x1B8B  }
0xa8: {  	_ =	swait.ge [sflag:s23], $0x1  }
0xa9: {  	[sflag:s23] =	ssyncset.done $0x0  }
0xaa: {  	[sflag:s23] =	ssyncadd.s32 $0xFFFFFFFF  }
0xab: {  	s5 =	sld [smem:$0x0]  }
0xac: {  	s6 =	sand.u32 $0xFFFFFFFE, s1  }
0xad: {  	p0 =	sne.s32 s1, s6  }
0xae: {  	s6 =	sshll.u32 @p0 s6, $0xE  }
0xaf: {  	s6 =	sadd.s32 @p0 $0x11B8D, s6;
	s7 =	sshll.u32 @p0 s5, $0x11  }
0xb0: {  	s6 =	sor.u32 @p0 s7, s6  }
0xb1: {  	[sflag:s6] =	ssyncadd.remote.s32 @p0 $0x1;
	_ =	sdelay $0x1  }
0xb2: {  	s6 =	simm.s32 @p0 $0x1B8D  }
0xb3: {  	_ =	swait.eq @p0 [sflag:s6], $0x1  }
0xb4: {  	[sflag:s6] =	ssyncadd.s32 @p0 $0xFFFFFFFF  }
0xb5: {  	s7 =	sshll.u32 @!p0 s1, $0xE  }
0xb6: {  	s7 =	sor.u32 @!p0 $0x4000, s7;
	s6 =	simm.s32 @!p0 $0x1B8D  }
0xb7: {  	s5 =	sshll.u32 @!p0 s5, $0x11;
	s7 =	sadd.s32 @!p0 $0x11B8D, s7;
	_ =	swait.eq @!p0 [sflag:s6], $0x1  }
0xb8: {  	s5 =	sor.u32 @!p0 s5, s7;
	[sflag:s6] =	ssyncadd.s32 @!p0 $0xFFFFFFFF  }
0xb9: {  	s25 =	simm.s32 $0x1B8E;
	s24 =	sld [smem:$0x3FFE];
	[sflag:s5] =	ssyncadd.remote.s32 @!p0 $0x1  }
0xba: {  	s26 =	simm.s32 $execute0_lowered;
	[smem:$0x3FD2] =	sst s25  }
0xbb: {  	s6 =	sshll.u32 s26, $0x1;
	_ =	strace $0x8000004F;
	[dreg:$0x1] =	wrdreg $0xFFFFFFFF  }
0xbc: {  	s28 =	simm.s32 $_size_execute0_lowered;
	s4 =	sadd.s32 s4, s6;
	[dreg:$0x0] =	wrdreg $0x0  }
0xbd: {  	s6 =	sshll.u32 s28, $0x1;
	[dreg:$0x2] =	wrdreg s4  }
0xbe: {  	[dreg:$0x3] =	wrdreg s6  }
0xbf: {  	[dreg:$0x4] =	wrdreg $0xC0  }
0xc0: {  	_ =	task [dreg:s22], $0x5FFFF  }
0xc1: {  	[dreg:$0x1] =	wrdreg $0xFFFFFFFF  }
0xc2: {  	[dreg:$0x0] =	wrdreg $0x60  }
0xc3: {  	[dreg:$0x2] =	wrdreg s24  }
0xc4: {  	[dreg:$0x3] =	wrdreg s17  }
0xc5: {  	[dreg:$0x4] =	wrdreg $0x21000  }
0xc6: {  	[dreg:$0x5] =	wrdreg $0x9  }
0xc7: {  	_ =	task.clear_ibuf [dreg:s22], $0x6FFFF;
	_ =	strace $0x9000004F  }
0xc8: {  	s29 =	simm.s32 $0x9;
	_ =	strace $0x80000051  }
0xc9: {  	_ =	swait.ge [sflag:s29], $0x1  }
0xca: {  	[sflag:s29] =	ssyncadd.s32 $0xFFFFFFFF  }
0xcb: {  	_ =	strace $0x90000051  }
0xcc: {  	_ =	sfence  }
0xcd: {  	s30 =	sld [smem:$0x0];
	_ =	sdelay $0x2  }
0xce: {  	s31 =	sshll.u32 s1, $0xD;
	s1 =	sshrl.u32 s1, $0x2  }
0xcf: {  	s4 =	sand.u32 $0x4000, s31;
	s1 =	sadd.s32 s1, s30  }
0xd0: {  	s0 =	sor.u32 s4, s0;
	s1 =	sshll.u32 s1, $0x11  }
0xd1: {  	s0 =	sor.u32 s1, s0  }
0xd2: {  	s0 =	sadd.s32 $0x8F2B, s0  }
0xd3: {  	[sflag:s0] =	ssyncadd.remote.s32 $0x1  }
0xd4: {  	_ =	sfence.sel $0xFFFF  }
0xd5: {  	[dreg:$0x0] =	wrdreg $0xFFFFFFFF;
	(pc) =	sbr.abs _section_cstart, $3  }
0xd6: {  	[dreg:$0x1] =	wrdreg $0xFFFFFFFF  }
0xd7: {  	_ =	task.clear_ibuf [dreg:s22], $0x2FFFF;
	_ =	strace $0x9FFFFFFF  }
0xd8: {  	(tm) =	ssettm $0x7FFFFFFF  }
0xd9: {  	_ =	shalt  }
tec
execute0_lowered:
.L_overlay_start_1:
0x0: {  	(tag) =	ssettag $0x1  }
0x1: {  	s4 =	rddreg [dreg:$0x0]  }
0x2: {  	s5 =	rddreg [dreg:$0x1]  }
0x3: {  	s2 =	rddreg [dreg:$0x2]  }
0x4: {  	s0 =	rddreg [dreg:$0x3]  }
0x5: {  	s6 =	srdreg.scid;
	s1 =	stileid.u32  }
0x6: {  	s3 =	simm.s32 $0x0;
	s18 =	simm.s32 $0x4;
	s19 =	simm.s32 $0x1100  }
0x7: {  	s20 =	simm.s32 $0x1;
	s21 =	simm.s32 $0x2;
	s12 =	sand.u32 $0x1, s6  }
0x8: {  	s23 =	smul.u32 $0x186A0, s1;
	[smem:$0x7FF] =	sst s3;
	s13 =	sadd.s32 $0x1A00, s4  }
0x9: {  	s14 =	sadd.s32 $0x7BE00, s4;
	s25 =	sshll.u32 s1, $0x8;
	s28 =	sshll.u32 s1, $0x6  }
0xa: {  	s29 =	sshll.u32 s1, $0x1;
	s16 =	sshll.u32 s1, $0xA;
	s17 =	sshll.u32 s1, $0x5  }
0xb: {  	s7 =	smul.u32 $0x186A00, s12;
	_ =	strace $0x80000050;
	s8 =	ssub.s32 $0x2, s12  }
0xc: {  	s26 =	sshll.u32 s12, $0x7;
	s11 =	sor.u32 s12, s29;
	s31 =	sshll.u32 s12, $0x9  }
0xd: {  	s12 =	sshll.u32 s12, $0x4;
	s9 =	sshrl.u32 s8, $0x1;
	s15 =	sadd.s32 s23, s2  }
0xe: {  	s24 =	sshrl.u32 s23, $0x3;
	s22 =	sor.u32 $0xC20, s11;
	s7 =	sadd.s32 s23, s7  }
0xf: {  	s9 =	ssub.s32 s8, s9;
	s30 =	sshll.u32 s22, $0x4;
	s11 =	sshll.u32 s22, $0x9  }
0x10: {  	p0 =	sgt.u32 s22, $0xC34;
	s22 =	simm.s32 $0x0;
	s7 =	sshrl.u32 s7, $0x3  }
0x11: {  	s9 =	smax.u32 s9, $0x1;
	s11 =	sadd.s32 s14, s11;
	s10 =	sadd.s32 s7, s4  }
0x12: {  	s4 =	sadd.s32 s5, s24;
	s7 =	sor.u32 s26, s25;
	s5 =	sor.u32 $0x1C03, s28  }
0x13: {  	s6 =	sshrl.u32 s7, $0x3;
	s7 =	sshll.u32 s7, $0x2;
	s8 =	sadd.s32 $0x202800, s10  }
0x14: {  	s10 =	sadd.s32 s13, s30;
	s6 =	sadd.s32 s13, s6;
	s7 =	sadd.s32 s14, s7  }
0x15: {  	s14 =	sadd.s32 s16, s14;
	s13 =	sadd.s32 s17, s13;
	s16 =	simm.s32 $0x100  }
0x16: {  	s17 =	simm.s32 $0x80;
	s14 =	sadd.s32 s31, s14;
	s12 =	sadd.s32 s12, s13  }
0x17: {  	s13 =	sadd.s32 $0x4000, s14;
	s14 =	sshrl.u32 s15, $0x3;
	s15 =	simm.s32 $0x3  }
.LBB2_1:
0x18: {  	[spmem:s14], [sflag:s5] =	dma.local [hbm:s4], $0x30D4  }
0x19: {  	_ =	swait.ge [sflag:s15], $0x30D4  }
0x1a: {  	[sflag:s15] =	ssyncset.done $0x0  }
0x1b: {  	[sflag:s15] =	ssyncadd.s32 $0xFFFFCF2C  }
0x1c: {  	[bflag:$0x0] =	sbarrier.arrive $0xFFFF  }
0x1d: {  	[tilespmem:s3], [sflag:$0x3] =	stream.linear.gather [hbm4b:s6+s3], $0x80, $0x38;
	[tilespmem:$0x1A7A0] =	vst v63  }
0x1e: {  	_ =	swait.ge [sflag:s15], $0x80  }
0x1f: {  	[sflag:s15] =	ssyncset.done $0x0  }
0x20: {  	s23 =	sadd.s32 $0x0, s12;
	[sflag:s15] =	ssyncadd.s32 $0xFFFFFF80  }
0x21: {  	[tilespmem:s16], [sflag:$0x1] =	stream.linear.gather [hbm4b:s7+s3], $0x1000, $0x38;
	[tilespmem:$0x1A7A0] =	vst v63  }
0x22: {  	s24 =	sadd.s32 $0x200, s23  }
0x23: {  	[tilespmem:s17], [sflag:$0x4] =	stream.linear.gather [hbm4b:s24+s3], $0x80, $0x38;
	[tilespmem:$0x1A7A0] =	vst v63  }
0x24: {  	_ =	swait.ge [sflag:s18], $0x80  }
0x25: {  	[sflag:s18] =	ssyncset.done $0x0  }
0x26: {  	[sflag:s18] =	ssyncadd.s32 $0xFFFFFF80  }
0x27: {  	[tilespmem:s19], [sflag:$0x2] =	stream.linear.gather [hbm4b:s13+s3], $0x1000, $0x38;
	[tilespmem:$0x1A7A0] =	vst v63  }
0x28: {  	_ =	swait.ge [sflag:s20], $0x1000  }
0x29: {  	[sflag:s20] =	ssyncset.done $0x0  }
0x2a: {  	[sflag:s20] =	ssyncadd.s32 $0xFFFFF000  }
0x2b: {  	[spmem:s2] =	stream.indirect.scatter.add.f32 [tilespmem:s16], [sflag:$0x4], $0x20, s3, s17, $0xb8;
	[tilespmem:$0x1A7A0] =	vst v63  }
0x2c: {  	_ =	swait.ge [sflag:s18], $0x1000  }
0x2d: {  	[sflag:s18] =	ssyncset.done $0x0  }
0x2e: {  	s23 =	sadd.s32 $0x400, s23;
	[sflag:s18] =	ssyncadd.s32 $0xFFFFF000  }
0x2f: {  	[tilespmem:s3], [sflag:$0x4] =	stream.linear.gather [hbm4b:s23+s3], $0x80, $0x38;
	[tilespmem:$0x1A7A0] =	vst v63  }
0x30: {  	_ =	swait.ge [sflag:s18], $0x80  }
0x31: {  	[sflag:s18] =	ssyncset.done $0x0  }
0x32: {  	s31 =	sadd.s32 $0x4000, s13;
	[sflag:s18] =	ssyncadd.s32 $0xFFFFFF80  }
0x33: {  	[tilespmem:s16], [sflag:$0x1] =	stream.linear.gather [hbm4b:s31+s3], $0x1000, $0x38;
	[tilespmem:$0x1A7A0] =	vst v63  }
0x34: {  	_ =	swait.ge [sflag:s21], $0x1000  }
0x35: {  	[sflag:s21] =	ssyncset.done $0x0  }
0x36: {  	[sflag:s21] =	ssyncadd.s32 $0xFFFFF000  }
0x37: {  	[spmem:s2] =	stream.indirect.scatter.add.f32 [tilespmem:s19], [sflag:$0x3], $0x20, s17, s17, $0xb8;
	[tilespmem:$0x1A7A0] =	vst v63  }
0x38: {  	s25 =	simm.s32 $0x800;
	_ =	swait.ge [sflag:s15], $0x1000  }
0x39: {  	s24 =	sadd.s32 $0x400, s12;
	s23 =	sadd.s32 $0x8000, s13;
	[sflag:s15] =	ssyncset.done $0x0  }
.LBB2_2:
0x3a: {  	s26 =	sadd.s32 $0x200, s24  }
0x3b: {  	[sflag:s15] =	ssyncadd.s32 $0xFFFFF000;
	s28 =	smov.u32 s25;
	s29 =	sadd.s32 $0x400, s25  }
0x3c: {  	[tilespmem:s17], [sflag:$0x4] =	stream.linear.gather [hbm4b:s26+s3], $0x80, $0x38;
	[tilespmem:$0x1A7A0] =	vst v63  }
0x3d: {  	p1 =	sne.s32 s25, $0xBC00;
	_ =	swait.ge [sflag:s18], $0x80  }
0x3e: {  	[sflag:s18] =	ssyncset.done $0x0  }
0x3f: {  	[sflag:s18] =	ssyncadd.s32 $0xFFFFFF80  }
0x40: {  	[tilespmem:s19], [sflag:$0x2] =	stream.linear.gather [hbm4b:s23+s3], $0x1000, $0x38;
	[tilespmem:$0x1A7A0] =	vst v63  }
0x41: {  	_ =	swait.ge [sflag:s20], $0x1000  }
0x42: {  	[sflag:s20] =	ssyncset.done $0x0  }
0x43: {  	[sflag:s20] =	ssyncadd.s32 $0xFFFFF000  }
0x44: {  	[spmem:s2] =	stream.indirect.scatter.add.f32 [tilespmem:s16], [sflag:$0x4], $0x20, s3, s17, $0xb8;
	[tilespmem:$0x1A7A0] =	vst v63  }
0x45: {  	_ =	swait.ge [sflag:s18], $0x1000  }
0x46: {  	[sflag:s18] =	ssyncset.done $0x0  }
0x47: {  	s24 =	sadd.s32 $0x400, s24;
	[sflag:s18] =	ssyncadd.s32 $0xFFFFF000  }
0x48: {  	[tilespmem:s3], [sflag:$0x4] =	stream.linear.gather [hbm4b:s24+s3], $0x80, $0x38;
	[tilespmem:$0x1A7A0] =	vst v63  }
0x49: {  	_ =	swait.ge [sflag:s18], $0x80  }
0x4a: {  	[sflag:s18] =	ssyncset.done $0x0  }
0x4b: {  	s24 =	sadd.s32 $0x4000, s23;
	[sflag:s18] =	ssyncadd.s32 $0xFFFFFF80  }
0x4c: {  	[tilespmem:s16], [sflag:$0x1] =	stream.linear.gather [hbm4b:s24+s3], $0x1000, $0x38;
	[tilespmem:$0x1A7A0] =	vst v63  }
0x4d: {  	_ =	swait.ge [sflag:s21], $0x1000  }
.Ltmp0:
0x4e: {  	[sflag:s21] =	ssyncset.done $0x0;
	(pc) =	sbr.rel @p1 .LBB2_2-.Ltmp0, $4  }
0x4f: {  	[sflag:s21] =	ssyncadd.s32 $0xFFFFF000  }
0x50: {  	[spmem:s2] =	stream.indirect.scatter.add.f32 [tilespmem:s19], [sflag:$0x3], $0x20, s17, s17, $0xb8;
	[tilespmem:$0x1A7A0] =	vst v63  }
0x51: {  	s25 =	smov.u32 s29;
	_ =	swait.ge [sflag:s15], $0x1000  }
0x52: {  	s23 =	sadd.s32 $0x8000, s23;
	s24 =	sadd.s32 s28, s12;
	[sflag:s15] =	ssyncset.done $0x0  }
0x53: {  	s25 =	sadd.s32 $0x200, s24;
	[sflag:s15] =	ssyncadd.s32 $0xFFFFF000  }
0x54: {  	[tilespmem:s17], [sflag:$0x4] =	stream.linear.gather [hbm4b:s25+s3], $0x80, $0x38;
	[tilespmem:$0x1A7A0] =	vst v63  }
0x55: {  	_ =	swait.ge [sflag:s18], $0x80  }
0x56: {  	[sflag:s18] =	ssyncset.done $0x0  }
0x57: {  	[sflag:s18] =	ssyncadd.s32 $0xFFFFFF80  }
0x58: {  	[tilespmem:s19], [sflag:$0x2] =	stream.linear.gather [hbm4b:s23+s3], $0x1000, $0x38;
	[tilespmem:$0x1A7A0] =	vst v63  }
0x59: {  	_ =	swait.ge [sflag:s20], $0x1000  }
0x5a: {  	[sflag:s20] =	ssyncset.done $0x0  }
0x5b: {  	[sflag:s20] =	ssyncadd.s32 $0xFFFFF000  }
0x5c: {  	[spmem:s2] =	stream.indirect.scatter.add.f32 [tilespmem:s16], [sflag:$0x4], $0x20, s3, s17, $0xb8;
	[tilespmem:$0x1A7A0] =	vst v63  }
0x5d: {  	_ =	swait.ge [sflag:s18], $0x1000  }
0x5e: {  	[sflag:s18] =	ssyncset.done $0x0  }
0x5f: {  	s30 =	sadd.s32 $0x400, s24;
	[sflag:s18] =	ssyncadd.s32 $0xFFFFF000  }
0x60: {  	[tilespmem:s3], [sflag:$0x4] =	stream.linear.gather [hbm4b:s30+s3], $0x80, $0x38;
	[tilespmem:$0x1A7A0] =	vst v63  }
0x61: {  	_ =	swait.ge [sflag:s18], $0x80  }
0x62: {  	[sflag:s18] =	ssyncset.done $0x0  }
0x63: {  	s31 =	sadd.s32 $0x4000, s23;
	[sflag:s18] =	ssyncadd.s32 $0xFFFFFF80  }
0x64: {  	[tilespmem:s16], [sflag:$0x1] =	stream.linear.gather [hbm4b:s31+s3], $0x1000, $0x38;
	[tilespmem:$0x1A7A0] =	vst v63  }
0x65: {  	_ =	swait.ge [sflag:s21], $0x1000  }
0x66: {  	[sflag:s21] =	ssyncset.done $0x0  }
0x67: {  	[sflag:s21] =	ssyncadd.s32 $0xFFFFF000  }
0x68: {  	[spmem:s2] =	stream.indirect.scatter.add.f32 [tilespmem:s19], [sflag:$0x3], $0x20, s17, s17, $0xb8;
	[tilespmem:$0x1A7A0] =	vst v63  }
0x69: {  	_ =	swait.ge [sflag:s15], $0x1000  }
0x6a: {  	[sflag:s15] =	ssyncset.done $0x0  }
0x6b: {  	s23 =	simm.s32 @p0 $0x1;
	[sflag:s15] =	ssyncadd.s32 $0xFFFFF000  }
0x6c: {  	_ =	swait.ge @p0 [sflag:s23], $0x1000  }
0x6d: {  	s24 =	simm.s32 @p0 $0x0;
	[sflag:s23] =	ssyncset.done @p0 $0x0  }
0x6e: {  	s25 =	simm.s32 @p0 $0x100;
	[sflag:s23] =	ssyncadd.s32 @p0 $0xFFFFF000;
	s23 =	simm.s32 @p0 $0x80  }
0x6f: {  	[spmem:s2] =	stream.indirect.scatter.add.f32 @p0 [tilespmem:s25], [sflag:$0x4], $0x20, s24, s23, $0xb8;
	[tilespmem:$0x1A7A0] =	vst v63  }
0x70: {  	s23 =	simm.s32 @!p0 $0x0;
	s24 =	simm.s32 @!p0 $0x80;
	s25 =	simm.s32 @!p0 $0x4  }
0x71: {  	[tilespmem:s24], [sflag:$0x4] =	stream.linear.gather @!p0 [hbm4b:s10+s23], $0x80, $0x38;
	[tilespmem:$0x1A7A0] =	vst v63  }
0x72: {  	_ =	swait.ge @!p0 [sflag:s25], $0x80  }
0x73: {  	[sflag:s25] =	ssyncset.done @!p0 $0x0  }
0x74: {  	s26 =	simm.s32 @!p0 $0x1100;
	s28 =	simm.s32 @!p0 $0x1;
	[sflag:s25] =	ssyncadd.s32 @!p0 $0xFFFFFF80  }
0x75: {  	[tilespmem:s26], [sflag:$0x2] =	stream.linear.gather @!p0 [hbm4b:s11+s23], $0x1000, $0x38;
	[tilespmem:$0x1A7A0] =	vst v63  }
0x76: {  	_ =	swait.ge @!p0 [sflag:s28], $0x1000  }
0x77: {  	[sflag:s28] =	ssyncset.done @!p0 $0x0  }
0x78: {  	[sflag:s28] =	ssyncadd.s32 @!p0 $0xFFFFF000;
	s28 =	simm.s32 @!p0 $0x100  }
0x79: {  	[spmem:s2] =	stream.indirect.scatter.add.f32 @!p0 [tilespmem:s28], [sflag:$0x4], $0x20, s23, s24, $0xb8;
	[tilespmem:$0x1A7A0] =	vst v63  }
0x7a: {  	_ =	swait.ge @!p0 [sflag:s25], $0x1000  }
0x7b: {  	[sflag:s25] =	ssyncset.done @!p0 $0x0  }
0x7c: {  	s23 =	simm.s32 @!p0 $0x2;
	[sflag:s25] =	ssyncadd.s32 @!p0 $0xFFFFF000  }
0x7d: {  	_ =	swait.ge @!p0 [sflag:s23], $0x1000  }
0x7e: {  	[sflag:s23] =	ssyncset.done @!p0 $0x0  }
0x7f: {  	[sflag:s23] =	ssyncadd.s32 @!p0 $0xFFFFF000;
	s23 =	simm.s32 @!p0 $0x3  }
0x80: {  	[spmem:s2] =	stream.indirect.scatter.add.f32 @!p0 [tilespmem:s26], [sflag:$0x3], $0x20, s24, s24, $0xb8;
	[tilespmem:$0x1A7A0] =	vst v63  }
0x81: {  	s23 =	simm.s32 @p0 $0x4  }
0x82: {  	_ =	swait.ge [sflag:s23], $0x1000  }
0x83: {  	s22 =	sadd.s32 $0x1, s22;
	[sflag:s23] =	ssyncset.done $0x0  }
0x84: {  	p1 =	sne.s32 s22, s9;
	[sflag:s23] =	ssyncadd.s32 $0xFFFFF000  }
.Ltmp1:
0x85: {  	[bflag:$0x0] =	sbarrier.arrive $0xFFFF;
	(pc) =	sbr.rel @p1 .LBB2_1-.Ltmp1, $4  }
0x86: {  	[hbm:s8], [sflag:s5] =	dma.local [spmem:s14], $0x30D4  }
0x87: {  	_ =	swait.ge [sflag:s15], $0x30D4  }
0x88: {  	[sflag:s15] =	ssyncset.done $0x0  }
0x89: {  	[sflag:s15] =	ssyncadd.s32 $0xFFFFCF2C  }
0x8a: {  	_ =	sfence.sel $0x180000  }
0x8b: {  	[bflag:$0x0] =	sbarrier.arrive $0xFFFF  }
0x8c: {  	p0 =	sne.s32 s1, $0x0;
	_ =	strace $0x90000050  }
0x8d: {  	s0 =	sadd.s32 @!p0 $0x100000, s0;
	[bflag:$0x2] =	sbarrier.arrive $0xFFFF  }
0x8e: {  	[sflag:s0] =	ssyncadd.tile.s32 @!p0 $0x1;
	_ =	shalt  }
.Lfunc_end2:
_tile_overlayer_lowered:
.L_overlay_start_2:
0x8f: {  	(tag) =	ssettag $0x2  }
0x90: {  	s0 =	rddreg [dreg:$0x0];
	s2 =	stileid.u32  }
0x91: {  	s1 =	rddreg [dreg:$0x1];
	p0 =	sne.s32 s2, $0x0  }
0x92: {  	s3 =	rddreg [dreg:$0x2];
	[bflag:$0x3] =	sbarrier.arrive $0xFFFF;
	s2 =	simm.s32 @!p0 $0x1C03  }
0x93: {  	[timem:s3], [sflag:s2] =	dma.local @!p0 [hbm:s0], s1  }
0x94: {  	s0 =	simm.s32 @!p0 $0x3  }
0x95: {  	_ =	swait.ge @!p0 [sflag:s0], s1  }
0x96: {  	s1 =	ssub.s32 @!p0 $0x0, s1;
	[sflag:s0] =	ssyncset.done @!p0 $0x0  }
0x97: {  	[sflag:s0] =	ssyncadd.s32 @!p0 s1  }
0x98: {  	[bflag:$0x3] =	sbarrier.arrive $0xFFFF  }
0x99: {  	_ =	shalt  }

// kernel: kernel.18.cloned.1.call-start
scs
__scs_entry_jumppad:
0x0: {  	(pc) =	sbr.rel $0x88, $3  }
0x1: {  	(tag) =	ssettag $0x0;
	lr =	simm.s32 $0x1  }
0x2: {  	[smem:$0x3F99] =	sst lr;
	_ =	strace $0xD0000000  }
0x3: {  	_ = 	snop  }
0x4: {  	_ = 	snop  }
0x5: {  	_ = 	snop  }
0x6: {  	_ = 	snop  }
0x7: {  	_ = 	snop  }
__scs_overlays_trampoline_lowered:
0x8: {  	[smem:$0x3FA8] =	sst s0  }
0x9: {  	[smem:$0x3FA9] =	sst s1  }
0xa: {  	[smem:$0x3FAA] =	sst s2  }
0xb: {  	[smem:$0x3FAB] =	sst s3  }
0xc: {  	[smem:$0x3FAC] =	sst s4  }
0xd: {  	[smem:$0x3FAD] =	sst s5  }
0xe: {  	[smem:$0x3FAE] =	sst s6  }
0xf: {  	[smem:$0x3FAF] =	sst s7  }
0x10: {  	[smem:$0x3FB0] =	sst s8  }
0x11: {  	[smem:$0x3FB1] =	sst s9;
	s0 =	simm.s32 @!p0 $0x0  }
0x12: {  	s1 =	sld [smem:$0x3F97];
	s0 =	simm.s32 @p0 $0x1  }
0x13: {  	[smem:$0x3FB2] =	sst s0;
	s0 =	simm.s32 @!p1 $0x0  }
0x14: {  	s2 =	sld [smem:$0x3F96];
	s0 =	simm.s32 @p1 $0x1  }
0x15: {  	[smem:$0x3FB3] =	sst s0;
	s0 =	simm.s32 @!p2 $0x0  }
0x16: {  	s3 =	sld [smem:$0x3FDB];
	s0 =	simm.s32 @p2 $0x1  }
0x17: {  	s4 =	simm.s32 $0x1BF5;
	[smem:$0x3FB5] =	sst s0  }
0x18: {  	s0 =	sld [smem:$0x3F98];
	_ =	swait.ge [sflag:s4], $0x0  }
0x19: {  	s7 =	sld [smem:$0x3F99]  }
0x1a: {  	s8 =	sadd.s32 $0xFFFFE003, lr  }
0x1b: {  	s9 =	sadd.s32 $0xFFFFFEF7, lr;
	s5 =	simm.s32 $0xFFFFFFFF;
	p2 =	slt.u32 s8, $0xFFFFF086  }
0x1c: {  	p1 =	slt.u32 s9, $0xF7A;
	s5 =	simm.s32 @!p2 $0x0  }
0x1d: {  	s5 =	simm.s32 @p1 $0x1;
	p0 =	seq.s32 s7, s2  }
0x1e: {  	s7 =	smul.u32 @!p0 $0xF7A, s2;
	p2 =	seq.s32 @!p0 s5, $0x0  }
0x1f: {  	s9 =	smul.u32 $0xF7A, s1;
	s8 =	simm.s32 @!p0 $0x1BF5;
	p2 =	por !p2, p0  }
0x20: {  	[sflag:s8] =	ssyncset.s32 @!p0 $0xFFFFF086;
	s6 =	sadd.s32 @!p0 s3, s7;
	s7 =	simm.s32 @!p0 $0x108  }
0x21: {  	s3 =	sadd.s32 s3, s9;
	s6 =	sadd.s32 @!p0 $0x88, s6;
	s7 =	simm.s32 @p2 $0x1082  }
0x22: {  	[simem:s7], [sflag:s8] =	dma.local @!p0 [hbm:s6], $0xF7A  }
0x23: {  	s9 =	sor.u32 $0xD0000000, s2;
	s6 =	simm.s32 $0x108;
	_ =	swait.ge @!p0 [sflag:s8], $0x0  }
0x24: {  	s3 =	sadd.s32 $0x88, s3;
	s6 =	simm.s32 @!p1 $0x1082;
	[sflag:s4] =	ssyncset.s32 $0xFFFFF086  }
0x25: {  	[simem:s6], [sflag:s4] =	dma.local [hbm:s3], $0xF7A  }
0x26: {  	[smem:$0x3F99] =	sst s1;
	(tag) =	ssettag s2;
	_ =	strace s9  }
0x27: {  	s1 =	sld [smem:$0x3FA9]  }
0x28: {  	s2 =	sld [smem:$0x3FAA]  }
0x29: {  	s4 =	sld [smem:$0x3FAC]  }
0x2a: {  	p0 =	seq.s32 s5, $0x0;
	s5 =	sld [smem:$0x3FAD]  }
0x2b: {  	s6 =	sld [smem:$0x3FAE]  }
0x2c: {  	s7 =	sld [smem:$0x3FAF]  }
0x2d: {  	s3 =	simm.s32 $0x108;
	s8 =	sld [smem:$0x3FB0]  }
0x2e: {  	s3 =	simm.s32 @!p0 $0x1082;
	s9 =	sld [smem:$0x3FB1]  }
0x2f: {  	lr =	sadd.s32 s0, s3;
	s0 =	sld [smem:$0x3FA8]  }
0x30: {  	s3 =	sld [smem:$0x3FAB]  }
0x31: {  	[smem:$0x3FB4] =	sst s10  }
0x32: {  	s10 =	sld [smem:$0x3FB2];
	_ =	sdelay $0x3  }
0x33: {  	p0 =	seq.s32 s10, $0x1;
	s10 =	sld [smem:$0x3FB4];
	_ =	sdelay $0x3  }
0x34: {  	[smem:$0x3FB4] =	sst s10  }
0x35: {  	s10 =	sld [smem:$0x3FB3];
	_ =	sdelay $0x3  }
0x36: {  	p1 =	seq.s32 s10, $0x1;
	s10 =	sld [smem:$0x3FB4];
	_ =	sdelay $0x3  }
0x37: {  	[smem:$0x3FB4] =	sst s10  }
0x38: {  	s10 =	sld [smem:$0x3FB5]  }
0x39: {  	_ = 	snop;
	(pc) =	sbr.ind lr, $3  }
0x3a: {  	_ = 	snop  }
0x3b: {  	_ = 	snop  }
0x3c: {  	p2 =	seq.s32 s10, $0x1;
	s10 =	sld [smem:$0x3FB4]  }
0x3d: {  	_ =	shalt  }
0x3e: {  	_ =	shalt  }
0x3f: {  	_ =	shalt  }
0x40: {  	_ =	shalt  }
0x41: {  	_ =	shalt  }
0x42: {  	_ =	shalt  }
0x43: {  	_ =	shalt  }
0x44: {  	_ =	shalt  }
0x45: {  	_ =	shalt  }
0x46: {  	_ =	shalt  }
0x47: {  	_ =	shalt  }
0x48: {  	_ =	shalt  }
0x49: {  	_ =	shalt  }
0x4a: {  	_ =	shalt  }
0x4b: {  	_ =	shalt  }
0x4c: {  	_ =	shalt  }
0x4d: {  	_ =	shalt  }
0x4e: {  	_ =	shalt  }
0x4f: {  	_ =	shalt  }
0x50: {  	_ =	shalt  }
0x51: {  	_ =	shalt  }
0x52: {  	_ =	shalt  }
0x53: {  	_ =	shalt  }
0x54: {  	_ =	shalt  }
0x55: {  	_ =	shalt  }
0x56: {  	_ =	shalt  }
0x57: {  	_ =	shalt  }
0x58: {  	_ =	shalt  }
0x59: {  	_ =	shalt  }
0x5a: {  	_ =	shalt  }
0x5b: {  	_ =	shalt  }
0x5c: {  	_ =	shalt  }
0x5d: {  	_ =	shalt  }
0x5e: {  	_ =	shalt  }
0x5f: {  	_ =	shalt  }
0x60: {  	_ =	shalt  }
0x61: {  	_ =	shalt  }
0x62: {  	_ =	shalt  }
0x63: {  	_ =	shalt  }
0x64: {  	_ =	shalt  }
0x65: {  	_ =	shalt  }
0x66: {  	_ =	shalt  }
0x67: {  	_ =	shalt  }
0x68: {  	_ =	shalt  }
0x69: {  	_ =	shalt  }
0x6a: {  	_ =	shalt  }
0x6b: {  	_ =	shalt  }
0x6c: {  	_ =	shalt  }
0x6d: {  	_ =	shalt  }
0x6e: {  	_ =	shalt  }
0x6f: {  	_ =	shalt  }
0x70: {  	_ =	shalt  }
0x71: {  	_ =	shalt  }
0x72: {  	_ =	shalt  }
0x73: {  	_ =	shalt  }
0x74: {  	_ =	shalt  }
0x75: {  	_ =	shalt  }
0x76: {  	_ =	shalt  }
0x77: {  	_ =	shalt  }
0x78: {  	_ =	shalt  }
0x79: {  	_ =	shalt  }
0x7a: {  	_ =	shalt  }
0x7b: {  	_ =	shalt  }
0x7c: {  	_ =	shalt  }
0x7d: {  	_ =	shalt  }
0x7e: {  	_ =	shalt  }
0x7f: {  	_ =	shalt  }
0x80: {  	_ =	shalt  }
0x81: {  	_ =	shalt  }
0x82: {  	_ =	shalt  }
0x83: {  	_ =	shalt  }
0x84: {  	_ =	shalt  }
0x85: {  	_ =	shalt  }
0x86: {  	_ =	shalt  }
0x87: {  	_ =	shalt  }
.Lfunc_end0:
.L_simem_size_0:
called_computation.3_lowered:
.L_overlay_start_0:
0x88: {  	s2 =	sld [smem:$0x3FD9]  }
0x89: {  	s3 =	sld [smem:$0x3FFE];
	_ =	sdelay $0x1  }
0x8a: {  	s1 =	srdreg.scid  }
0x8b: {  	s0 =	sand.u32 $0x1, s1  }
0x8c: {  	s15 =	sshll.u32 s0, $0xA;
	s2 =	sadd.s32 s3, s2  }
0x8d: {  	s2 =	sadd.s32 s2, s15  }
0x8e: {  	[smem:$0x3FC0] =	sst s2  }
0x8f: {  	_ = 	snop  }
0x90: {  	s2 =	sld [smem:$0x3FD0];
	_ =	sdelay $0x2  }
0x91: {  	s16 =	simm.s32 $0xB;
	s4 =	simm.s32 $0x10  }
0x92: {  	[smem:s4], [sflag:s16] =	dma.local [hbm:s2], $0x1  }
0x93: {  	_ =	swait.eq [sflag:s16], $0x1  }
0x94: {  	[sflag:s16] =	ssyncset.done $0x0  }
0x95: {  	s17 =	sld [smem:$0x10];
	[sflag:s16] =	ssyncadd.s32 $0xFFFFFFFF  }
0x96: {  	s18 =	sld [smem:$0x11];
	(tm) =	ssettm $0x1  }
0x97: {  	s19 =	sld [smem:$0x3FFB];
	_ =	sdelay $0x3  }
0x98: {  	_ =	strace s19  }
0x99: {  	s2 =	sld [smem:$0x3FFC];
	_ =	sdelay $0x3  }
0x9a: {  	_ =	strace s2  }
0x9b: {  	s2 =	sld [smem:$0x3FFD];
	_ =	sdelay $0x3  }
0x9c: {  	_ =	strace s2  }
0x9d: {  	_ =	strace $0x8FFFFFFF  }
0x9e: {  	s20 =	sld [smem:$0x3FDB];
	_ =	sdelay $0x1  }
0x9f: {  	s5 =	simm.s32 $_scs_section_size  }
0xa0: {  	s6 =	simm.s32 $_size__tile_overlayer_lowered;
	s7 =	simm.s32 $_tile_overlayer_lowered  }
0xa1: {  	s8 =	simm.s32 $0x1BFF;
	s21 =	sshll.u32 s7, $0x1;
	s5 =	sadd.s32 s5, s20  }
0xa2: {  	s22 =	simm.s32 $0x0;
	s6 =	sshll.u32 s6, $0x1;
	s7 =	sadd.s32 s21, s5  }
0xa3: {  	[timem:s22], [sflag:s8] =	dma.local [hbm:s7], s6  }
0xa4: {  	_ =	swait.ge [sflag:s8], s6  }
0xa5: {  	s6 =	ssub.s32 $0x0, s6;
	[sflag:s8] =	ssyncset.done $0x0  }
0xa6: {  	[sflag:s8] =	ssyncadd.s32 s6;
	_ =	sdelay $0x1  }
0xa7: {  	s23 =	simm.s32 $0x1B8B  }
0xa8: {  	_ =	swait.ge [sflag:s23], $0x1  }
0xa9: {  	[sflag:s23] =	ssyncset.done $0x0  }
0xaa: {  	[sflag:s23] =	ssyncadd.s32 $0xFFFFFFFF  }
0xab: {  	s6 =	sld [smem:$0x0]  }
0xac: {  	s7 =	sand.u32 $0xFFFFFFFE, s1  }
0xad: {  	p0 =	sne.s32 s1, s7  }
0xae: {  	s7 =	sshll.u32 @p0 s7, $0xE  }
0xaf: {  	s7 =	sadd.s32 @p0 $0x11B8D, s7;
	s8 =	sshll.u32 @p0 s6, $0x11  }
0xb0: {  	s7 =	sor.u32 @p0 s8, s7  }
0xb1: {  	[sflag:s7] =	ssyncadd.remote.s32 @p0 $0x1;
	_ =	sdelay $0x1  }
0xb2: {  	s7 =	simm.s32 @p0 $0x1B8D  }
0xb3: {  	_ =	swait.eq @p0 [sflag:s7], $0x1  }
0xb4: {  	[sflag:s7] =	ssyncadd.s32 @p0 $0xFFFFFFFF  }
0xb5: {  	s8 =	sshll.u32 @!p0 s1, $0xE  }
0xb6: {  	s8 =	sor.u32 @!p0 $0x4000, s8;
	s7 =	simm.s32 @!p0 $0x1B8D  }
0xb7: {  	s6 =	sshll.u32 @!p0 s6, $0x11;
	s8 =	sadd.s32 @!p0 $0x11B8D, s8;
	_ =	swait.eq @!p0 [sflag:s7], $0x1  }
0xb8: {  	s6 =	sor.u32 @!p0 s6, s8;
	[sflag:s7] =	ssyncadd.s32 @!p0 $0xFFFFFFFF  }
0xb9: {  	s25 =	simm.s32 $0x1B8E;
	s24 =	sld [smem:$0x3FFE];
	[sflag:s6] =	ssyncadd.remote.s32 @!p0 $0x1  }
0xba: {  	s26 =	simm.s32 $execute0_lowered;
	[smem:$0x3FD2] =	sst s25  }
0xbb: {  	s7 =	sshll.u32 s26, $0x1;
	_ =	strace $0x8000004C;
	[dreg:$0x1] =	wrdreg $0xFFFFFFFF  }
0xbc: {  	s28 =	simm.s32 $_size_execute0_lowered;
	s5 =	sadd.s32 s5, s7;
	[dreg:$0x0] =	wrdreg $0x0  }
0xbd: {  	s7 =	sshll.u32 s28, $0x1;
	[dreg:$0x2] =	wrdreg s5  }
0xbe: {  	[dreg:$0x3] =	wrdreg s7  }
0xbf: {  	[dreg:$0x4] =	wrdreg $0xC0  }
0xc0: {  	_ =	task [dreg:s22], $0x5FFFF  }
0xc1: {  	[dreg:$0x1] =	wrdreg $0xFFFFFFFF  }
0xc2: {  	[dreg:$0x0] =	wrdreg $0x60  }
0xc3: {  	[dreg:$0x2] =	wrdreg s17  }
0xc4: {  	[dreg:$0x3] =	wrdreg s24  }
0xc5: {  	[dreg:$0x4] =	wrdreg s18  }
0xc6: {  	[dreg:$0x5] =	wrdreg $0x21000  }
0xc7: {  	[dreg:$0x6] =	wrdreg $0xA  }
0xc8: {  	_ =	task.clear_ibuf [dreg:s22], $0x7FFFF;
	_ =	strace $0x9000004C  }
0xc9: {  	s29 =	simm.s32 $0xA;
	_ =	strace $0x8000004E  }
0xca: {  	_ =	swait.ge [sflag:s29], $0x1  }
0xcb: {  	[sflag:s29] =	ssyncadd.s32 $0xFFFFFFFF  }
0xcc: {  	_ =	strace $0x9000004E  }
0xcd: {  	_ =	sfence  }
0xce: {  	s30 =	sld [smem:$0x0];
	_ =	sdelay $0x2  }
0xcf: {  	s31 =	sshll.u32 s1, $0xD;
	s1 =	sshrl.u32 s1, $0x2  }
0xd0: {  	s4 =	sand.u32 $0x4000, s31;
	s1 =	sadd.s32 s1, s30  }
0xd1: {  	s0 =	sor.u32 s4, s0;
	s1 =	sshll.u32 s1, $0x11  }
0xd2: {  	s0 =	sor.u32 s1, s0  }
0xd3: {  	s0 =	sadd.s32 $0x8F2B, s0  }
0xd4: {  	[sflag:s0] =	ssyncadd.remote.s32 $0x1  }
0xd5: {  	_ =	sfence.sel $0xFFFF  }
0xd6: {  	[dreg:$0x0] =	wrdreg $0xFFFFFFFF;
	(pc) =	sbr.abs _section_cstart, $3  }
0xd7: {  	[dreg:$0x1] =	wrdreg $0xFFFFFFFF  }
0xd8: {  	_ =	task.clear_ibuf [dreg:s22], $0x2FFFF;
	_ =	strace $0x9FFFFFFF  }
0xd9: {  	(tm) =	ssettm $0x7FFFFFFF  }
tec
execute0_lowered:
.L_overlay_start_1:
0x0: {  	(tag) =	ssettag $0x1  }
0x1: {  	s12 =	rddreg [dreg:$0x0]  }
0x2: {  	s4 =	rddreg [dreg:$0x1]  }
0x3: {  	s5 =	rddreg [dreg:$0x2];
	s1 =	srdreg.scid  }
0x4: {  	s0 =	stileid.u32;
	s2 =	rddreg [dreg:$0x3]  }
0x5: {  	s3 =	simm.s32 $0x0;
	s18 =	simm.s32 $0x4;
	s19 =	simm.s32 $0x1100  }
0x6: {  	s20 =	simm.s32 $0x1;
	s13 =	sand.u32 $0x1, s1;
	s1 =	rddreg [dreg:$0x4]  }
0x7: {  	s21 =	simm.s32 $0x2;
	s6 =	smul.u32 $0x186A0, s0;
	[smem:$0x7FF] =	sst s3  }
0x8: {  	s14 =	sadd.s32 $0xDBD600, s4;
	s25 =	sshll.u32 s0, $0x8;
	s28 =	sshll.u32 s0, $0x6  }
0x9: {  	s29 =	sshll.u32 s0, $0x1;
	s16 =	sshll.u32 s0, $0xA;
	s17 =	sshll.u32 s0, $0x5  }
0xa: {  	s7 =	smul.u32 $0x186A00, s13;
	_ =	strace $0x8000004D;
	s8 =	ssub.s32 $0x2, s13  }
0xb: {  	s26 =	sshll.u32 s13, $0x7;
	s11 =	sor.u32 s13, s29;
	s31 =	sshll.u32 s13, $0x9  }
0xc: {  	s13 =	sshll.u32 s13, $0x4;
	s9 =	sshrl.u32 s8, $0x1;
	s15 =	sadd.s32 s6, s2  }
0xd: {  	s24 =	sshrl.u32 s6, $0x3;
	s22 =	sor.u32 $0xC20, s11;
	s7 =	sadd.s32 s6, s7  }
0xe: {  	s9 =	ssub.s32 s8, s9;
	s30 =	sshll.u32 s22, $0x4;
	s11 =	sshll.u32 s22, $0x9  }
0xf: {  	p0 =	sgt.u32 s22, $0xC34;
	s22 =	simm.s32 $0x0;
	s7 =	sshrl.u32 s7, $0x3  }
0x10: {  	s9 =	smax.u32 s9, $0x1;
	s11 =	sadd.s32 s14, s11;
	s10 =	sadd.s32 s7, s4  }
0x11: {  	s4 =	sadd.s32 s5, s24;
	s7 =	sor.u32 s26, s25;
	s5 =	sor.u32 $0x1C03, s28  }
0x12: {  	s6 =	sshrl.u32 s7, $0x3;
	s7 =	sshll.u32 s7, $0x2;
	s8 =	sadd.s32 $0x1A200, s10  }
0x13: {  	s10 =	sadd.s32 s12, s30;
	s6 =	sadd.s32 s12, s6;
	s7 =	sadd.s32 s14, s7  }
0x14: {  	s14 =	sadd.s32 s16, s14;
	s12 =	sadd.s32 s17, s12;
	s16 =	simm.s32 $0x100  }
0x15: {  	s17 =	simm.s32 $0x80;
	s14 =	sadd.s32 s31, s14;
	s12 =	sadd.s32 s13, s12  }
0x16: {  	s13 =	sadd.s32 $0x4000, s14;
	s14 =	sshrl.u32 s15, $0x3;
	s15 =	simm.s32 $0x3  }
.LBB2_1:
0x17: {  	[spmem:s14], [sflag:s5] =	dma.local [hbm:s4], $0x30D4  }
0x18: {  	_ =	swait.ge [sflag:s15], $0x30D4  }
0x19: {  	[sflag:s15] =	ssyncset.done $0x0  }
0x1a: {  	[sflag:s15] =	ssyncadd.s32 $0xFFFFCF2C  }
0x1b: {  	[bflag:$0x0] =	sbarrier.arrive $0xFFFF  }
0x1c: {  	[tilespmem:s3], [sflag:$0x3] =	stream.linear.gather [hbm4b:s6+s3], $0x80, $0x38;
	[tilespmem:$0x1A7A0] =	vst v63  }
0x1d: {  	_ =	swait.ge [sflag:s15], $0x80  }
0x1e: {  	[sflag:s15] =	ssyncset.done $0x0  }
0x1f: {  	s23 =	sadd.s32 $0x0, s12;
	[sflag:s15] =	ssyncadd.s32 $0xFFFFFF80  }
0x20: {  	[tilespmem:s16], [sflag:$0x1] =	stream.linear.gather [hbm4b:s7+s3], $0x1000, $0x38;
	[tilespmem:$0x1A7A0] =	vst v63  }
0x21: {  	s24 =	sadd.s32 $0x200, s23  }
0x22: {  	[tilespmem:s17], [sflag:$0x4] =	stream.linear.gather [hbm4b:s24+s3], $0x80, $0x38;
	[tilespmem:$0x1A7A0] =	vst v63  }
0x23: {  	_ =	swait.ge [sflag:s18], $0x80  }
0x24: {  	[sflag:s18] =	ssyncset.done $0x0  }
0x25: {  	[sflag:s18] =	ssyncadd.s32 $0xFFFFFF80  }
0x26: {  	[tilespmem:s19], [sflag:$0x2] =	stream.linear.gather [hbm4b:s13+s3], $0x1000, $0x38;
	[tilespmem:$0x1A7A0] =	vst v63  }
0x27: {  	_ =	swait.ge [sflag:s20], $0x1000  }
0x28: {  	[sflag:s20] =	ssyncset.done $0x0  }
0x29: {  	[sflag:s20] =	ssyncadd.s32 $0xFFFFF000  }
0x2a: {  	[spmem:s2] =	stream.indirect.scatter.add.f32 [tilespmem:s16], [sflag:$0x4], $0x20, s3, s17, $0xb8;
	[tilespmem:$0x1A7A0] =	vst v63  }
0x2b: {  	_ =	swait.ge [sflag:s18], $0x1000  }
0x2c: {  	[sflag:s18] =	ssyncset.done $0x0  }
0x2d: {  	s23 =	sadd.s32 $0x400, s23;
	[sflag:s18] =	ssyncadd.s32 $0xFFFFF000  }
0x2e: {  	[tilespmem:s3], [sflag:$0x4] =	stream.linear.gather [hbm4b:s23+s3], $0x80, $0x38;
	[tilespmem:$0x1A7A0] =	vst v63  }
0x2f: {  	_ =	swait.ge [sflag:s18], $0x80  }
0x30: {  	[sflag:s18] =	ssyncset.done $0x0  }
0x31: {  	s31 =	sadd.s32 $0x4000, s13;
	[sflag:s18] =	ssyncadd.s32 $0xFFFFFF80  }
0x32: {  	[tilespmem:s16], [sflag:$0x1] =	stream.linear.gather [hbm4b:s31+s3], $0x1000, $0x38;
	[tilespmem:$0x1A7A0] =	vst v63  }
0x33: {  	_ =	swait.ge [sflag:s21], $0x1000  }
0x34: {  	[sflag:s21] =	ssyncset.done $0x0  }
0x35: {  	[sflag:s21] =	ssyncadd.s32 $0xFFFFF000  }
0x36: {  	[spmem:s2] =	stream.indirect.scatter.add.f32 [tilespmem:s19], [sflag:$0x3], $0x20, s17, s17, $0xb8;
	[tilespmem:$0x1A7A0] =	vst v63  }
0x37: {  	s25 =	simm.s32 $0x800;
	_ =	swait.ge [sflag:s15], $0x1000  }
0x38: {  	s24 =	sadd.s32 $0x400, s12;
	s23 =	sadd.s32 $0x8000, s13;
	[sflag:s15] =	ssyncset.done $0x0  }
.LBB2_2:
0x39: {  	s26 =	sadd.s32 $0x200, s24  }
0x3a: {  	[sflag:s15] =	ssyncadd.s32 $0xFFFFF000;
	s28 =	smov.u32 s25;
	s29 =	sadd.s32 $0x400, s25  }
0x3b: {  	[tilespmem:s17], [sflag:$0x4] =	stream.linear.gather [hbm4b:s26+s3], $0x80, $0x38;
	[tilespmem:$0x1A7A0] =	vst v63  }
0x3c: {  	p1 =	sne.s32 s25, $0xBC00;
	_ =	swait.ge [sflag:s18], $0x80  }
0x3d: {  	[sflag:s18] =	ssyncset.done $0x0  }
0x3e: {  	[sflag:s18] =	ssyncadd.s32 $0xFFFFFF80  }
0x3f: {  	[tilespmem:s19], [sflag:$0x2] =	stream.linear.gather [hbm4b:s23+s3], $0x1000, $0x38;
	[tilespmem:$0x1A7A0] =	vst v63  }
0x40: {  	_ =	swait.ge [sflag:s20], $0x1000  }
0x41: {  	[sflag:s20] =	ssyncset.done $0x0  }
0x42: {  	[sflag:s20] =	ssyncadd.s32 $0xFFFFF000  }
0x43: {  	[spmem:s2] =	stream.indirect.scatter.add.f32 [tilespmem:s16], [sflag:$0x4], $0x20, s3, s17, $0xb8;
	[tilespmem:$0x1A7A0] =	vst v63  }
0x44: {  	_ =	swait.ge [sflag:s18], $0x1000  }
0x45: {  	[sflag:s18] =	ssyncset.done $0x0  }
0x46: {  	s24 =	sadd.s32 $0x400, s24;
	[sflag:s18] =	ssyncadd.s32 $0xFFFFF000  }
0x47: {  	[tilespmem:s3], [sflag:$0x4] =	stream.linear.gather [hbm4b:s24+s3], $0x80, $0x38;
	[tilespmem:$0x1A7A0] =	vst v63  }
0x48: {  	_ =	swait.ge [sflag:s18], $0x80  }
0x49: {  	[sflag:s18] =	ssyncset.done $0x0  }
0x4a: {  	s24 =	sadd.s32 $0x4000, s23;
	[sflag:s18] =	ssyncadd.s32 $0xFFFFFF80  }
0x4b: {  	[tilespmem:s16], [sflag:$0x1] =	stream.linear.gather [hbm4b:s24+s3], $0x1000, $0x38;
	[tilespmem:$0x1A7A0] =	vst v63  }
0x4c: {  	_ =	swait.ge [sflag:s21], $0x1000  }
.Ltmp0:
0x4d: {  	[sflag:s21] =	ssyncset.done $0x0;
	(pc) =	sbr.rel @p1 .LBB2_2-.Ltmp0, $4  }
0x4e: {  	[sflag:s21] =	ssyncadd.s32 $0xFFFFF000  }
0x4f: {  	[spmem:s2] =	stream.indirect.scatter.add.f32 [tilespmem:s19], [sflag:$0x3], $0x20, s17, s17, $0xb8;
	[tilespmem:$0x1A7A0] =	vst v63  }
0x50: {  	s25 =	smov.u32 s29;
	_ =	swait.ge [sflag:s15], $0x1000  }
0x51: {  	s23 =	sadd.s32 $0x8000, s23;
	s24 =	sadd.s32 s28, s12;
	[sflag:s15] =	ssyncset.done $0x0  }
0x52: {  	s25 =	sadd.s32 $0x200, s24;
	[sflag:s15] =	ssyncadd.s32 $0xFFFFF000  }
0x53: {  	[tilespmem:s17], [sflag:$0x4] =	stream.linear.gather [hbm4b:s25+s3], $0x80, $0x38;
	[tilespmem:$0x1A7A0] =	vst v63  }
0x54: {  	_ =	swait.ge [sflag:s18], $0x80  }
0x55: {  	[sflag:s18] =	ssyncset.done $0x0  }
0x56: {  	[sflag:s18] =	ssyncadd.s32 $0xFFFFFF80  }
0x57: {  	[tilespmem:s19], [sflag:$0x2] =	stream.linear.gather [hbm4b:s23+s3], $0x1000, $0x38;
	[tilespmem:$0x1A7A0] =	vst v63  }
0x58: {  	_ =	swait.ge [sflag:s20], $0x1000  }
0x59: {  	[sflag:s20] =	ssyncset.done $0x0  }
0x5a: {  	[sflag:s20] =	ssyncadd.s32 $0xFFFFF000  }
0x5b: {  	[spmem:s2] =	stream.indirect.scatter.add.f32 [tilespmem:s16], [sflag:$0x4], $0x20, s3, s17, $0xb8;
	[tilespmem:$0x1A7A0] =	vst v63  }
0x5c: {  	_ =	swait.ge [sflag:s18], $0x1000  }
0x5d: {  	[sflag:s18] =	ssyncset.done $0x0  }
0x5e: {  	s30 =	sadd.s32 $0x400, s24;
	[sflag:s18] =	ssyncadd.s32 $0xFFFFF000  }
0x5f: {  	[tilespmem:s3], [sflag:$0x4] =	stream.linear.gather [hbm4b:s30+s3], $0x80, $0x38;
	[tilespmem:$0x1A7A0] =	vst v63  }
0x60: {  	_ =	swait.ge [sflag:s18], $0x80  }
0x61: {  	[sflag:s18] =	ssyncset.done $0x0  }
0x62: {  	s31 =	sadd.s32 $0x4000, s23;
	[sflag:s18] =	ssyncadd.s32 $0xFFFFFF80  }
0x63: {  	[tilespmem:s16], [sflag:$0x1] =	stream.linear.gather [hbm4b:s31+s3], $0x1000, $0x38;
	[tilespmem:$0x1A7A0] =	vst v63  }
0x64: {  	_ =	swait.ge [sflag:s21], $0x1000  }
0x65: {  	[sflag:s21] =	ssyncset.done $0x0  }
0x66: {  	[sflag:s21] =	ssyncadd.s32 $0xFFFFF000  }
0x67: {  	[spmem:s2] =	stream.indirect.scatter.add.f32 [tilespmem:s19], [sflag:$0x3], $0x20, s17, s17, $0xb8;
	[tilespmem:$0x1A7A0] =	vst v63  }
0x68: {  	_ =	swait.ge [sflag:s15], $0x1000  }
0x69: {  	[sflag:s15] =	ssyncset.done $0x0  }
0x6a: {  	s23 =	simm.s32 @p0 $0x1;
	[sflag:s15] =	ssyncadd.s32 $0xFFFFF000  }
0x6b: {  	_ =	swait.ge @p0 [sflag:s23], $0x1000  }
0x6c: {  	s24 =	simm.s32 @p0 $0x0;
	[sflag:s23] =	ssyncset.done @p0 $0x0  }
0x6d: {  	s25 =	simm.s32 @p0 $0x100;
	[sflag:s23] =	ssyncadd.s32 @p0 $0xFFFFF000;
	s23 =	simm.s32 @p0 $0x80  }
0x6e: {  	[spmem:s2] =	stream.indirect.scatter.add.f32 @p0 [tilespmem:s25], [sflag:$0x4], $0x20, s24, s23, $0xb8;
	[tilespmem:$0x1A7A0] =	vst v63  }
0x6f: {  	s23 =	simm.s32 @!p0 $0x0;
	s24 =	simm.s32 @!p0 $0x80;
	s25 =	simm.s32 @!p0 $0x4  }
0x70: {  	[tilespmem:s24], [sflag:$0x4] =	stream.linear.gather @!p0 [hbm4b:s10+s23], $0x80, $0x38;
	[tilespmem:$0x1A7A0] =	vst v63  }
0x71: {  	_ =	swait.ge @!p0 [sflag:s25], $0x80  }
0x72: {  	[sflag:s25] =	ssyncset.done @!p0 $0x0  }
0x73: {  	s26 =	simm.s32 @!p0 $0x1100;
	s28 =	simm.s32 @!p0 $0x1;
	[sflag:s25] =	ssyncadd.s32 @!p0 $0xFFFFFF80  }
0x74: {  	[tilespmem:s26], [sflag:$0x2] =	stream.linear.gather @!p0 [hbm4b:s11+s23], $0x1000, $0x38;
	[tilespmem:$0x1A7A0] =	vst v63  }
0x75: {  	_ =	swait.ge @!p0 [sflag:s28], $0x1000  }
0x76: {  	[sflag:s28] =	ssyncset.done @!p0 $0x0  }
0x77: {  	[sflag:s28] =	ssyncadd.s32 @!p0 $0xFFFFF000;
	s28 =	simm.s32 @!p0 $0x100  }
0x78: {  	[spmem:s2] =	stream.indirect.scatter.add.f32 @!p0 [tilespmem:s28], [sflag:$0x4], $0x20, s23, s24, $0xb8;
	[tilespmem:$0x1A7A0] =	vst v63  }
0x79: {  	_ =	swait.ge @!p0 [sflag:s25], $0x1000  }
0x7a: {  	[sflag:s25] =	ssyncset.done @!p0 $0x0  }
0x7b: {  	s23 =	simm.s32 @!p0 $0x2;
	[sflag:s25] =	ssyncadd.s32 @!p0 $0xFFFFF000  }
0x7c: {  	_ =	swait.ge @!p0 [sflag:s23], $0x1000  }
0x7d: {  	[sflag:s23] =	ssyncset.done @!p0 $0x0  }
0x7e: {  	[sflag:s23] =	ssyncadd.s32 @!p0 $0xFFFFF000;
	s23 =	simm.s32 @!p0 $0x3  }
0x7f: {  	[spmem:s2] =	stream.indirect.scatter.add.f32 @!p0 [tilespmem:s26], [sflag:$0x3], $0x20, s24, s24, $0xb8;
	[tilespmem:$0x1A7A0] =	vst v63  }
0x80: {  	s23 =	simm.s32 @p0 $0x4  }
0x81: {  	_ =	swait.ge [sflag:s23], $0x1000  }
0x82: {  	s22 =	sadd.s32 $0x1, s22;
	[sflag:s23] =	ssyncset.done $0x0  }
0x83: {  	p1 =	sne.s32 s22, s9;
	[sflag:s23] =	ssyncadd.s32 $0xFFFFF000  }
.Ltmp1:
0x84: {  	[bflag:$0x0] =	sbarrier.arrive $0xFFFF;
	(pc) =	sbr.rel @p1 .LBB2_1-.Ltmp1, $4  }
0x85: {  	[hbm:s8], [sflag:s5] =	dma.local [spmem:s14], $0x30D4  }
0x86: {  	_ =	swait.ge [sflag:s15], $0x30D4  }
0x87: {  	[sflag:s15] =	ssyncset.done $0x0  }
0x88: {  	[sflag:s15] =	ssyncadd.s32 $0xFFFFCF2C  }
0x89: {  	_ =	sfence.sel $0x180000  }
0x8a: {  	[bflag:$0x0] =	sbarrier.arrive $0xFFFF  }
0x8b: {  	p0 =	sne.s32 s0, $0x0;
	_ =	strace $0x9000004D  }
0x8c: {  	s0 =	sadd.s32 @!p0 $0x100000, s1;
	[bflag:$0x2] =	sbarrier.arrive $0xFFFF  }
0x8d: {  	[sflag:s0] =	ssyncadd.tile.s32 @!p0 $0x1;
	_ =	shalt  }
.Lfunc_end2:
_tile_overlayer_lowered:
.L_overlay_start_2:
0x8e: {  	(tag) =	ssettag $0x2  }
0x8f: {  	s0 =	rddreg [dreg:$0x0];
	s2 =	stileid.u32  }
0x90: {  	s1 =	rddreg [dreg:$0x1];
	p0 =	sne.s32 s2, $0x0  }
0x91: {  	s3 =	rddreg [dreg:$0x2];
	[bflag:$0x3] =	sbarrier.arrive $0xFFFF;
	s2 =	simm.s32 @!p0 $0x1C03  }
0x92: {  	[timem:s3], [sflag:s2] =	dma.local @!p0 [hbm:s0], s1  }
0x93: {  	s0 =	simm.s32 @!p0 $0x3  }
0x94: {  	_ =	swait.ge @!p0 [sflag:s0], s1  }
0x95: {  	s1 =	ssub.s32 @!p0 $0x0, s1;
	[sflag:s0] =	ssyncset.done @!p0 $0x0  }
0x96: {  	[sflag:s0] =	ssyncadd.s32 @!p0 s1  }
0x97: {  	[bflag:$0x3] =	sbarrier.arrive $0xFFFF  }
0x98: {  	_ =	shalt  }

// kernel: kernel.9.cloned.1.call-start
scs
__scs_entry_jumppad:
0x0: {  	(pc) =	sbr.rel $0x88, $3  }
0x1: {  	(tag) =	ssettag $0x0;
	lr =	simm.s32 $0x1  }
0x2: {  	[smem:$0x3F99] =	sst lr;
	_ =	strace $0xD0000000  }
0x3: {  	_ = 	snop  }
0x4: {  	_ = 	snop  }
0x5: {  	_ = 	snop  }
0x6: {  	_ = 	snop  }
0x7: {  	_ = 	snop  }
__scs_overlays_trampoline_lowered:
0x8: {  	[smem:$0x3FA8] =	sst s0  }
0x9: {  	[smem:$0x3FA9] =	sst s1  }
0xa: {  	[smem:$0x3FAA] =	sst s2  }
0xb: {  	[smem:$0x3FAB] =	sst s3  }
0xc: {  	[smem:$0x3FAC] =	sst s4  }
0xd: {  	[smem:$0x3FAD] =	sst s5  }
0xe: {  	[smem:$0x3FAE] =	sst s6  }
0xf: {  	[smem:$0x3FAF] =	sst s7  }
0x10: {  	[smem:$0x3FB0] =	sst s8  }
0x11: {  	[smem:$0x3FB1] =	sst s9;
	s0 =	simm.s32 @!p0 $0x0  }
0x12: {  	s1 =	sld [smem:$0x3F97];
	s0 =	simm.s32 @p0 $0x1  }
0x13: {  	[smem:$0x3FB2] =	sst s0;
	s0 =	simm.s32 @!p1 $0x0  }
0x14: {  	s2 =	sld [smem:$0x3F96];
	s0 =	simm.s32 @p1 $0x1  }
0x15: {  	[smem:$0x3FB3] =	sst s0;
	s0 =	simm.s32 @!p2 $0x0  }
0x16: {  	s3 =	sld [smem:$0x3FDB];
	s0 =	simm.s32 @p2 $0x1  }
0x17: {  	s4 =	simm.s32 $0x1BF5;
	[smem:$0x3FB5] =	sst s0  }
0x18: {  	s0 =	sld [smem:$0x3F98];
	_ =	swait.ge [sflag:s4], $0x0  }
0x19: {  	s7 =	sld [smem:$0x3F99]  }
0x1a: {  	s8 =	sadd.s32 $0xFFFFE003, lr  }
0x1b: {  	s9 =	sadd.s32 $0xFFFFFEF7, lr;
	s5 =	simm.s32 $0xFFFFFFFF;
	p2 =	slt.u32 s8, $0xFFFFF086  }
0x1c: {  	p1 =	slt.u32 s9, $0xF7A;
	s5 =	simm.s32 @!p2 $0x0  }
0x1d: {  	s5 =	simm.s32 @p1 $0x1;
	p0 =	seq.s32 s7, s2  }
0x1e: {  	s7 =	smul.u32 @!p0 $0xF7A, s2;
	p2 =	seq.s32 @!p0 s5, $0x0  }
0x1f: {  	s9 =	smul.u32 $0xF7A, s1;
	s8 =	simm.s32 @!p0 $0x1BF5;
	p2 =	por !p2, p0  }
0x20: {  	[sflag:s8] =	ssyncset.s32 @!p0 $0xFFFFF086;
	s6 =	sadd.s32 @!p0 s3, s7;
	s7 =	simm.s32 @!p0 $0x108  }
0x21: {  	s3 =	sadd.s32 s3, s9;
	s6 =	sadd.s32 @!p0 $0x88, s6;
	s7 =	simm.s32 @p2 $0x1082  }
0x22: {  	[simem:s7], [sflag:s8] =	dma.local @!p0 [hbm:s6], $0xF7A  }
0x23: {  	s9 =	sor.u32 $0xD0000000, s2;
	s6 =	simm.s32 $0x108;
	_ =	swait.ge @!p0 [sflag:s8], $0x0  }
0x24: {  	s3 =	sadd.s32 $0x88, s3;
	s6 =	simm.s32 @!p1 $0x1082;
	[sflag:s4] =	ssyncset.s32 $0xFFFFF086  }
0x25: {  	[simem:s6], [sflag:s4] =	dma.local [hbm:s3], $0xF7A  }
0x26: {  	[smem:$0x3F99] =	sst s1;
	(tag) =	ssettag s2;
	_ =	strace s9  }
0x27: {  	s1 =	sld [smem:$0x3FA9]  }
0x28: {  	s2 =	sld [smem:$0x3FAA]  }
0x29: {  	s4 =	sld [smem:$0x3FAC]  }
0x2a: {  	p0 =	seq.s32 s5, $0x0;
	s5 =	sld [smem:$0x3FAD]  }
0x2b: {  	s6 =	sld [smem:$0x3FAE]  }
0x2c: {  	s7 =	sld [smem:$0x3FAF]  }
0x2d: {  	s3 =	simm.s32 $0x108;
	s8 =	sld [smem:$0x3FB0]  }
0x2e: {  	s3 =	simm.s32 @!p0 $0x1082;
	s9 =	sld [smem:$0x3FB1]  }
0x2f: {  	lr =	sadd.s32 s0, s3;
	s0 =	sld [smem:$0x3FA8]  }
0x30: {  	s3 =	sld [smem:$0x3FAB]  }
0x31: {  	[smem:$0x3FB4] =	sst s10  }
0x32: {  	s10 =	sld [smem:$0x3FB2];
	_ =	sdelay $0x3  }
0x33: {  	p0 =	seq.s32 s10, $0x1;
	s10 =	sld [smem:$0x3FB4];
	_ =	sdelay $0x3  }
0x34: {  	[smem:$0x3FB4] =	sst s10  }
0x35: {  	s10 =	sld [smem:$0x3FB3];
	_ =	sdelay $0x3  }
0x36: {  	p1 =	seq.s32 s10, $0x1;
	s10 =	sld [smem:$0x3FB4];
	_ =	sdelay $0x3  }
0x37: {  	[smem:$0x3FB4] =	sst s10  }
0x38: {  	s10 =	sld [smem:$0x3FB5]  }
0x39: {  	_ = 	snop;
	(pc) =	sbr.ind lr, $3  }
0x3a: {  	_ = 	snop  }
0x3b: {  	_ = 	snop  }
0x3c: {  	p2 =	seq.s32 s10, $0x1;
	s10 =	sld [smem:$0x3FB4]  }
0x3d: {  	_ =	shalt  }
0x3e: {  	_ =	shalt  }
0x3f: {  	_ =	shalt  }
0x40: {  	_ =	shalt  }
0x41: {  	_ =	shalt  }
0x42: {  	_ =	shalt  }
0x43: {  	_ =	shalt  }
0x44: {  	_ =	shalt  }
0x45: {  	_ =	shalt  }
0x46: {  	_ =	shalt  }
0x47: {  	_ =	shalt  }
0x48: {  	_ =	shalt  }
0x49: {  	_ =	shalt  }
0x4a: {  	_ =	shalt  }
0x4b: {  	_ =	shalt  }
0x4c: {  	_ =	shalt  }
0x4d: {  	_ =	shalt  }
0x4e: {  	_ =	shalt  }
0x4f: {  	_ =	shalt  }
0x50: {  	_ =	shalt  }
0x51: {  	_ =	shalt  }
0x52: {  	_ =	shalt  }
0x53: {  	_ =	shalt  }
0x54: {  	_ =	shalt  }
0x55: {  	_ =	shalt  }
0x56: {  	_ =	shalt  }
0x57: {  	_ =	shalt  }
0x58: {  	_ =	shalt  }
0x59: {  	_ =	shalt  }
0x5a: {  	_ =	shalt  }
0x5b: {  	_ =	shalt  }
0x5c: {  	_ =	shalt  }
0x5d: {  	_ =	shalt  }
0x5e: {  	_ =	shalt  }
0x5f: {  	_ =	shalt  }
0x60: {  	_ =	shalt  }
0x61: {  	_ =	shalt  }
0x62: {  	_ =	shalt  }
0x63: {  	_ =	shalt  }
0x64: {  	_ =	shalt  }
0x65: {  	_ =	shalt  }
0x66: {  	_ =	shalt  }
0x67: {  	_ =	shalt  }
0x68: {  	_ =	shalt  }
0x69: {  	_ =	shalt  }
0x6a: {  	_ =	shalt  }
0x6b: {  	_ =	shalt  }
0x6c: {  	_ =	shalt  }
0x6d: {  	_ =	shalt  }
0x6e: {  	_ =	shalt  }
0x6f: {  	_ =	shalt  }
0x70: {  	_ =	shalt  }
0x71: {  	_ =	shalt  }
0x72: {  	_ =	shalt  }
0x73: {  	_ =	shalt  }
0x74: {  	_ =	shalt  }
0x75: {  	_ =	shalt  }
0x76: {  	_ =	shalt  }
0x77: {  	_ =	shalt  }
0x78: {  	_ =	shalt  }
0x79: {  	_ =	shalt  }
0x7a: {  	_ =	shalt  }
0x7b: {  	_ =	shalt  }
0x7c: {  	_ =	shalt  }
0x7d: {  	_ =	shalt  }
0x7e: {  	_ =	shalt  }
0x7f: {  	_ =	shalt  }
0x80: {  	_ =	shalt  }
0x81: {  	_ =	shalt  }
0x82: {  	_ =	shalt  }
0x83: {  	_ =	shalt  }
0x84: {  	_ =	shalt  }
0x85: {  	_ =	shalt  }
0x86: {  	_ =	shalt  }
0x87: {  	_ =	shalt  }
.Lfunc_end0:
.L_simem_size_0:
called_computation_lowered:
.L_overlay_start_0:
0x88: {  	s2 =	sld [smem:$0x3FD9]  }
0x89: {  	s3 =	sld [smem:$0x3FFE];
	_ =	sdelay $0x1  }
0x8a: {  	s1 =	srdreg.scid  }
0x8b: {  	s0 =	sand.u32 $0x1, s1  }
0x8c: {  	s17 =	sshll.u32 s0, $0xA;
	s2 =	sadd.s32 s3, s2  }
0x8d: {  	s2 =	sadd.s32 s2, s17  }
0x8e: {  	[smem:$0x3FC0] =	sst s2  }
0x8f: {  	_ = 	snop  }
0x90: {  	(tm) =	ssettm $0x1  }
0x91: {  	s18 =	sld [smem:$0x3FFB];
	_ =	sdelay $0x3  }
0x92: {  	_ =	strace s18  }
0x93: {  	s2 =	sld [smem:$0x3FFC];
	_ =	sdelay $0x3  }
0x94: {  	_ =	strace s2  }
0x95: {  	s2 =	sld [smem:$0x3FFD];
	_ =	sdelay $0x3  }
0x96: {  	_ =	strace s2  }
0x97: {  	_ =	strace $0x8FFFFFFF  }
0x98: {  	s19 =	sld [smem:$0x3FDB];
	_ =	sdelay $0x1  }
0x99: {  	s20 =	simm.s32 $_scs_section_size  }
0x9a: {  	s4 =	simm.s32 $_size__tile_overlayer_lowered;
	s5 =	simm.s32 $_tile_overlayer_lowered  }
0x9b: {  	s6 =	simm.s32 $0x1BFF;
	s21 =	sshll.u32 s5, $0x1;
	s3 =	sadd.s32 s20, s19  }
0x9c: {  	s22 =	simm.s32 $0x0;
	s4 =	sshll.u32 s4, $0x1;
	s5 =	sadd.s32 s21, s3  }
0x9d: {  	[timem:s22], [sflag:s6] =	dma.local [hbm:s5], s4  }
0x9e: {  	_ =	swait.ge [sflag:s6], s4  }
0x9f: {  	s4 =	ssub.s32 $0x0, s4;
	[sflag:s6] =	ssyncset.done $0x0  }
0xa0: {  	[sflag:s6] =	ssyncadd.s32 s4;
	_ =	sdelay $0x1  }
0xa1: {  	s23 =	simm.s32 $0x1B8B  }
0xa2: {  	_ =	swait.ge [sflag:s23], $0x1  }
0xa3: {  	[sflag:s23] =	ssyncset.done $0x0  }
0xa4: {  	[sflag:s23] =	ssyncadd.s32 $0xFFFFFFFF  }
0xa5: {  	s4 =	sld [smem:$0x0]  }
0xa6: {  	s5 =	sand.u32 $0xFFFFFFFE, s1  }
0xa7: {  	p0 =	sne.s32 s1, s5  }
0xa8: {  	s5 =	sshll.u32 @p0 s5, $0xE  }
0xa9: {  	s5 =	sadd.s32 @p0 $0x11B8D, s5;
	s6 =	sshll.u32 @p0 s4, $0x11  }
0xaa: {  	s5 =	sor.u32 @p0 s6, s5  }
0xab: {  	[sflag:s5] =	ssyncadd.remote.s32 @p0 $0x1;
	_ =	sdelay $0x1  }
0xac: {  	s5 =	simm.s32 @p0 $0x1B8D  }
0xad: {  	_ =	swait.eq @p0 [sflag:s5], $0x1  }
0xae: {  	[sflag:s5] =	ssyncadd.s32 @p0 $0xFFFFFFFF  }
0xaf: {  	s6 =	sshll.u32 @!p0 s1, $0xE  }
0xb0: {  	s6 =	sor.u32 @!p0 $0x4000, s6;
	s5 =	simm.s32 @!p0 $0x1B8D  }
0xb1: {  	s4 =	sshll.u32 @!p0 s4, $0x11;
	s6 =	sadd.s32 @!p0 $0x11B8D, s6;
	_ =	swait.eq @!p0 [sflag:s5], $0x1  }
0xb2: {  	s4 =	sor.u32 @!p0 s4, s6;
	[sflag:s5] =	ssyncadd.s32 @!p0 $0xFFFFFFFF  }
0xb3: {  	s25 =	simm.s32 $0x1B8E;
	s24 =	sld [smem:$0x3FFE];
	[sflag:s4] =	ssyncadd.remote.s32 @!p0 $0x1  }
0xb4: {  	s26 =	simm.s32 $execute0_lowered;
	[smem:$0x3FD2] =	sst s25  }
0xb5: {  	s5 =	sshll.u32 s26, $0x1;
	_ =	strace $0x80000049;
	[dreg:$0x1] =	wrdreg $0xFFFFFFFF  }
0xb6: {  	s28 =	simm.s32 $_size_execute0_lowered;
	s3 =	sadd.s32 s3, s5;
	[dreg:$0x0] =	wrdreg $0x0  }
0xb7: {  	s5 =	sshll.u32 s28, $0x1;
	[dreg:$0x2] =	wrdreg s3  }
0xb8: {  	[dreg:$0x3] =	wrdreg s5  }
0xb9: {  	[dreg:$0x4] =	wrdreg $0xC0  }
0xba: {  	_ =	task [dreg:s22], $0x5FFFF  }
0xbb: {  	[dreg:$0x1] =	wrdreg $0xFFFFFFFF  }
0xbc: {  	[dreg:$0x0] =	wrdreg $0x60  }
0xbd: {  	[dreg:$0x2] =	wrdreg s24  }
0xbe: {  	[dreg:$0x3] =	wrdreg $0x9  }
0xbf: {  	_ =	task.clear_ibuf [dreg:s22], $0x4FFFF;
	_ =	strace $0x90000049  }
0xc0: {  	s29 =	simm.s32 $0x9;
	_ =	strace $0x8000004B  }
0xc1: {  	_ =	swait.ge [sflag:s29], $0x1  }
0xc2: {  	[sflag:s29] =	ssyncadd.s32 $0xFFFFFFFF  }
0xc3: {  	_ =	strace $0x9000004B  }
0xc4: {  	_ =	sfence  }
0xc5: {  	s30 =	sld [smem:$0x0];
	_ =	sdelay $0x2  }
0xc6: {  	s31 =	sshll.u32 s1, $0xD;
	s1 =	sshrl.u32 s1, $0x2  }
0xc7: {  	s4 =	sand.u32 $0x4000, s31;
	s1 =	sadd.s32 s1, s30  }
0xc8: {  	s0 =	sor.u32 s4, s0;
	s1 =	sshll.u32 s1, $0x11  }
0xc9: {  	s0 =	sor.u32 s1, s0  }
0xca: {  	s0 =	sadd.s32 $0x8F2B, s0  }
0xcb: {  	[sflag:s0] =	ssyncadd.remote.s32 $0x1  }
0xcc: {  	_ =	sfence.sel $0xFFFF  }
0xcd: {  	[dreg:$0x0] =	wrdreg $0xFFFFFFFF;
	(pc) =	sbr.abs _section_cstart, $3  }
0xce: {  	[dreg:$0x1] =	wrdreg $0xFFFFFFFF  }
0xcf: {  	_ =	task.clear_ibuf [dreg:s22], $0x2FFFF;
	_ =	strace $0x9FFFFFFF  }
0xd0: {  	(tm) =	ssettm $0x7FFFFFFF  }
0xd1: {  	_ =	shalt  }
tec
execute0_lowered:
.L_overlay_start_1:
0x0: {  	(tag) =	ssettag $0x1  }
0x1: {  	s4 =	rddreg [dreg:$0x0]  }
0x2: {  	s0 =	rddreg [dreg:$0x1]  }
0x3: {  	s2 =	simm.s32 $0x0;
	s3 =	srdreg.scid;
	s1 =	stileid.u32  }
0x4: {  	s15 =	simm.s32 $0x4100;
	s16 =	simm.s32 $0x1;
	s17 =	simm.s32 $0x2  }
0x5: {  	[smem:$0x7FF] =	sst s2;
	s8 =	sand.u32 $0x1, s3;
	s9 =	sadd.s32 $0xDE00, s4  }
0x6: {  	s6 =	sshll.u32 s1, $0x1;
	s3 =	sadd.s32 $0xC5000, s4;
	s10 =	sadd.s32 $0x7A2E00, s4  }
0x7: {  	s30 =	sshll.u32 s1, $0x5;
	s31 =	sshll.u32 s1, $0xC;
	_ =	strace $0x8000004A  }
0x8: {  	s5 =	ssub.s32 $0x2, s8;
	s6 =	sor.u32 s8, s6;
	s13 =	sshll.u32 s8, $0x4  }
0x9: {  	s14 =	sshll.u32 s8, $0xB;
	s7 =	sshrl.u32 s5, $0x1;
	s28 =	sshll.u32 s6, $0x4  }
0xa: {  	s18 =	sor.u32 $0xC20, s6;
	s6 =	sshll.u32 s6, $0xB;
	s5 =	ssub.s32 s5, s7  }
0xb: {  	s4 =	sadd.s32 s9, s28;
	s29 =	sshll.u32 s18, $0x4;
	s11 =	sadd.s32 s6, s10  }
0xc: {  	s12 =	sshll.u32 s18, $0xB;
	p0 =	sgt.u32 s18, $0xC34;
	s18 =	simm.s32 $0x0  }
0xd: {  	s5 =	smax.u32 s5, $0x1;
	s6 =	sadd.s32 s9, s29;
	s7 =	sadd.s32 $0x600000, s11  }
0xe: {  	s9 =	sadd.s32 s30, s9;
	s11 =	sadd.s32 s31, s10;
	s8 =	sadd.s32 s10, s12  }
0xf: {  	s12 =	simm.s32 $0x80;
	s9 =	sadd.s32 s13, s9;
	s10 =	sadd.s32 s14, s11  }
0x10: {  	s11 =	simm.s32 $0x3;
	s13 =	simm.s32 $0x100;
	s14 =	simm.s32 $0x4  }
.LBB2_1:
0x11: {  	[tilespmem:s2], [sflag:$0x3] =	stream.linear.gather [hbm4b:s4+s2], $0x80, $0x38;
	[tilespmem:$0x8100] =	vst v63  }
0x12: {  	_ =	swait.ge [sflag:s11], $0x80  }
0x13: {  	[sflag:s11] =	ssyncset.done $0x0  }
0x14: {  	s19 =	sadd.s32 $0x0, s9;
	[sflag:s11] =	ssyncadd.s32 $0xFFFFFF80  }
0x15: {  	[tilespmem:s13], [sflag:$0x1] =	stream.indirect.gather [hbm4b:s3+s12], $0x80, s2, s12, $0xb8;
	[tilespmem:$0x8100] =	vst v63  }
0x16: {  	s20 =	sadd.s32 $0x200, s19  }
0x17: {  	[tilespmem:s12], [sflag:$0x4] =	stream.linear.gather [hbm4b:s20+s2], $0x80, $0x38;
	[tilespmem:$0x8100] =	vst v63  }
0x18: {  	_ =	swait.ge [sflag:s14], $0x80  }
0x19: {  	[sflag:s14] =	ssyncset.done $0x0  }
0x1a: {  	[sflag:s14] =	ssyncadd.s32 $0xFFFFFF80  }
0x1b: {  	[tilespmem:s15], [sflag:$0x2] =	stream.indirect.gather [hbm4b:s3+s12], $0x80, s12, s12, $0xb8;
	[tilespmem:$0x8100] =	vst v63  }
0x1c: {  	_ =	swait.ge [sflag:s16], $0x4000  }
0x1d: {  	[sflag:s16] =	ssyncset.done $0x0  }
0x1e: {  	[sflag:s16] =	ssyncadd.s32 $0xFFFFC000  }
0x1f: {  	[hbm4b:s10+s2] =	stream.linear.scatter [tilespmem:s13], [sflag:$0x4], $0x4000, $0x38;
	[tilespmem:$0x8100] =	vst v63  }
0x20: {  	_ =	swait.ge [sflag:s14], $0x4000  }
0x21: {  	[sflag:s14] =	ssyncset.done $0x0  }
0x22: {  	s19 =	sadd.s32 $0x400, s19;
	[sflag:s14] =	ssyncadd.s32 $0xFFFFC000  }
0x23: {  	[tilespmem:s2], [sflag:$0x4] =	stream.linear.gather [hbm4b:s19+s2], $0x80, $0x38;
	[tilespmem:$0x8100] =	vst v63  }
0x24: {  	_ =	swait.ge [sflag:s14], $0x80  }
0x25: {  	[sflag:s14] =	ssyncset.done $0x0  }
0x26: {  	[sflag:s14] =	ssyncadd.s32 $0xFFFFFF80  }
0x27: {  	[tilespmem:s13], [sflag:$0x1] =	stream.indirect.gather [hbm4b:s3+s12], $0x80, s2, s12, $0xb8;
	[tilespmem:$0x8100] =	vst v63  }
0x28: {  	_ =	swait.ge [sflag:s17], $0x4000  }
0x29: {  	[sflag:s17] =	ssyncset.done $0x0  }
0x2a: {  	s31 =	sadd.s32 $0x10000, s10;
	[sflag:s17] =	ssyncadd.s32 $0xFFFFC000  }
0x2b: {  	[hbm4b:s31+s2] =	stream.linear.scatter [tilespmem:s15], [sflag:$0x3], $0x4000, $0x38;
	[tilespmem:$0x8100] =	vst v63  }
0x2c: {  	s21 =	simm.s32 $0x800;
	_ =	swait.ge [sflag:s11], $0x4000  }
0x2d: {  	s20 =	sadd.s32 $0x400, s9;
	s19 =	sadd.s32 $0x20000, s10;
	[sflag:s11] =	ssyncset.done $0x0  }
.LBB2_2:
0x2e: {  	s22 =	sadd.s32 $0x200, s20  }
0x2f: {  	[sflag:s11] =	ssyncadd.s32 $0xFFFFC000;
	s23 =	smov.u32 s21;
	s24 =	sadd.s32 $0x400, s21  }
0x30: {  	[tilespmem:s12], [sflag:$0x4] =	stream.linear.gather [hbm4b:s22+s2], $0x80, $0x38;
	[tilespmem:$0x8100] =	vst v63  }
0x31: {  	p1 =	sne.s32 s21, $0xBC00;
	_ =	swait.ge [sflag:s14], $0x80  }
0x32: {  	[sflag:s14] =	ssyncset.done $0x0  }
0x33: {  	[sflag:s14] =	ssyncadd.s32 $0xFFFFFF80  }
0x34: {  	[tilespmem:s15], [sflag:$0x2] =	stream.indirect.gather [hbm4b:s3+s12], $0x80, s12, s12, $0xb8;
	[tilespmem:$0x8100] =	vst v63  }
0x35: {  	_ =	swait.ge [sflag:s16], $0x4000  }
0x36: {  	[sflag:s16] =	ssyncset.done $0x0  }
0x37: {  	[sflag:s16] =	ssyncadd.s32 $0xFFFFC000  }
0x38: {  	[hbm4b:s19+s2] =	stream.linear.scatter [tilespmem:s13], [sflag:$0x4], $0x4000, $0x38;
	[tilespmem:$0x8100] =	vst v63  }
0x39: {  	_ =	swait.ge [sflag:s14], $0x4000  }
0x3a: {  	[sflag:s14] =	ssyncset.done $0x0  }
0x3b: {  	s20 =	sadd.s32 $0x400, s20;
	[sflag:s14] =	ssyncadd.s32 $0xFFFFC000  }
0x3c: {  	[tilespmem:s2], [sflag:$0x4] =	stream.linear.gather [hbm4b:s20+s2], $0x80, $0x38;
	[tilespmem:$0x8100] =	vst v63  }
0x3d: {  	_ =	swait.ge [sflag:s14], $0x80  }
0x3e: {  	[sflag:s14] =	ssyncset.done $0x0  }
0x3f: {  	[sflag:s14] =	ssyncadd.s32 $0xFFFFFF80  }
0x40: {  	[tilespmem:s13], [sflag:$0x1] =	stream.indirect.gather [hbm4b:s3+s12], $0x80, s2, s12, $0xb8;
	[tilespmem:$0x8100] =	vst v63  }
0x41: {  	_ =	swait.ge [sflag:s17], $0x4000  }
.Ltmp0:
0x42: {  	[sflag:s17] =	ssyncset.done $0x0;
	(pc) =	sbr.rel @p1 .LBB2_2-.Ltmp0, $4  }
0x43: {  	s20 =	sadd.s32 $0x10000, s19;
	[sflag:s17] =	ssyncadd.s32 $0xFFFFC000  }
0x44: {  	[hbm4b:s20+s2] =	stream.linear.scatter [tilespmem:s15], [sflag:$0x3], $0x4000, $0x38;
	[tilespmem:$0x8100] =	vst v63  }
0x45: {  	s21 =	smov.u32 s24;
	_ =	swait.ge [sflag:s11], $0x4000  }
0x46: {  	s19 =	sadd.s32 $0x20000, s19;
	s20 =	sadd.s32 s23, s9;
	[sflag:s11] =	ssyncset.done $0x0  }
0x47: {  	s21 =	sadd.s32 $0x200, s20;
	[sflag:s11] =	ssyncadd.s32 $0xFFFFC000  }
0x48: {  	[tilespmem:s12], [sflag:$0x4] =	stream.linear.gather [hbm4b:s21+s2], $0x80, $0x38;
	[tilespmem:$0x8100] =	vst v63  }
0x49: {  	_ =	swait.ge [sflag:s14], $0x80  }
0x4a: {  	[sflag:s14] =	ssyncset.done $0x0  }
0x4b: {  	[sflag:s14] =	ssyncadd.s32 $0xFFFFFF80  }
0x4c: {  	[tilespmem:s15], [sflag:$0x2] =	stream.indirect.gather [hbm4b:s3+s12], $0x80, s12, s12, $0xb8;
	[tilespmem:$0x8100] =	vst v63  }
0x4d: {  	_ =	swait.ge [sflag:s16], $0x4000  }
0x4e: {  	[sflag:s16] =	ssyncset.done $0x0  }
0x4f: {  	[sflag:s16] =	ssyncadd.s32 $0xFFFFC000  }
0x50: {  	[hbm4b:s19+s2] =	stream.linear.scatter [tilespmem:s13], [sflag:$0x4], $0x4000, $0x38;
	[tilespmem:$0x8100] =	vst v63  }
0x51: {  	_ =	swait.ge [sflag:s14], $0x4000  }
0x52: {  	[sflag:s14] =	ssyncset.done $0x0  }
0x53: {  	s30 =	sadd.s32 $0x400, s20;
	[sflag:s14] =	ssyncadd.s32 $0xFFFFC000  }
0x54: {  	[tilespmem:s2], [sflag:$0x4] =	stream.linear.gather [hbm4b:s30+s2], $0x80, $0x38;
	[tilespmem:$0x8100] =	vst v63  }
0x55: {  	_ =	swait.ge [sflag:s14], $0x80  }
0x56: {  	[sflag:s14] =	ssyncset.done $0x0  }
0x57: {  	[sflag:s14] =	ssyncadd.s32 $0xFFFFFF80  }
0x58: {  	[tilespmem:s13], [sflag:$0x1] =	stream.indirect.gather [hbm4b:s3+s12], $0x80, s2, s12, $0xb8;
	[tilespmem:$0x8100] =	vst v63  }
0x59: {  	_ =	swait.ge [sflag:s17], $0x4000  }
0x5a: {  	[sflag:s17] =	ssyncset.done $0x0  }
0x5b: {  	s31 =	sadd.s32 $0x10000, s19;
	[sflag:s17] =	ssyncadd.s32 $0xFFFFC000  }
0x5c: {  	[hbm4b:s31+s2] =	stream.linear.scatter [tilespmem:s15], [sflag:$0x3], $0x4000, $0x38;
	[tilespmem:$0x8100] =	vst v63  }
0x5d: {  	_ =	swait.ge [sflag:s11], $0x4000  }
0x5e: {  	s20 =	simm.s32 @!p0 $0x80;
	[sflag:s11] =	ssyncset.done $0x0  }
0x5f: {  	s21 =	simm.s32 @!p0 $0x4;
	s19 =	simm.s32 @!p0 $0x0;
	[sflag:s11] =	ssyncadd.s32 $0xFFFFC000  }
0x60: {  	[tilespmem:s20], [sflag:$0x4] =	stream.linear.gather @!p0 [hbm4b:s6+s19], $0x80, $0x38;
	[tilespmem:$0x8100] =	vst v63  }
0x61: {  	_ =	swait.ge @!p0 [sflag:s21], $0x80  }
0x62: {  	[sflag:s21] =	ssyncset.done @!p0 $0x0  }
0x63: {  	[sflag:s21] =	ssyncadd.s32 @!p0 $0xFFFFFF80;
	s21 =	simm.s32 @!p0 $0x4100  }
0x64: {  	[tilespmem:s21], [sflag:$0x2] =	stream.indirect.gather @!p0 [hbm4b:s3+s20], $0x80, s20, s20, $0xb8;
	[tilespmem:$0x8100] =	vst v63  }
0x65: {  	_ =	swait.ge [sflag:s16], $0x4000  }
0x66: {  	[sflag:s16] =	ssyncset.done $0x0  }
0x67: {  	[sflag:s16] =	ssyncadd.s32 $0xFFFFC000  }
0x68: {  	[hbm4b:s7+s2] =	stream.linear.scatter [tilespmem:s13], [sflag:$0x4], $0x4000, $0x38;
	[tilespmem:$0x8100] =	vst v63  }
0x69: {  	_ =	swait.ge [sflag:s14], $0x4000  }
0x6a: {  	[sflag:s14] =	ssyncset.done $0x0  }
0x6b: {  	s20 =	simm.s32 @!p0 $0x2;
	[sflag:s14] =	ssyncadd.s32 $0xFFFFC000  }
0x6c: {  	_ =	swait.ge @!p0 [sflag:s20], $0x4000  }
0x6d: {  	s18 =	sadd.s32 $0x1, s18;
	[sflag:s20] =	ssyncset.done @!p0 $0x0  }
0x6e: {  	p1 =	sne.s32 s18, s5;
	[sflag:s20] =	ssyncadd.s32 @!p0 $0xFFFFC000  }
0x6f: {  	[hbm4b:s8+s19] =	stream.linear.scatter @!p0 [tilespmem:s21], [sflag:$0x3], $0x4000, $0x38;
	[tilespmem:$0x8100] =	vst v63  }
.Ltmp1:
0x70: {  	_ = 	snop;
	(pc) =	sbr.rel @p1 .LBB2_1-.Ltmp1, $4  }
0x71: {  	s19 =	simm.s32 @!p0 $0x3  }
0x72: {  	_ =	swait.ge @!p0 [sflag:s19], $0x4000  }
0x73: {  	[sflag:s19] =	ssyncset.done @!p0 $0x0  }
0x74: {  	[sflag:s19] =	ssyncadd.s32 @!p0 $0xFFFFC000  }
0x75: {  	_ =	sfence.sel $0x180000  }
0x76: {  	[bflag:$0x0] =	sbarrier.arrive $0xFFFF  }
0x77: {  	p0 =	sne.s32 s1, $0x0;
	_ =	strace $0x9000004A  }
0x78: {  	s0 =	sadd.s32 @!p0 $0x100000, s0;
	[bflag:$0x2] =	sbarrier.arrive $0xFFFF  }
0x79: {  	[sflag:s0] =	ssyncadd.tile.s32 @!p0 $0x1;
	_ =	shalt  }
.Lfunc_end2:
_tile_overlayer_lowered:
.L_overlay_start_2:
0x7a: {  	(tag) =	ssettag $0x2  }
0x7b: {  	s0 =	rddreg [dreg:$0x0];
	s2 =	stileid.u32  }
0x7c: {  	s1 =	rddreg [dreg:$0x1];
	p0 =	sne.s32 s2, $0x0  }
0x7d: {  	s3 =	rddreg [dreg:$0x2];
	[bflag:$0x3] =	sbarrier.arrive $0xFFFF;
	s2 =	simm.s32 @!p0 $0x1C03  }
0x7e: {  	[timem:s3], [sflag:s2] =	dma.local @!p0 [hbm:s0], s1  }
0x7f: {  	s0 =	simm.s32 @!p0 $0x3  }
0x80: {  	_ =	swait.ge @!p0 [sflag:s0], s1  }
0x81: {  	s1 =	ssub.s32 @!p0 $0x0, s1;
	[sflag:s0] =	ssyncset.done @!p0 $0x0  }
0x82: {  	[sflag:s0] =	ssyncadd.s32 @!p0 s1  }
0x83: {  	[bflag:$0x3] =	sbarrier.arrive $0xFFFF  }
0x84: {  	_ =	shalt  }

</sc_bundles>
